<compile_context>
chip_gen: v7x
topology: tpu7x:2x2x1
jax: 0.10.2.dev20260603
libtpu: 0.0.44.dev20260713+nightly
codegen_flags: <defaults>
</compile_context>

<pallas_src>
import functools

import jax
import jax.numpy as jnp
from jax import lax
from jax.experimental import pallas as pl
from jax.experimental.pallas import tpu as pltpu
from jax.experimental.pallas import tpu_sc as plsc

_N = 10000
_E = 320000
_D = 128
_H = 128
_C = 64

_NC = 2
_NS = 16
_NW = _NC * _NS
_K = 80
_DEGW = 16

_NPAD = 10240
_PER_TILE = _E // _NW
_STEPS = _PER_TILE // _K
_ROWS_PER_TILE = _NPAD // _NS

_mesh = functools.partial(
    plsc.VectorSubcoreMesh, core_axis_name="c", subcore_axis_name="s",
    num_cores=_NC, num_subcores=_NS)


_DBUF = 4


@functools.cache
def _get_sc_degree():
  @functools.partial(
      pl.kernel,
      out_type=jax.ShapeDtypeStruct((_NC, _NPAD, _DEGW), jnp.float32),
      mesh=_mesh(),
      scratch_types=(
          [pltpu.VMEM((_K,), jnp.int32) for _ in range(_DBUF)]
          + [pltpu.VMEM((_K, _DEGW), jnp.float32)]
          + [pltpu.SemaphoreType.DMA for _ in range(_DBUF)]
          + [pltpu.VMEM_SHARED((_NPAD, _DEGW), jnp.float32)]
      ),
      compiler_params=pltpu.CompilerParams(use_tc_tiling_on_sc=False),
  )
  def _sc_degree(dst_hbm, ones_hbm, zeros_hbm, out_hbm, *scr):
    idx = scr[:_DBUF]
    ones_v = scr[_DBUF]
    ssem = scr[_DBUF + 1:2 * _DBUF + 1]
    acc = scr[2 * _DBUF + 1]
    cid = lax.axis_index("c")
    sid = lax.axis_index("s")
    r0 = sid * _ROWS_PER_TILE
    pltpu.sync_copy(zeros_hbm, acc.at[pl.ds(r0, _ROWS_PER_TILE)])
    pltpu.sync_copy(ones_hbm, ones_v)
    plsc.subcore_barrier()
    base = (cid * _NS + sid) * _PER_TILE

    def fire(b, c):
        pltpu.sync_copy(dst_hbm.at[pl.ds(base + c * _K, _K)], idx[b])
        pltpu.async_copy(ones_v, acc.at[idx[b]], add=True, sem=ssem[b])

    def drain(b):
        pltpu.make_async_copy(ones_v, acc.at[idx[b]], ssem[b]).wait()

    for b in range(_DBUF):
        fire(b, b)

    def quad(j, carry):
        for b in range(_DBUF):
            drain(b)
            fire(b, _DBUF * j + _DBUF + b)
        return carry

    lax.fori_loop(0, (_STEPS - 1 - _DBUF) // _DBUF, quad, 0)
    drain(0)
    fire(0, _STEPS - 1)
    for b in range(_DBUF):
        drain(b)
    plsc.subcore_barrier()
    pltpu.sync_copy(acc.at[pl.ds(r0, _ROWS_PER_TILE)],
                    out_hbm.at[cid, pl.ds(r0, _ROWS_PER_TILE)])

  return _sc_degree


_NBUF = 4


@functools.cache
def _get_sc_aggregate():
  @functools.partial(
      pl.kernel,
      out_type=jax.ShapeDtypeStruct((_NC, _NPAD, _H), jnp.float32),
      mesh=_mesh(),
      scratch_types=(
          [pltpu.VMEM((2, _K), jnp.int32) for _ in range(_NBUF)]
          + [pltpu.VMEM((_K, _H), jnp.float32) for _ in range(_NBUF)]
          + [pltpu.SemaphoreType.DMA for _ in range(_NBUF)]
          + [pltpu.VMEM_SHARED((_NPAD, _H), jnp.float32)]
      ),
  )
  def _sc_aggregate(u_hbm, idx_hbm, zeros_hbm, out_hbm, *scr):
    idx = scr[:_NBUF]
    rows = scr[_NBUF:2 * _NBUF]
    gsem = scr[2 * _NBUF:3 * _NBUF]
    acc = scr[3 * _NBUF]
    cid = lax.axis_index("c")
    sid = lax.axis_index("s")
    wid = cid * _NS + sid
    r0 = sid * _ROWS_PER_TILE
    pltpu.sync_copy(zeros_hbm, acc.at[pl.ds(r0, _ROWS_PER_TILE)])
    plsc.subcore_barrier()

    def fire(b, c):
        pltpu.sync_copy(idx_hbm.at[wid, c], idx[b])
        pltpu.async_copy(u_hbm.at[idx[b].at[0]], rows[b], gsem[b])

    def wait_gather(b):
        pltpu.make_async_copy(u_hbm.at[idx[b].at[0]], rows[b], gsem[b]).wait()

    for b in range(_NBUF):
        fire(b, b)

    def quad(j, carry):
        for b in range(_NBUF):
            cpre = _NBUF * j + _NBUF + b
            c = jnp.where(cpre < _STEPS, cpre, 0)
            wait_gather(b)
            pltpu.sync_copy(rows[b], acc.at[idx[b].at[1]], add=True)
            fire(b, c)
        return carry

    lax.fori_loop(0, _STEPS // _NBUF, quad, 0)
    wait_gather(0)
    pltpu.sync_copy(rows[0], acc.at[idx[0].at[1]], add=True)
    for b in range(1, _NBUF):
        wait_gather(b)
    plsc.subcore_barrier()
    pltpu.sync_copy(acc.at[pl.ds(r0, _ROWS_PER_TILE)],
                    out_hbm.at[cid, pl.ds(r0, _ROWS_PER_TILE)])

  return _sc_aggregate


_BLK = 2000


def _dinv_block(dp_ref):
    deg = dp_ref[0, :, 0:1] + dp_ref[1, :, 0:1] + 1.0
    return lax.rsqrt(deg)


def _tc1_body(x_ref, w_ref, dp_ref, u_ref):
    dinv = _dinv_block(dp_ref)
    h = jnp.dot(x_ref[...], w_ref[...], preferred_element_type=jnp.float32)
    u_ref[...] = h * dinv


def _tc2_body(a_ref, u_ref, dp_ref, b_ref, w_ref, o_ref):
    dinv = _dinv_block(dp_ref)
    t = dinv * (a_ref[0] + a_ref[1] + u_ref[...]) + b_ref[...]
    h1 = jnp.maximum(t, 0.0)
    o_ref[...] = jnp.dot(
        h1, w_ref[...], preferred_element_type=jnp.float32) * dinv


def _tc3_body(a_ref, u_ref, dp_ref, b_ref, w_ref, bc_ref, o_ref):
    dinv = _dinv_block(dp_ref)
    h2 = dinv * (a_ref[0] + a_ref[1] + u_ref[...]) + b_ref[...]
    logits = jnp.dot(
        h2, w_ref[...], preferred_element_type=jnp.float32) + bc_ref[...]
    m = jnp.max(logits, axis=1, keepdims=True)
    s = logits - m
    lse = jnp.log(jnp.sum(jnp.exp(s), axis=1, keepdims=True))
    o_ref[...] = s - lse


def _row_spec(width):
    return pl.BlockSpec((_BLK, width), lambda i: (i, 0))


_dp_spec = pl.BlockSpec((_NC, _BLK, _DEGW), lambda i: (0, i, 0))


def _tc1(x, W1, deg_parts):
    return pl.pallas_call(
        _tc1_body,
        grid=(_N // _BLK,),
        in_specs=[
            _row_spec(_D),
            pl.BlockSpec((_D, _H), lambda i: (0, 0)),
            _dp_spec,
        ],
        out_specs=_row_spec(_H),
        out_shape=jax.ShapeDtypeStruct((_N, _H), jnp.float32),
    )(x, W1, deg_parts)


def _tc2(agg1, u1, deg_parts, b1, W2):
    return pl.pallas_call(
        _tc2_body,
        grid=(_N // _BLK,),
        in_specs=[
            pl.BlockSpec((_NC, _BLK, _H), lambda i: (0, i, 0)),
            _row_spec(_H),
            _dp_spec,
            pl.BlockSpec((1, _H), lambda i: (0, 0)),
            pl.BlockSpec((_H, _H), lambda i: (0, 0)),
        ],
        out_specs=_row_spec(_H),
        out_shape=jax.ShapeDtypeStruct((_N, _H), jnp.float32),
    )(agg1, u1, deg_parts, b1, W2)


def _tc3(agg2, u2, deg_parts, b2, Wc, bc):
    return pl.pallas_call(
        _tc3_body,
        grid=(_N // _BLK,),
        in_specs=[
            pl.BlockSpec((_NC, _BLK, _H), lambda i: (0, i, 0)),
            _row_spec(_H),
            _dp_spec,
            pl.BlockSpec((1, _H), lambda i: (0, 0)),
            pl.BlockSpec((_H, _C), lambda i: (0, 0)),
            pl.BlockSpec((1, _C), lambda i: (0, 0)),
        ],
        out_specs=_row_spec(_C),
        out_shape=jax.ShapeDtypeStruct((_N, _C), jnp.float32),
    )(agg2, u2, deg_parts, b2, Wc, bc)


def kernel(x, edge_index, W1, b1, W2, b2, Wc, bc):
    src = edge_index[0]
    dst = edge_index[1]
    idx_comb = edge_index.reshape(2, _NW, _STEPS, _K).transpose(1, 2, 0, 3)
    ones_k = jnp.ones((_K, _DEGW), jnp.float32)
    zeros_deg = jnp.zeros((_ROWS_PER_TILE, _DEGW), jnp.float32)
    zeros_rows = jnp.zeros((_ROWS_PER_TILE, _H), jnp.float32)

    deg_parts = _get_sc_degree()(dst, ones_k, zeros_deg)
    u1 = _tc1(x, W1, deg_parts)
    agg1 = _get_sc_aggregate()(u1, idx_comb, zeros_rows)
    u2 = _tc2(agg1, u1, deg_parts, b1.reshape(1, _H), W2)
    agg2 = _get_sc_aggregate()(u2, idx_comb, zeros_rows)
    return _tc3(agg2, u2, deg_parts, b2.reshape(1, _H), Wc, bc.reshape(1, _C))

# --- scband reference (transcript-rebuilt; emitter-appended) ---
"""Pipeline reference for scband-simple-gcn-16552803959387 (READ-ONLY COPY).

The authoritative reference and input builder live on the scoring server;
editing this copy changes nothing except your own understanding.
"""

import jax, jax.numpy as jnp
import numpy as np

N = 10000
E = 320000
D = 128
H = 128
C = 64


def setup_inputs(seed: int = 0) -> dict:
    key = jax.random.key(seed)
    ks = jax.random.split(key, 8)
    x = jax.random.normal(ks[0], (N, D), dtype=jnp.float32)
    edge_index = jax.random.randint(ks[1], (2, E), 0, N, dtype=jnp.int32)
    # GCNConv weights (glorot-ish scale), bias applied after aggregation as in PyG
    W1 = jax.random.normal(ks[2], (D, H), dtype=jnp.float32) * (1.0 / np.sqrt(D))
    b1 = jnp.zeros((H,), dtype=jnp.float32)
    W2 = jax.random.normal(ks[3], (H, H), dtype=jnp.float32) * (1.0 / np.sqrt(H))
    b2 = jnp.zeros((H,), dtype=jnp.float32)
    Wc = jax.random.normal(ks[4], (H, C), dtype=jnp.float32) * (1.0 / np.sqrt(H))
    bc = jnp.zeros((C,), dtype=jnp.float32)
    return {"x": x, "edge_index": edge_index, "W1": W1, "b1": b1, "W2": W2, "b2": b2, "Wc": Wc, "bc": bc}


def _gcn_conv(x, src, dst, W, b):
    # GCNConv: x' = D^{-1/2} (A + I) D^{-1/2} x W + b  (self-loops already in src/dst)
    h = x @ W
    deg = jnp.zeros((N,), dtype=x.dtype).at[dst].add(1.0)
    dinv = jnp.where(deg > 0, 1.0 / jnp.sqrt(deg), 0.0)
    norm = dinv[src] * dinv[dst]
    msg = h[src] * norm[:, None]
    out = jnp.zeros((N, h.shape[1]), dtype=x.dtype).at[dst].add(msg)
    return out + b


def reference(x, edge_index, W1, b1, W2, b2, Wc, bc):
    # add self-loops
    loop = jnp.arange(N, dtype=edge_index.dtype)
    src = jnp.concatenate([edge_index[0], loop])
    dst = jnp.concatenate([edge_index[1], loop])
    h = _gcn_conv(x, src, dst, W1, b1)
    h = jax.nn.relu(h)  # dropout is identity in eval mode
    h = _gcn_conv(h, src, dst, W2, b2)
    out = h @ Wc + bc
    return jax.nn.log_softmax(out, axis=1)

if __name__ == "__main__":
    import jax
    _d = setup_inputs()
    print(jax.jit(kernel)(*tuple(_d.values())))

</pallas_src>

<mosaic_0001>
#map = affine_map<(d0, d1) -> (0, 0)>
#map1 = affine_map<(d0, d1) -> (0, 0, 0, 0)>
#map2 = affine_map<(d0, d1) -> (0, 0, 0)>
module attributes {stable_mosaic.version = 14 : i64} {
  func.func @_sc_aggregate(%arg0: i32, %arg1: i32, %arg2: memref<10000x128xf32, #tpu.memory_space<hbm>>, %arg3: memref<32x125x2x80xi32, #tpu.memory_space<hbm>>, %arg4: memref<640x128xf32, #tpu.memory_space<hbm>>, %arg5: memref<2x10240x128xf32, #tpu.memory_space<hbm>>, %arg6: memref<2x80xi32, #tpu.memory_space<vmem>>, %arg7: memref<2x80xi32, #tpu.memory_space<vmem>>, %arg8: memref<2x80xi32, #tpu.memory_space<vmem>>, %arg9: memref<2x80xi32, #tpu.memory_space<vmem>>, %arg10: memref<80x128xf32, #tpu.memory_space<vmem>>, %arg11: memref<80x128xf32, #tpu.memory_space<vmem>>, %arg12: memref<80x128xf32, #tpu.memory_space<vmem>>, %arg13: memref<80x128xf32, #tpu.memory_space<vmem>>, %arg14: memref<!tpu.dma_semaphore, #tpu.memory_space<semaphore_mem>>, %arg15: memref<!tpu.dma_semaphore, #tpu.memory_space<semaphore_mem>>, %arg16: memref<!tpu.dma_semaphore, #tpu.memory_space<semaphore_mem>>, %arg17: memref<!tpu.dma_semaphore, #tpu.memory_space<semaphore_mem>>, %arg18: memref<10240x128xf32, #tpu.memory_space<vmem_shared>>) attributes {dimension_semantics = [#tpu.dimension_semantics<core_parallel>, #tpu.dimension_semantics<subcore_parallel>], iteration_bounds = array<i64: 2, 16>, scalar_prefetch = 0 : i64, scratch_operands = 13 : i64, tpu.core_type = #tpu.core_type<sc_vector_subcore>, window_params = [{transform_indices = #map}, {transform_indices = #map1}, {transform_indices = #map}, {transform_indices = #map2}]} {
    %mul3A = arith.constant 16 : i32
    %mul3A_0 = arith.muli %arg0, %mul3A : i32
    %add3A = arith.addi %mul3A_0, %arg1 : i32
    %mul3A_1 = arith.constant 640 : i32
    %mul3A_2 = arith.muli %arg1, %mul3A_1 : i32
    "tpu.region"() ({
      %run_scoped3A_67 = tpu.sem_alloc : memref<!tpu.dma_semaphore, #tpu.memory_space<semaphore_mem>>
      %dma_start3A_68 = arith.constant 0 : i32
      %dma_start3A_69 = tpu.memref_slice %arg18[%mul3A_2, %dma_start3A_68] : memref<10240x128xf32, #tpu.memory_space<vmem_shared>> -> memref<640x128xf32, #tpu.memory_space<vmem_shared>>
      tpu.enqueue_dma source(%arg4 : memref<640x128xf32, #tpu.memory_space<hbm>>) target(%dma_start3A_69 : memref<640x128xf32, #tpu.memory_space<vmem_shared>>) target_semaphore(%run_scoped3A_67 : memref<!tpu.dma_semaphore, #tpu.memory_space<semaphore_mem>>)
      %dma_wait3A_70 = arith.constant 0 : i32
      %dma_wait3A_71 = tpu.memref_slice %arg18[%mul3A_2, %dma_wait3A_70] : memref<10240x128xf32, #tpu.memory_space<vmem_shared>> -> memref<640x128xf32, #tpu.memory_space<vmem_shared>>
      tpu.wait_dma2 semaphore(%run_scoped3A_67 : memref<!tpu.dma_semaphore, #tpu.memory_space<semaphore_mem>>) src(%arg4 : memref<640x128xf32, #tpu.memory_space<hbm>>) dst(%dma_wait3A_71 : memref<640x128xf32, #tpu.memory_space<vmem_shared>>)
      tpu.yield
    }) : () -> ()
    %barrier3A = arith.constant 0 : index
    tpu.barrier barrier_id(%barrier3A)
    %run_scoped3A = arith.constant 0 : i32
    "tpu.region"() ({
      %run_scoped3A_67 = tpu.sem_alloc : memref<!tpu.dma_semaphore, #tpu.memory_space<semaphore_mem>>
      %dma_start3A_68 = arith.constant 0 : i32
      %dma_start3A_69 = arith.constant 0 : i32
      %dma_start3A_70 = tpu.memref_slice %arg3[%add3A, %run_scoped3A, %dma_start3A_68, %dma_start3A_69] : memref<32x125x2x80xi32, #tpu.memory_space<hbm>> -> memref<1x1x2x80xi32, #tpu.memory_space<hbm>>
      %dma_start3A_71 = tpu.memref_squeeze %dma_start3A_70 : memref<1x1x2x80xi32, #tpu.memory_space<hbm>> -> memref<2x80xi32, #tpu.memory_space<hbm>>
      %dma_start3A_72 = arith.constant 0 : i32
      %dma_start3A_73 = arith.constant 0 : i32
      %dma_start3A_74 = tpu.memref_slice %arg3[%add3A, %run_scoped3A, %dma_start3A_72, %dma_start3A_73] : memref<32x125x2x80xi32, #tpu.memory_space<hbm>> -> memref<1x1x2x80xi32, #tpu.memory_space<hbm>>
      %dma_start3A_75 = tpu.memref_squeeze %dma_start3A_74 : memref<1x1x2x80xi32, #tpu.memory_space<hbm>> -> memref<2x80xi32, #tpu.memory_space<hbm>>
      tpu.enqueue_dma source(%dma_start3A_75 : memref<2x80xi32, #tpu.memory_space<hbm>>) target(%arg6 : memref<2x80xi32, #tpu.memory_space<vmem>>) target_semaphore(%run_scoped3A_67 : memref<!tpu.dma_semaphore, #tpu.memory_space<semaphore_mem>>)
      %dma_wait3A_76 = arith.constant 0 : i32
      %dma_wait3A_77 = arith.constant 0 : i32
      %dma_wait3A_78 = tpu.memref_slice %arg3[%add3A, %run_scoped3A, %dma_wait3A_76, %dma_wait3A_77] : memref<32x125x2x80xi32, #tpu.memory_space<hbm>> -> memref<1x1x2x80xi32, #tpu.memory_space<hbm>>
      %dma_wait3A_79 = tpu.memref_squeeze %dma_wait3A_78 : memref<1x1x2x80xi32, #tpu.memory_space<hbm>> -> memref<2x80xi32, #tpu.memory_space<hbm>>
      %dma_wait3A_80 = arith.constant 0 : i32
      %dma_wait3A_81 = arith.constant 0 : i32
      %dma_wait3A_82 = tpu.memref_slice %arg3[%add3A, %run_scoped3A, %dma_wait3A_80, %dma_wait3A_81] : memref<32x125x2x80xi32, #tpu.memory_space<hbm>> -> memref<1x1x2x80xi32, #tpu.memory_space<hbm>>
      %dma_wait3A_83 = tpu.memref_squeeze %dma_wait3A_82 : memref<1x1x2x80xi32, #tpu.memory_space<hbm>> -> memref<2x80xi32, #tpu.memory_space<hbm>>
      tpu.wait_dma2 semaphore(%run_scoped3A_67 : memref<!tpu.dma_semaphore, #tpu.memory_space<semaphore_mem>>) src(%dma_wait3A_83 : memref<2x80xi32, #tpu.memory_space<hbm>>) dst(%arg6 : memref<2x80xi32, #tpu.memory_space<vmem>>)
      tpu.yield
    }) : () -> ()
    %dma_start3A = arith.constant 0 : i32
    %dma_start3A_3 = arith.constant 0 : i32
    %dma_start3A_4 = tpu.memref_slice %arg6[%dma_start3A, %dma_start3A_3] : memref<2x80xi32, #tpu.memory_space<vmem>> -> memref<1x80xi32, #tpu.memory_space<vmem>>
    %dma_start3A_5 = tpu.memref_squeeze %dma_start3A_4 : memref<1x80xi32, #tpu.memory_space<vmem>> -> memref<80xi32, #tpu.memory_space<vmem>>
    %dma_start3A_6 = arith.constant 0 : i32
    %dma_start3A_7 = arith.constant 0 : i32
    %dma_start3A_8 = tpu.memref_slice %arg2[%dma_start3A_6, %dma_start3A_7] : memref<10000x128xf32, #tpu.memory_space<hbm>> -> memref<10000x128xf32, #tpu.memory_space<hbm>>
    tpu.enqueue_indirect_dma source(%dma_start3A_8 : memref<10000x128xf32, #tpu.memory_space<hbm>>) target(%arg10 : memref<80x128xf32, #tpu.memory_space<vmem>>) offsets(%dma_start3A_5 : memref<80xi32, #tpu.memory_space<vmem>>) semaphore(%arg14 : memref<!tpu.dma_semaphore, #tpu.memory_space<semaphore_mem>>)
    %run_scoped3A_9 = arith.constant 1 : i32
    "tpu.region"() ({
      %run_scoped3A_67 = tpu.sem_alloc : memref<!tpu.dma_semaphore, #tpu.memory_space<semaphore_mem>>
      %dma_start3A_68 = arith.constant 0 : i32
      %dma_start3A_69 = arith.constant 0 : i32
      %dma_start3A_70 = tpu.memref_slice %arg3[%add3A, %run_scoped3A_9, %dma_start3A_68, %dma_start3A_69] : memref<32x125x2x80xi32, #tpu.memory_space<hbm>> -> memref<1x1x2x80xi32, #tpu.memory_space<hbm>>
      %dma_start3A_71 = tpu.memref_squeeze %dma_start3A_70 : memref<1x1x2x80xi32, #tpu.memory_space<hbm>> -> memref<2x80xi32, #tpu.memory_space<hbm>>
      %dma_start3A_72 = arith.constant 0 : i32
      %dma_start3A_73 = arith.constant 0 : i32
      %dma_start3A_74 = tpu.memref_slice %arg3[%add3A, %run_scoped3A_9, %dma_start3A_72, %dma_start3A_73] : memref<32x125x2x80xi32, #tpu.memory_space<hbm>> -> memref<1x1x2x80xi32, #tpu.memory_space<hbm>>
      %dma_start3A_75 = tpu.memref_squeeze %dma_start3A_74 : memref<1x1x2x80xi32, #tpu.memory_space<hbm>> -> memref<2x80xi32, #tpu.memory_space<hbm>>
      tpu.enqueue_dma source(%dma_start3A_75 : memref<2x80xi32, #tpu.memory_space<hbm>>) target(%arg7 : memref<2x80xi32, #tpu.memory_space<vmem>>) target_semaphore(%run_scoped3A_67 : memref<!tpu.dma_semaphore, #tpu.memory_space<semaphore_mem>>)
      %dma_wait3A_76 = arith.constant 0 : i32
      %dma_wait3A_77 = arith.constant 0 : i32
      %dma_wait3A_78 = tpu.memref_slice %arg3[%add3A, %run_scoped3A_9, %dma_wait3A_76, %dma_wait3A_77] : memref<32x125x2x80xi32, #tpu.memory_space<hbm>> -> memref<1x1x2x80xi32, #tpu.memory_space<hbm>>
      %dma_wait3A_79 = tpu.memref_squeeze %dma_wait3A_78 : memref<1x1x2x80xi32, #tpu.memory_space<hbm>> -> memref<2x80xi32, #tpu.memory_space<hbm>>
      %dma_wait3A_80 = arith.constant 0 : i32
      %dma_wait3A_81 = arith.constant 0 : i32
      %dma_wait3A_82 = tpu.memref_slice %arg3[%add3A, %run_scoped3A_9, %dma_wait3A_80, %dma_wait3A_81] : memref<32x125x2x80xi32, #tpu.memory_space<hbm>> -> memref<1x1x2x80xi32, #tpu.memory_space<hbm>>
      %dma_wait3A_83 = tpu.memref_squeeze %dma_wait3A_82 : memref<1x1x2x80xi32, #tpu.memory_space<hbm>> -> memref<2x80xi32, #tpu.memory_space<hbm>>
      tpu.wait_dma2 semaphore(%run_scoped3A_67 : memref<!tpu.dma_semaphore, #tpu.memory_space<semaphore_mem>>) src(%dma_wait3A_83 : memref<2x80xi32, #tpu.memory_space<hbm>>) dst(%arg7 : memref<2x80xi32, #tpu.memory_space<vmem>>)
      tpu.yield
    }) : () -> ()
    %dma_start3A_10 = arith.constant 0 : i32
    %dma_start3A_11 = arith.constant 0 : i32
    %dma_start3A_12 = tpu.memref_slice %arg7[%dma_start3A_10, %dma_start3A_11] : memref<2x80xi32, #tpu.memory_space<vmem>> -> memref<1x80xi32, #tpu.memory_space<vmem>>
    %dma_start3A_13 = tpu.memref_squeeze %dma_start3A_12 : memref<1x80xi32, #tpu.memory_space<vmem>> -> memref<80xi32, #tpu.memory_space<vmem>>
    %dma_start3A_14 = arith.constant 0 : i32
    %dma_start3A_15 = arith.constant 0 : i32
    %dma_start3A_16 = tpu.memref_slice %arg2[%dma_start3A_14, %dma_start3A_15] : memref<10000x128xf32, #tpu.memory_space<hbm>> -> memref<10000x128xf32, #tpu.memory_space<hbm>>
    tpu.enqueue_indirect_dma source(%dma_start3A_16 : memref<10000x128xf32, #tpu.memory_space<hbm>>) target(%arg11 : memref<80x128xf32, #tpu.memory_space<vmem>>) offsets(%dma_start3A_13 : memref<80xi32, #tpu.memory_space<vmem>>) semaphore(%arg15 : memref<!tpu.dma_semaphore, #tpu.memory_space<semaphore_mem>>)
    %run_scoped3A_17 = arith.constant 2 : i32
    "tpu.region"() ({
      %run_scoped3A_67 = tpu.sem_alloc : memref<!tpu.dma_semaphore, #tpu.memory_space<semaphore_mem>>
      %dma_start3A_68 = arith.constant 0 : i32
      %dma_start3A_69 = arith.constant 0 : i32
      %dma_start3A_70 = tpu.memref_slice %arg3[%add3A, %run_scoped3A_17, %dma_start3A_68, %dma_start3A_69] : memref<32x125x2x80xi32, #tpu.memory_space<hbm>> -> memref<1x1x2x80xi32, #tpu.memory_space<hbm>>
      %dma_start3A_71 = tpu.memref_squeeze %dma_start3A_70 : memref<1x1x2x80xi32, #tpu.memory_space<hbm>> -> memref<2x80xi32, #tpu.memory_space<hbm>>
      %dma_start3A_72 = arith.constant 0 : i32
      %dma_start3A_73 = arith.constant 0 : i32
      %dma_start3A_74 = tpu.memref_slice %arg3[%add3A, %run_scoped3A_17, %dma_start3A_72, %dma_start3A_73] : memref<32x125x2x80xi32, #tpu.memory_space<hbm>> -> memref<1x1x2x80xi32, #tpu.memory_space<hbm>>
      %dma_start3A_75 = tpu.memref_squeeze %dma_start3A_74 : memref<1x1x2x80xi32, #tpu.memory_space<hbm>> -> memref<2x80xi32, #tpu.memory_space<hbm>>
      tpu.enqueue_dma source(%dma_start3A_75 : memref<2x80xi32, #tpu.memory_space<hbm>>) target(%arg8 : memref<2x80xi32, #tpu.memory_space<vmem>>) target_semaphore(%run_scoped3A_67 : memref<!tpu.dma_semaphore, #tpu.memory_space<semaphore_mem>>)
      %dma_wait3A_76 = arith.constant 0 : i32
      %dma_wait3A_77 = arith.constant 0 : i32
      %dma_wait3A_78 = tpu.memref_slice %arg3[%add3A, %run_scoped3A_17, %dma_wait3A_76, %dma_wait3A_77] : memref<32x125x2x80xi32, #tpu.memory_space<hbm>> -> memref<1x1x2x80xi32, #tpu.memory_space<hbm>>
      %dma_wait3A_79 = tpu.memref_squeeze %dma_wait3A_78 : memref<1x1x2x80xi32, #tpu.memory_space<hbm>> -> memref<2x80xi32, #tpu.memory_space<hbm>>
      %dma_wait3A_80 = arith.constant 0 : i32
      %dma_wait3A_81 = arith.constant 0 : i32
      %dma_wait3A_82 = tpu.memref_slice %arg3[%add3A, %run_scoped3A_17, %dma_wait3A_80, %dma_wait3A_81] : memref<32x125x2x80xi32, #tpu.memory_space<hbm>> -> memref<1x1x2x80xi32, #tpu.memory_space<hbm>>
      %dma_wait3A_83 = tpu.memref_squeeze %dma_wait3A_82 : memref<1x1x2x80xi32, #tpu.memory_space<hbm>> -> memref<2x80xi32, #tpu.memory_space<hbm>>
      tpu.wait_dma2 semaphore(%run_scoped3A_67 : memref<!tpu.dma_semaphore, #tpu.memory_space<semaphore_mem>>) src(%dma_wait3A_83 : memref<2x80xi32, #tpu.memory_space<hbm>>) dst(%arg8 : memref<2x80xi32, #tpu.memory_space<vmem>>)
      tpu.yield
    }) : () -> ()
    %dma_start3A_18 = arith.constant 0 : i32
    %dma_start3A_19 = arith.constant 0 : i32
    %dma_start3A_20 = tpu.memref_slice %arg8[%dma_start3A_18, %dma_start3A_19] : memref<2x80xi32, #tpu.memory_space<vmem>> -> memref<1x80xi32, #tpu.memory_space<vmem>>
    %dma_start3A_21 = tpu.memref_squeeze %dma_start3A_20 : memref<1x80xi32, #tpu.memory_space<vmem>> -> memref<80xi32, #tpu.memory_space<vmem>>
    %dma_start3A_22 = arith.constant 0 : i32
    %dma_start3A_23 = arith.constant 0 : i32
    %dma_start3A_24 = tpu.memref_slice %arg2[%dma_start3A_22, %dma_start3A_23] : memref<10000x128xf32, #tpu.memory_space<hbm>> -> memref<10000x128xf32, #tpu.memory_space<hbm>>
    tpu.enqueue_indirect_dma source(%dma_start3A_24 : memref<10000x128xf32, #tpu.memory_space<hbm>>) target(%arg12 : memref<80x128xf32, #tpu.memory_space<vmem>>) offsets(%dma_start3A_21 : memref<80xi32, #tpu.memory_space<vmem>>) semaphore(%arg16 : memref<!tpu.dma_semaphore, #tpu.memory_space<semaphore_mem>>)
    %run_scoped3A_25 = arith.constant 3 : i32
    "tpu.region"() ({
      %run_scoped3A_67 = tpu.sem_alloc : memref<!tpu.dma_semaphore, #tpu.memory_space<semaphore_mem>>
      %dma_start3A_68 = arith.constant 0 : i32
      %dma_start3A_69 = arith.constant 0 : i32
      %dma_start3A_70 = tpu.memref_slice %arg3[%add3A, %run_scoped3A_25, %dma_start3A_68, %dma_start3A_69] : memref<32x125x2x80xi32, #tpu.memory_space<hbm>> -> memref<1x1x2x80xi32, #tpu.memory_space<hbm>>
      %dma_start3A_71 = tpu.memref_squeeze %dma_start3A_70 : memref<1x1x2x80xi32, #tpu.memory_space<hbm>> -> memref<2x80xi32, #tpu.memory_space<hbm>>
      %dma_start3A_72 = arith.constant 0 : i32
      %dma_start3A_73 = arith.constant 0 : i32
      %dma_start3A_74 = tpu.memref_slice %arg3[%add3A, %run_scoped3A_25, %dma_start3A_72, %dma_start3A_73] : memref<32x125x2x80xi32, #tpu.memory_space<hbm>> -> memref<1x1x2x80xi32, #tpu.memory_space<hbm>>
      %dma_start3A_75 = tpu.memref_squeeze %dma_start3A_74 : memref<1x1x2x80xi32, #tpu.memory_space<hbm>> -> memref<2x80xi32, #tpu.memory_space<hbm>>
      tpu.enqueue_dma source(%dma_start3A_75 : memref<2x80xi32, #tpu.memory_space<hbm>>) target(%arg9 : memref<2x80xi32, #tpu.memory_space<vmem>>) target_semaphore(%run_scoped3A_67 : memref<!tpu.dma_semaphore, #tpu.memory_space<semaphore_mem>>)
      %dma_wait3A_76 = arith.constant 0 : i32
      %dma_wait3A_77 = arith.constant 0 : i32
      %dma_wait3A_78 = tpu.memref_slice %arg3[%add3A, %run_scoped3A_25, %dma_wait3A_76, %dma_wait3A_77] : memref<32x125x2x80xi32, #tpu.memory_space<hbm>> -> memref<1x1x2x80xi32, #tpu.memory_space<hbm>>
      %dma_wait3A_79 = tpu.memref_squeeze %dma_wait3A_78 : memref<1x1x2x80xi32, #tpu.memory_space<hbm>> -> memref<2x80xi32, #tpu.memory_space<hbm>>
      %dma_wait3A_80 = arith.constant 0 : i32
      %dma_wait3A_81 = arith.constant 0 : i32
      %dma_wait3A_82 = tpu.memref_slice %arg3[%add3A, %run_scoped3A_25, %dma_wait3A_80, %dma_wait3A_81] : memref<32x125x2x80xi32, #tpu.memory_space<hbm>> -> memref<1x1x2x80xi32, #tpu.memory_space<hbm>>
      %dma_wait3A_83 = tpu.memref_squeeze %dma_wait3A_82 : memref<1x1x2x80xi32, #tpu.memory_space<hbm>> -> memref<2x80xi32, #tpu.memory_space<hbm>>
      tpu.wait_dma2 semaphore(%run_scoped3A_67 : memref<!tpu.dma_semaphore, #tpu.memory_space<semaphore_mem>>) src(%dma_wait3A_83 : memref<2x80xi32, #tpu.memory_space<hbm>>) dst(%arg9 : memref<2x80xi32, #tpu.memory_space<vmem>>)
      tpu.yield
    }) : () -> ()
    %dma_start3A_26 = arith.constant 0 : i32
    %dma_start3A_27 = arith.constant 0 : i32
    %dma_start3A_28 = tpu.memref_slice %arg9[%dma_start3A_26, %dma_start3A_27] : memref<2x80xi32, #tpu.memory_space<vmem>> -> memref<1x80xi32, #tpu.memory_space<vmem>>
    %dma_start3A_29 = tpu.memref_squeeze %dma_start3A_28 : memref<1x80xi32, #tpu.memory_space<vmem>> -> memref<80xi32, #tpu.memory_space<vmem>>
    %dma_start3A_30 = arith.constant 0 : i32
    %dma_start3A_31 = arith.constant 0 : i32
    %dma_start3A_32 = tpu.memref_slice %arg2[%dma_start3A_30, %dma_start3A_31] : memref<10000x128xf32, #tpu.memory_space<hbm>> -> memref<10000x128xf32, #tpu.memory_space<hbm>>
    tpu.enqueue_indirect_dma source(%dma_start3A_32 : memref<10000x128xf32, #tpu.memory_space<hbm>>) target(%arg13 : memref<80x128xf32, #tpu.memory_space<vmem>>) offsets(%dma_start3A_29 : memref<80xi32, #tpu.memory_space<vmem>>) semaphore(%arg17 : memref<!tpu.dma_semaphore, #tpu.memory_space<semaphore_mem>>)
    %scan3A = arith.constant 0 : i32
    %scan3A_33 = arith.constant 0 : i32
    %scan3A_34 = arith.constant 31 : i32
    %scan3A_35 = arith.addi %scan3A_33, %scan3A_34 : i32
    %scan3A_36 = arith.constant 1 : i32
    scf.for %scan3A_67 = %scan3A_33 to %scan3A_35 step %scan3A_36  : i32 {
      %mul3A_68 = arith.constant 4 : i32
      %mul3A_69 = arith.muli %mul3A_68, %scan3A_67 : i32
      %add3A_70 = arith.constant 4 : i32
      %add3A_71 = arith.addi %mul3A_69, %add3A_70 : i32
      %add3A_72 = arith.constant 0 : i32
      %add3A_73 = arith.addi %add3A_71, %add3A_72 : i32
      %lt3A = arith.constant 125 : i32
      %lt3A_74 = arith.cmpi slt, %add3A_73, %lt3A : i32
      %jit3A = arith.constant 0 : i32
      %select_n3A = arith.select %lt3A_74, %add3A_73, %jit3A : i32
      %dma_wait3A_75 = arith.constant 0 : i32
      %dma_wait3A_76 = arith.constant 0 : i32
      %dma_wait3A_77 = tpu.memref_slice %arg6[%dma_wait3A_75, %dma_wait3A_76] : memref<2x80xi32, #tpu.memory_space<vmem>> -> memref<1x80xi32, #tpu.memory_space<vmem>>
      %dma_wait3A_78 = tpu.memref_squeeze %dma_wait3A_77 : memref<1x80xi32, #tpu.memory_space<vmem>> -> memref<80xi32, #tpu.memory_space<vmem>>
      %dma_wait3A_79 = arith.constant 0 : i32
      %dma_wait3A_80 = arith.constant 0 : i32
      %dma_wait3A_81 = tpu.memref_slice %arg2[%dma_wait3A_79, %dma_wait3A_80] : memref<10000x128xf32, #tpu.memory_space<hbm>> -> memref<10000x128xf32, #tpu.memory_space<hbm>>
      tpu.wait_indirect_dma semaphore(%arg14 : memref<!tpu.dma_semaphore, #tpu.memory_space<semaphore_mem>>) src(%dma_wait3A_81 : memref<10000x128xf32, #tpu.memory_space<hbm>>) dst(%arg10 : memref<80x128xf32, #tpu.memory_space<vmem>>)
      %run_scoped3A_82 = arith.constant 1 : i32
      "tpu.region"() ({
        %run_scoped3A_165 = tpu.sem_alloc : memref<!tpu.dma_semaphore, #tpu.memory_space<semaphore_mem>>
        %dma_start3A_166 = arith.constant 0 : i32
        %dma_start3A_167 = tpu.memref_slice %arg6[%run_scoped3A_82, %dma_start3A_166] : memref<2x80xi32, #tpu.memory_space<vmem>> -> memref<1x80xi32, #tpu.memory_space<vmem>>
        %dma_start3A_168 = tpu.memref_squeeze %dma_start3A_167 : memref<1x80xi32, #tpu.memory_space<vmem>> -> memref<80xi32, #tpu.memory_space<vmem>>
        %dma_start3A_169 = arith.constant 0 : i32
        %dma_start3A_170 = arith.constant 0 : i32
        %dma_start3A_171 = tpu.memref_slice %arg18[%dma_start3A_169, %dma_start3A_170] : memref<10240x128xf32, #tpu.memory_space<vmem_shared>> -> memref<10240x128xf32, #tpu.memory_space<vmem_shared>>
        tpu.enqueue_indirect_dma source(%arg10 : memref<80x128xf32, #tpu.memory_space<vmem>>) target(%dma_start3A_171 : memref<10240x128xf32, #tpu.memory_space<vmem_shared>>) offsets(%dma_start3A_168 : memref<80xi32, #tpu.memory_space<vmem>>) semaphore(%run_scoped3A_165 : memref<!tpu.dma_semaphore, #tpu.memory_space<semaphore_mem>>) {add = true}
        %dma_wait3A_172 = arith.constant 0 : i32
        %dma_wait3A_173 = tpu.memref_slice %arg6[%run_scoped3A_82, %dma_wait3A_172] : memref<2x80xi32, #tpu.memory_space<vmem>> -> memref<1x80xi32, #tpu.memory_space<vmem>>
        %dma_wait3A_174 = tpu.memref_squeeze %dma_wait3A_173 : memref<1x80xi32, #tpu.memory_space<vmem>> -> memref<80xi32, #tpu.memory_space<vmem>>
        %dma_wait3A_175 = arith.constant 0 : i32
        %dma_wait3A_176 = arith.constant 0 : i32
        %dma_wait3A_177 = tpu.memref_slice %arg18[%dma_wait3A_175, %dma_wait3A_176] : memref<10240x128xf32, #tpu.memory_space<vmem_shared>> -> memref<10240x128xf32, #tpu.memory_space<vmem_shared>>
        tpu.wait_indirect_dma semaphore(%run_scoped3A_165 : memref<!tpu.dma_semaphore, #tpu.memory_space<semaphore_mem>>) src(%arg10 : memref<80x128xf32, #tpu.memory_space<vmem>>) dst(%dma_wait3A_177 : memref<10240x128xf32, #tpu.memory_space<vmem_shared>>)
        tpu.yield
      }) : () -> ()
      "tpu.region"() ({
        %run_scoped3A_165 = tpu.sem_alloc : memref<!tpu.dma_semaphore, #tpu.memory_space<semaphore_mem>>
        %dma_start3A_166 = arith.constant 0 : i32
        %dma_start3A_167 = arith.constant 0 : i32
        %dma_start3A_168 = tpu.memref_slice %arg3[%add3A, %select_n3A, %dma_start3A_166, %dma_start3A_167] : memref<32x125x2x80xi32, #tpu.memory_space<hbm>> -> memref<1x1x2x80xi32, #tpu.memory_space<hbm>>
        %dma_start3A_169 = tpu.memref_squeeze %dma_start3A_168 : memref<1x1x2x80xi32, #tpu.memory_space<hbm>> -> memref<2x80xi32, #tpu.memory_space<hbm>>
        %dma_start3A_170 = arith.constant 0 : i32
        %dma_start3A_171 = arith.constant 0 : i32
        %dma_start3A_172 = tpu.memref_slice %arg3[%add3A, %select_n3A, %dma_start3A_170, %dma_start3A_171] : memref<32x125x2x80xi32, #tpu.memory_space<hbm>> -> memref<1x1x2x80xi32, #tpu.memory_space<hbm>>
        %dma_start3A_173 = tpu.memref_squeeze %dma_start3A_172 : memref<1x1x2x80xi32, #tpu.memory_space<hbm>> -> memref<2x80xi32, #tpu.memory_space<hbm>>
        tpu.enqueue_dma source(%dma_start3A_173 : memref<2x80xi32, #tpu.memory_space<hbm>>) target(%arg6 : memref<2x80xi32, #tpu.memory_space<vmem>>) target_semaphore(%run_scoped3A_165 : memref<!tpu.dma_semaphore, #tpu.memory_space<semaphore_mem>>)
        %dma_wait3A_174 = arith.constant 0 : i32
        %dma_wait3A_175 = arith.constant 0 : i32
        %dma_wait3A_176 = tpu.memref_slice %arg3[%add3A, %select_n3A, %dma_wait3A_174, %dma_wait3A_175] : memref<32x125x2x80xi32, #tpu.memory_space<hbm>> -> memref<1x1x2x80xi32, #tpu.memory_space<hbm>>
        %dma_wait3A_177 = tpu.memref_squeeze %dma_wait3A_176 : memref<1x1x2x80xi32, #tpu.memory_space<hbm>> -> memref<2x80xi32, #tpu.memory_space<hbm>>
        %dma_wait3A_178 = arith.constant 0 : i32
        %dma_wait3A_179 = arith.constant 0 : i32
        %dma_wait3A_180 = tpu.memref_slice %arg3[%add3A, %select_n3A, %dma_wait3A_178, %dma_wait3A_179] : memref<32x125x2x80xi32, #tpu.memory_space<hbm>> -> memref<1x1x2x80xi32, #tpu.memory_space<hbm>>
        %dma_wait3A_181 = tpu.memref_squeeze %dma_wait3A_180 : memref<1x1x2x80xi32, #tpu.memory_space<hbm>> -> memref<2x80xi32, #tpu.memory_space<hbm>>
        tpu.wait_dma2 semaphore(%run_scoped3A_165 : memref<!tpu.dma_semaphore, #tpu.memory_space<semaphore_mem>>) src(%dma_wait3A_181 : memref<2x80xi32, #tpu.memory_space<hbm>>) dst(%arg6 : memref<2x80xi32, #tpu.memory_space<vmem>>)
        tpu.yield
      }) : () -> ()
      %dma_start3A_83 = arith.constant 0 : i32
      %dma_start3A_84 = arith.constant 0 : i32
      %dma_start3A_85 = tpu.memref_slice %arg6[%dma_start3A_83, %dma_start3A_84] : memref<2x80xi32, #tpu.memory_space<vmem>> -> memref<1x80xi32, #tpu.memory_space<vmem>>
      %dma_start3A_86 = tpu.memref_squeeze %dma_start3A_85 : memref<1x80xi32, #tpu.memory_space<vmem>> -> memref<80xi32, #tpu.memory_space<vmem>>
      %dma_start3A_87 = arith.constant 0 : i32
      %dma_start3A_88 = arith.constant 0 : i32
      %dma_start3A_89 = tpu.memref_slice %arg2[%dma_start3A_87, %dma_start3A_88] : memref<10000x128xf32, #tpu.memory_space<hbm>> -> memref<10000x128xf32, #tpu.memory_space<hbm>>
      tpu.enqueue_indirect_dma source(%dma_start3A_89 : memref<10000x128xf32, #tpu.memory_space<hbm>>) target(%arg10 : memref<80x128xf32, #tpu.memory_space<vmem>>) offsets(%dma_start3A_86 : memref<80xi32, #tpu.memory_space<vmem>>) semaphore(%arg14 : memref<!tpu.dma_semaphore, #tpu.memory_space<semaphore_mem>>)
      %mul3A_90 = arith.constant 4 : i32
      %mul3A_91 = arith.muli %mul3A_90, %scan3A_67 : i32
      %add3A_92 = arith.constant 4 : i32
      %add3A_93 = arith.addi %mul3A_91, %add3A_92 : i32
      %add3A_94 = arith.constant 1 : i32
      %add3A_95 = arith.addi %add3A_93, %add3A_94 : i32
      %lt3A_96 = arith.constant 125 : i32
      %lt3A_97 = arith.cmpi slt, %add3A_95, %lt3A_96 : i32
      %jit3A_98 = arith.constant 0 : i32
      %select_n3A_99 = arith.select %lt3A_97, %add3A_95, %jit3A_98 : i32
      %dma_wait3A_100 = arith.constant 0 : i32
      %dma_wait3A_101 = arith.constant 0 : i32
      %dma_wait3A_102 = tpu.memref_slice %arg7[%dma_wait3A_100, %dma_wait3A_101] : memref<2x80xi32, #tpu.memory_space<vmem>> -> memref<1x80xi32, #tpu.memory_space<vmem>>
      %dma_wait3A_103 = tpu.memref_squeeze %dma_wait3A_102 : memref<1x80xi32, #tpu.memory_space<vmem>> -> memref<80xi32, #tpu.memory_space<vmem>>
      %dma_wait3A_104 = arith.constant 0 : i32
      %dma_wait3A_105 = arith.constant 0 : i32
      %dma_wait3A_106 = tpu.memref_slice %arg2[%dma_wait3A_104, %dma_wait3A_105] : memref<10000x128xf32, #tpu.memory_space<hbm>> -> memref<10000x128xf32, #tpu.memory_space<hbm>>
      tpu.wait_indirect_dma semaphore(%arg15 : memref<!tpu.dma_semaphore, #tpu.memory_space<semaphore_mem>>) src(%dma_wait3A_106 : memref<10000x128xf32, #tpu.memory_space<hbm>>) dst(%arg11 : memref<80x128xf32, #tpu.memory_space<vmem>>)
      %run_scoped3A_107 = arith.constant 1 : i32
      "tpu.region"() ({
        %run_scoped3A_165 = tpu.sem_alloc : memref<!tpu.dma_semaphore, #tpu.memory_space<semaphore_mem>>
        %dma_start3A_166 = arith.constant 0 : i32
        %dma_start3A_167 = tpu.memref_slice %arg7[%run_scoped3A_107, %dma_start3A_166] : memref<2x80xi32, #tpu.memory_space<vmem>> -> memref<1x80xi32, #tpu.memory_space<vmem>>
        %dma_start3A_168 = tpu.memref_squeeze %dma_start3A_167 : memref<1x80xi32, #tpu.memory_space<vmem>> -> memref<80xi32, #tpu.memory_space<vmem>>
        %dma_start3A_169 = arith.constant 0 : i32
        %dma_start3A_170 = arith.constant 0 : i32
        %dma_start3A_171 = tpu.memref_slice %arg18[%dma_start3A_169, %dma_start3A_170] : memref<10240x128xf32, #tpu.memory_space<vmem_shared>> -> memref<10240x128xf32, #tpu.memory_space<vmem_shared>>
        tpu.enqueue_indirect_dma source(%arg11 : memref<80x128xf32, #tpu.memory_space<vmem>>) target(%dma_start3A_171 : memref<10240x128xf32, #tpu.memory_space<vmem_shared>>) offsets(%dma_start3A_168 : memref<80xi32, #tpu.memory_space<vmem>>) semaphore(%run_scoped3A_165 : memref<!tpu.dma_semaphore, #tpu.memory_space<semaphore_mem>>) {add = true}
        %dma_wait3A_172 = arith.constant 0 : i32
        %dma_wait3A_173 = tpu.memref_slice %arg7[%run_scoped3A_107, %dma_wait3A_172] : memref<2x80xi32, #tpu.memory_space<vmem>> -> memref<1x80xi32, #tpu.memory_space<vmem>>
        %dma_wait3A_174 = tpu.memref_squeeze %dma_wait3A_173 : memref<1x80xi32, #tpu.memory_space<vmem>> -> memref<80xi32, #tpu.memory_space<vmem>>
        %dma_wait3A_175 = arith.constant 0 : i32
        %dma_wait3A_176 = arith.constant 0 : i32
        %dma_wait3A_177 = tpu.memref_slice %arg18[%dma_wait3A_175, %dma_wait3A_176] : memref<10240x128xf32, #tpu.memory_space<vmem_shared>> -> memref<10240x128xf32, #tpu.memory_space<vmem_shared>>
        tpu.wait_indirect_dma semaphore(%run_scoped3A_165 : memref<!tpu.dma_semaphore, #tpu.memory_space<semaphore_mem>>) src(%arg11 : memref<80x128xf32, #tpu.memory_space<vmem>>) dst(%dma_wait3A_177 : memref<10240x128xf32, #tpu.memory_space<vmem_shared>>)
        tpu.yield
      }) : () -> ()
      "tpu.region"() ({
        %run_scoped3A_165 = tpu.sem_alloc : memref<!tpu.dma_semaphore, #tpu.memory_space<semaphore_mem>>
        %dma_start3A_166 = arith.constant 0 : i32
        %dma_start3A_167 = arith.constant 0 : i32
        %dma_start3A_168 = tpu.memref_slice %arg3[%add3A, %select_n3A_99, %dma_start3A_166, %dma_start3A_167] : memref<32x125x2x80xi32, #tpu.memory_space<hbm>> -> memref<1x1x2x80xi32, #tpu.memory_space<hbm>>
        %dma_start3A_169 = tpu.memref_squeeze %dma_start3A_168 : memref<1x1x2x80xi32, #tpu.memory_space<hbm>> -> memref<2x80xi32, #tpu.memory_space<hbm>>
        %dma_start3A_170 = arith.constant 0 : i32
        %dma_start3A_171 = arith.constant 0 : i32
        %dma_start3A_172 = tpu.memref_slice %arg3[%add3A, %select_n3A_99, %dma_start3A_170, %dma_start3A_171] : memref<32x125x2x80xi32, #tpu.memory_space<hbm>> -> memref<1x1x2x80xi32, #tpu.memory_space<hbm>>
        %dma_start3A_173 = tpu.memref_squeeze %dma_start3A_172 : memref<1x1x2x80xi32, #tpu.memory_space<hbm>> -> memref<2x80xi32, #tpu.memory_space<hbm>>
        tpu.enqueue_dma source(%dma_start3A_173 : memref<2x80xi32, #tpu.memory_space<hbm>>) target(%arg7 : memref<2x80xi32, #tpu.memory_space<vmem>>) target_semaphore(%run_scoped3A_165 : memref<!tpu.dma_semaphore, #tpu.memory_space<semaphore_mem>>)
        %dma_wait3A_174 = arith.constant 0 : i32
        %dma_wait3A_175 = arith.constant 0 : i32
        %dma_wait3A_176 = tpu.memref_slice %arg3[%add3A, %select_n3A_99, %dma_wait3A_174, %dma_wait3A_175] : memref<32x125x2x80xi32, #tpu.memory_space<hbm>> -> memref<1x1x2x80xi32, #tpu.memory_space<hbm>>
        %dma_wait3A_177 = tpu.memref_squeeze %dma_wait3A_176 : memref<1x1x2x80xi32, #tpu.memory_space<hbm>> -> memref<2x80xi32, #tpu.memory_space<hbm>>
        %dma_wait3A_178 = arith.constant 0 : i32
        %dma_wait3A_179 = arith.constant 0 : i32
        %dma_wait3A_180 = tpu.memref_slice %arg3[%add3A, %select_n3A_99, %dma_wait3A_178, %dma_wait3A_179] : memref<32x125x2x80xi32, #tpu.memory_space<hbm>> -> memref<1x1x2x80xi32, #tpu.memory_space<hbm>>
        %dma_wait3A_181 = tpu.memref_squeeze %dma_wait3A_180 : memref<1x1x2x80xi32, #tpu.memory_space<hbm>> -> memref<2x80xi32, #tpu.memory_space<hbm>>
        tpu.wait_dma2 semaphore(%run_scoped3A_165 : memref<!tpu.dma_semaphore, #tpu.memory_space<semaphore_mem>>) src(%dma_wait3A_181 : memref<2x80xi32, #tpu.memory_space<hbm>>) dst(%arg7 : memref<2x80xi32, #tpu.memory_space<vmem>>)
        tpu.yield
      }) : () -> ()
      %dma_start3A_108 = arith.constant 0 : i32
      %dma_start3A_109 = arith.constant 0 : i32
      %dma_start3A_110 = tpu.memref_slice %arg7[%dma_start3A_108, %dma_start3A_109] : memref<2x80xi32, #tpu.memory_space<vmem>> -> memref<1x80xi32, #tpu.memory_space<vmem>>
      %dma_start3A_111 = tpu.memref_squeeze %dma_start3A_110 : memref<1x80xi32, #tpu.memory_space<vmem>> -> memref<80xi32, #tpu.memory_space<vmem>>
      %dma_start3A_112 = arith.constant 0 : i32
      %dma_start3A_113 = arith.constant 0 : i32
      %dma_start3A_114 = tpu.memref_slice %arg2[%dma_start3A_112, %dma_start3A_113] : memref<10000x128xf32, #tpu.memory_space<hbm>> -> memref<10000x128xf32, #tpu.memory_space<hbm>>
      tpu.enqueue_indirect_dma source(%dma_start3A_114 : memref<10000x128xf32, #tpu.memory_space<hbm>>) target(%arg11 : memref<80x128xf32, #tpu.memory_space<vmem>>) offsets(%dma_start3A_111 : memref<80xi32, #tpu.memory_space<vmem>>) semaphore(%arg15 : memref<!tpu.dma_semaphore, #tpu.memory_space<semaphore_mem>>)
      %mul3A_115 = arith.constant 4 : i32
      %mul3A_116 = arith.muli %mul3A_115, %scan3A_67 : i32
      %add3A_117 = arith.constant 4 : i32
      %add3A_118 = arith.addi %mul3A_116, %add3A_117 : i32
      %add3A_119 = arith.constant 2 : i32
      %add3A_120 = arith.addi %add3A_118, %add3A_119 : i32
      %lt3A_121 = arith.constant 125 : i32
      %lt3A_122 = arith.cmpi slt, %add3A_120, %lt3A_121 : i32
      %jit3A_123 = arith.constant 0 : i32
      %select_n3A_124 = arith.select %lt3A_122, %add3A_120, %jit3A_123 : i32
      %dma_wait3A_125 = arith.constant 0 : i32
      %dma_wait3A_126 = arith.constant 0 : i32
      %dma_wait3A_127 = tpu.memref_slice %arg8[%dma_wait3A_125, %dma_wait3A_126] : memref<2x80xi32, #tpu.memory_space<vmem>> -> memref<1x80xi32, #tpu.memory_space<vmem>>
      %dma_wait3A_128 = tpu.memref_squeeze %dma_wait3A_127 : memref<1x80xi32, #tpu.memory_space<vmem>> -> memref<80xi32, #tpu.memory_space<vmem>>
      %dma_wait3A_129 = arith.constant 0 : i32
      %dma_wait3A_130 = arith.constant 0 : i32
      %dma_wait3A_131 = tpu.memref_slice %arg2[%dma_wait3A_129, %dma_wait3A_130] : memref<10000x128xf32, #tpu.memory_space<hbm>> -> memref<10000x128xf32, #tpu.memory_space<hbm>>
      tpu.wait_indirect_dma semaphore(%arg16 : memref<!tpu.dma_semaphore, #tpu.memory_space<semaphore_mem>>) src(%dma_wait3A_131 : memref<10000x128xf32, #tpu.memory_space<hbm>>) dst(%arg12 : memref<80x128xf32, #tpu.memory_space<vmem>>)
      %run_scoped3A_132 = arith.constant 1 : i32
      "tpu.region"() ({
        %run_scoped3A_165 = tpu.sem_alloc : memref<!tpu.dma_semaphore, #tpu.memory_space<semaphore_mem>>
        %dma_start3A_166 = arith.constant 0 : i32
        %dma_start3A_167 = tpu.memref_slice %arg8[%run_scoped3A_132, %dma_start3A_166] : memref<2x80xi32, #tpu.memory_space<vmem>> -> memref<1x80xi32, #tpu.memory_space<vmem>>
        %dma_start3A_168 = tpu.memref_squeeze %dma_start3A_167 : memref<1x80xi32, #tpu.memory_space<vmem>> -> memref<80xi32, #tpu.memory_space<vmem>>
        %dma_start3A_169 = arith.constant 0 : i32
        %dma_start3A_170 = arith.constant 0 : i32
        %dma_start3A_171 = tpu.memref_slice %arg18[%dma_start3A_169, %dma_start3A_170] : memref<10240x128xf32, #tpu.memory_space<vmem_shared>> -> memref<10240x128xf32, #tpu.memory_space<vmem_shared>>
        tpu.enqueue_indirect_dma source(%arg12 : memref<80x128xf32, #tpu.memory_space<vmem>>) target(%dma_start3A_171 : memref<10240x128xf32, #tpu.memory_space<vmem_shared>>) offsets(%dma_start3A_168 : memref<80xi32, #tpu.memory_space<vmem>>) semaphore(%run_scoped3A_165 : memref<!tpu.dma_semaphore, #tpu.memory_space<semaphore_mem>>) {add = true}
        %dma_wait3A_172 = arith.constant 0 : i32
        %dma_wait3A_173 = tpu.memref_slice %arg8[%run_scoped3A_132, %dma_wait3A_172] : memref<2x80xi32, #tpu.memory_space<vmem>> -> memref<1x80xi32, #tpu.memory_space<vmem>>
        %dma_wait3A_174 = tpu.memref_squeeze %dma_wait3A_173 : memref<1x80xi32, #tpu.memory_space<vmem>> -> memref<80xi32, #tpu.memory_space<vmem>>
        %dma_wait3A_175 = arith.constant 0 : i32
        %dma_wait3A_176 = arith.constant 0 : i32
        %dma_wait3A_177 = tpu.memref_slice %arg18[%dma_wait3A_175, %dma_wait3A_176] : memref<10240x128xf32, #tpu.memory_space<vmem_shared>> -> memref<10240x128xf32, #tpu.memory_space<vmem_shared>>
        tpu.wait_indirect_dma semaphore(%run_scoped3A_165 : memref<!tpu.dma_semaphore, #tpu.memory_space<semaphore_mem>>) src(%arg12 : memref<80x128xf32, #tpu.memory_space<vmem>>) dst(%dma_wait3A_177 : memref<10240x128xf32, #tpu.memory_space<vmem_shared>>)
        tpu.yield
      }) : () -> ()
      "tpu.region"() ({
        %run_scoped3A_165 = tpu.sem_alloc : memref<!tpu.dma_semaphore, #tpu.memory_space<semaphore_mem>>
        %dma_start3A_166 = arith.constant 0 : i32
        %dma_start3A_167 = arith.constant 0 : i32
        %dma_start3A_168 = tpu.memref_slice %arg3[%add3A, %select_n3A_124, %dma_start3A_166, %dma_start3A_167] : memref<32x125x2x80xi32, #tpu.memory_space<hbm>> -> memref<1x1x2x80xi32, #tpu.memory_space<hbm>>
        %dma_start3A_169 = tpu.memref_squeeze %dma_start3A_168 : memref<1x1x2x80xi32, #tpu.memory_space<hbm>> -> memref<2x80xi32, #tpu.memory_space<hbm>>
        %dma_start3A_170 = arith.constant 0 : i32
        %dma_start3A_171 = arith.constant 0 : i32
        %dma_start3A_172 = tpu.memref_slice %arg3[%add3A, %select_n3A_124, %dma_start3A_170, %dma_start3A_171] : memref<32x125x2x80xi32, #tpu.memory_space<hbm>> -> memref<1x1x2x80xi32, #tpu.memory_space<hbm>>
        %dma_start3A_173 = tpu.memref_squeeze %dma_start3A_172 : memref<1x1x2x80xi32, #tpu.memory_space<hbm>> -> memref<2x80xi32, #tpu.memory_space<hbm>>
        tpu.enqueue_dma source(%dma_start3A_173 : memref<2x80xi32, #tpu.memory_space<hbm>>) target(%arg8 : memref<2x80xi32, #tpu.memory_space<vmem>>) target_semaphore(%run_scoped3A_165 : memref<!tpu.dma_semaphore, #tpu.memory_space<semaphore_mem>>)
        %dma_wait3A_174 = arith.constant 0 : i32
        %dma_wait3A_175 = arith.constant 0 : i32
        %dma_wait3A_176 = tpu.memref_slice %arg3[%add3A, %select_n3A_124, %dma_wait3A_174, %dma_wait3A_175] : memref<32x125x2x80xi32, #tpu.memory_space<hbm>> -> memref<1x1x2x80xi32, #tpu.memory_space<hbm>>
        %dma_wait3A_177 = tpu.memref_squeeze %dma_wait3A_176 : memref<1x1x2x80xi32, #tpu.memory_space<hbm>> -> memref<2x80xi32, #tpu.memory_space<hbm>>
        %dma_wait3A_178 = arith.constant 0 : i32
        %dma_wait3A_179 = arith.constant 0 : i32
        %dma_wait3A_180 = tpu.memref_slice %arg3[%add3A, %select_n3A_124, %dma_wait3A_178, %dma_wait3A_179] : memref<32x125x2x80xi32, #tpu.memory_space<hbm>> -> memref<1x1x2x80xi32, #tpu.memory_space<hbm>>
        %dma_wait3A_181 = tpu.memref_squeeze %dma_wait3A_180 : memref<1x1x2x80xi32, #tpu.memory_space<hbm>> -> memref<2x80xi32, #tpu.memory_space<hbm>>
        tpu.wait_dma2 semaphore(%run_scoped3A_165 : memref<!tpu.dma_semaphore, #tpu.memory_space<semaphore_mem>>) src(%dma_wait3A_181 : memref<2x80xi32, #tpu.memory_space<hbm>>) dst(%arg8 : memref<2x80xi32, #tpu.memory_space<vmem>>)
        tpu.yield
      }) : () -> ()
      %dma_start3A_133 = arith.constant 0 : i32
      %dma_start3A_134 = arith.constant 0 : i32
      %dma_start3A_135 = tpu.memref_slice %arg8[%dma_start3A_133, %dma_start3A_134] : memref<2x80xi32, #tpu.memory_space<vmem>> -> memref<1x80xi32, #tpu.memory_space<vmem>>
      %dma_start3A_136 = tpu.memref_squeeze %dma_start3A_135 : memref<1x80xi32, #tpu.memory_space<vmem>> -> memref<80xi32, #tpu.memory_space<vmem>>
      %dma_start3A_137 = arith.constant 0 : i32
      %dma_start3A_138 = arith.constant 0 : i32
      %dma_start3A_139 = tpu.memref_slice %arg2[%dma_start3A_137, %dma_start3A_138] : memref<10000x128xf32, #tpu.memory_space<hbm>> -> memref<10000x128xf32, #tpu.memory_space<hbm>>
      tpu.enqueue_indirect_dma source(%dma_start3A_139 : memref<10000x128xf32, #tpu.memory_space<hbm>>) target(%arg12 : memref<80x128xf32, #tpu.memory_space<vmem>>) offsets(%dma_start3A_136 : memref<80xi32, #tpu.memory_space<vmem>>) semaphore(%arg16 : memref<!tpu.dma_semaphore, #tpu.memory_space<semaphore_mem>>)
      %mul3A_140 = arith.constant 4 : i32
      %mul3A_141 = arith.muli %mul3A_140, %scan3A_67 : i32
      %add3A_142 = arith.constant 4 : i32
      %add3A_143 = arith.addi %mul3A_141, %add3A_142 : i32
      %add3A_144 = arith.constant 3 : i32
      %add3A_145 = arith.addi %add3A_143, %add3A_144 : i32
      %lt3A_146 = arith.constant 125 : i32
      %lt3A_147 = arith.cmpi slt, %add3A_145, %lt3A_146 : i32
      %jit3A_148 = arith.constant 0 : i32
      %select_n3A_149 = arith.select %lt3A_147, %add3A_145, %jit3A_148 : i32
      %dma_wait3A_150 = arith.constant 0 : i32
      %dma_wait3A_151 = arith.constant 0 : i32
      %dma_wait3A_152 = tpu.memref_slice %arg9[%dma_wait3A_150, %dma_wait3A_151] : memref<2x80xi32, #tpu.memory_space<vmem>> -> memref<1x80xi32, #tpu.memory_space<vmem>>
      %dma_wait3A_153 = tpu.memref_squeeze %dma_wait3A_152 : memref<1x80xi32, #tpu.memory_space<vmem>> -> memref<80xi32, #tpu.memory_space<vmem>>
      %dma_wait3A_154 = arith.constant 0 : i32
      %dma_wait3A_155 = arith.constant 0 : i32
      %dma_wait3A_156 = tpu.memref_slice %arg2[%dma_wait3A_154, %dma_wait3A_155] : memref<10000x128xf32, #tpu.memory_space<hbm>> -> memref<10000x128xf32, #tpu.memory_space<hbm>>
      tpu.wait_indirect_dma semaphore(%arg17 : memref<!tpu.dma_semaphore, #tpu.memory_space<semaphore_mem>>) src(%dma_wait3A_156 : memref<10000x128xf32, #tpu.memory_space<hbm>>) dst(%arg13 : memref<80x128xf32, #tpu.memory_space<vmem>>)
      %run_scoped3A_157 = arith.constant 1 : i32
      "tpu.region"() ({
        %run_scoped3A_165 = tpu.sem_alloc : memref<!tpu.dma_semaphore, #tpu.memory_space<semaphore_mem>>
        %dma_start3A_166 = arith.constant 0 : i32
        %dma_start3A_167 = tpu.memref_slice %arg9[%run_scoped3A_157, %dma_start3A_166] : memref<2x80xi32, #tpu.memory_space<vmem>> -> memref<1x80xi32, #tpu.memory_space<vmem>>
        %dma_start3A_168 = tpu.memref_squeeze %dma_start3A_167 : memref<1x80xi32, #tpu.memory_space<vmem>> -> memref<80xi32, #tpu.memory_space<vmem>>
        %dma_start3A_169 = arith.constant 0 : i32
        %dma_start3A_170 = arith.constant 0 : i32
        %dma_start3A_171 = tpu.memref_slice %arg18[%dma_start3A_169, %dma_start3A_170] : memref<10240x128xf32, #tpu.memory_space<vmem_shared>> -> memref<10240x128xf32, #tpu.memory_space<vmem_shared>>
        tpu.enqueue_indirect_dma source(%arg13 : memref<80x128xf32, #tpu.memory_space<vmem>>) target(%dma_start3A_171 : memref<10240x128xf32, #tpu.memory_space<vmem_shared>>) offsets(%dma_start3A_168 : memref<80xi32, #tpu.memory_space<vmem>>) semaphore(%run_scoped3A_165 : memref<!tpu.dma_semaphore, #tpu.memory_space<semaphore_mem>>) {add = true}
        %dma_wait3A_172 = arith.constant 0 : i32
        %dma_wait3A_173 = tpu.memref_slice %arg9[%run_scoped3A_157, %dma_wait3A_172] : memref<2x80xi32, #tpu.memory_space<vmem>> -> memref<1x80xi32, #tpu.memory_space<vmem>>
        %dma_wait3A_174 = tpu.memref_squeeze %dma_wait3A_173 : memref<1x80xi32, #tpu.memory_space<vmem>> -> memref<80xi32, #tpu.memory_space<vmem>>
        %dma_wait3A_175 = arith.constant 0 : i32
        %dma_wait3A_176 = arith.constant 0 : i32
        %dma_wait3A_177 = tpu.memref_slice %arg18[%dma_wait3A_175, %dma_wait3A_176] : memref<10240x128xf32, #tpu.memory_space<vmem_shared>> -> memref<10240x128xf32, #tpu.memory_space<vmem_shared>>
        tpu.wait_indirect_dma semaphore(%run_scoped3A_165 : memref<!tpu.dma_semaphore, #tpu.memory_space<semaphore_mem>>) src(%arg13 : memref<80x128xf32, #tpu.memory_space<vmem>>) dst(%dma_wait3A_177 : memref<10240x128xf32, #tpu.memory_space<vmem_shared>>)
        tpu.yield
      }) : () -> ()
      "tpu.region"() ({
        %run_scoped3A_165 = tpu.sem_alloc : memref<!tpu.dma_semaphore, #tpu.memory_space<semaphore_mem>>
        %dma_start3A_166 = arith.constant 0 : i32
        %dma_start3A_167 = arith.constant 0 : i32
        %dma_start3A_168 = tpu.memref_slice %arg3[%add3A, %select_n3A_149, %dma_start3A_166, %dma_start3A_167] : memref<32x125x2x80xi32, #tpu.memory_space<hbm>> -> memref<1x1x2x80xi32, #tpu.memory_space<hbm>>
        %dma_start3A_169 = tpu.memref_squeeze %dma_start3A_168 : memref<1x1x2x80xi32, #tpu.memory_space<hbm>> -> memref<2x80xi32, #tpu.memory_space<hbm>>
        %dma_start3A_170 = arith.constant 0 : i32
        %dma_start3A_171 = arith.constant 0 : i32
        %dma_start3A_172 = tpu.memref_slice %arg3[%add3A, %select_n3A_149, %dma_start3A_170, %dma_start3A_171] : memref<32x125x2x80xi32, #tpu.memory_space<hbm>> -> memref<1x1x2x80xi32, #tpu.memory_space<hbm>>
        %dma_start3A_173 = tpu.memref_squeeze %dma_start3A_172 : memref<1x1x2x80xi32, #tpu.memory_space<hbm>> -> memref<2x80xi32, #tpu.memory_space<hbm>>
        tpu.enqueue_dma source(%dma_start3A_173 : memref<2x80xi32, #tpu.memory_space<hbm>>) target(%arg9 : memref<2x80xi32, #tpu.memory_space<vmem>>) target_semaphore(%run_scoped3A_165 : memref<!tpu.dma_semaphore, #tpu.memory_space<semaphore_mem>>)
        %dma_wait3A_174 = arith.constant 0 : i32
        %dma_wait3A_175 = arith.constant 0 : i32
        %dma_wait3A_176 = tpu.memref_slice %arg3[%add3A, %select_n3A_149, %dma_wait3A_174, %dma_wait3A_175] : memref<32x125x2x80xi32, #tpu.memory_space<hbm>> -> memref<1x1x2x80xi32, #tpu.memory_space<hbm>>
        %dma_wait3A_177 = tpu.memref_squeeze %dma_wait3A_176 : memref<1x1x2x80xi32, #tpu.memory_space<hbm>> -> memref<2x80xi32, #tpu.memory_space<hbm>>
        %dma_wait3A_178 = arith.constant 0 : i32
        %dma_wait3A_179 = arith.constant 0 : i32
        %dma_wait3A_180 = tpu.memref_slice %arg3[%add3A, %select_n3A_149, %dma_wait3A_178, %dma_wait3A_179] : memref<32x125x2x80xi32, #tpu.memory_space<hbm>> -> memref<1x1x2x80xi32, #tpu.memory_space<hbm>>
        %dma_wait3A_181 = tpu.memref_squeeze %dma_wait3A_180 : memref<1x1x2x80xi32, #tpu.memory_space<hbm>> -> memref<2x80xi32, #tpu.memory_space<hbm>>
        tpu.wait_dma2 semaphore(%run_scoped3A_165 : memref<!tpu.dma_semaphore, #tpu.memory_space<semaphore_mem>>) src(%dma_wait3A_181 : memref<2x80xi32, #tpu.memory_space<hbm>>) dst(%arg9 : memref<2x80xi32, #tpu.memory_space<vmem>>)
        tpu.yield
      }) : () -> ()
      %dma_start3A_158 = arith.constant 0 : i32
      %dma_start3A_159 = arith.constant 0 : i32
      %dma_start3A_160 = tpu.memref_slice %arg9[%dma_start3A_158, %dma_start3A_159] : memref<2x80xi32, #tpu.memory_space<vmem>> -> memref<1x80xi32, #tpu.memory_space<vmem>>
      %dma_start3A_161 = tpu.memref_squeeze %dma_start3A_160 : memref<1x80xi32, #tpu.memory_space<vmem>> -> memref<80xi32, #tpu.memory_space<vmem>>
      %dma_start3A_162 = arith.constant 0 : i32
      %dma_start3A_163 = arith.constant 0 : i32
      %dma_start3A_164 = tpu.memref_slice %arg2[%dma_start3A_162, %dma_start3A_163] : memref<10000x128xf32, #tpu.memory_space<hbm>> -> memref<10000x128xf32, #tpu.memory_space<hbm>>
      tpu.enqueue_indirect_dma source(%dma_start3A_164 : memref<10000x128xf32, #tpu.memory_space<hbm>>) target(%arg13 : memref<80x128xf32, #tpu.memory_space<vmem>>) offsets(%dma_start3A_161 : memref<80xi32, #tpu.memory_space<vmem>>) semaphore(%arg17 : memref<!tpu.dma_semaphore, #tpu.memory_space<semaphore_mem>>)
    }
    %scan3A_37 = arith.constant 31 : i32
    %dma_wait3A = arith.constant 0 : i32
    %dma_wait3A_38 = arith.constant 0 : i32
    %dma_wait3A_39 = tpu.memref_slice %arg6[%dma_wait3A, %dma_wait3A_38] : memref<2x80xi32, #tpu.memory_space<vmem>> -> memref<1x80xi32, #tpu.memory_space<vmem>>
    %dma_wait3A_40 = tpu.memref_squeeze %dma_wait3A_39 : memref<1x80xi32, #tpu.memory_space<vmem>> -> memref<80xi32, #tpu.memory_space<vmem>>
    %dma_wait3A_41 = arith.constant 0 : i32
    %dma_wait3A_42 = arith.constant 0 : i32
    %dma_wait3A_43 = tpu.memref_slice %arg2[%dma_wait3A_41, %dma_wait3A_42] : memref<10000x128xf32, #tpu.memory_space<hbm>> -> memref<10000x128xf32, #tpu.memory_space<hbm>>
    tpu.wait_indirect_dma semaphore(%arg14 : memref<!tpu.dma_semaphore, #tpu.memory_space<semaphore_mem>>) src(%dma_wait3A_43 : memref<10000x128xf32, #tpu.memory_space<hbm>>) dst(%arg10 : memref<80x128xf32, #tpu.memory_space<vmem>>)
    %run_scoped3A_44 = arith.constant 1 : i32
    "tpu.region"() ({
      %run_scoped3A_67 = tpu.sem_alloc : memref<!tpu.dma_semaphore, #tpu.memory_space<semaphore_mem>>
      %dma_start3A_68 = arith.constant 0 : i32
      %dma_start3A_69 = tpu.memref_slice %arg6[%run_scoped3A_44, %dma_start3A_68] : memref<2x80xi32, #tpu.memory_space<vmem>> -> memref<1x80xi32, #tpu.memory_space<vmem>>
      %dma_start3A_70 = tpu.memref_squeeze %dma_start3A_69 : memref<1x80xi32, #tpu.memory_space<vmem>> -> memref<80xi32, #tpu.memory_space<vmem>>
      %dma_start3A_71 = arith.constant 0 : i32
      %dma_start3A_72 = arith.constant 0 : i32
      %dma_start3A_73 = tpu.memref_slice %arg18[%dma_start3A_71, %dma_start3A_72] : memref<10240x128xf32, #tpu.memory_space<vmem_shared>> -> memref<10240x128xf32, #tpu.memory_space<vmem_shared>>
      tpu.enqueue_indirect_dma source(%arg10 : memref<80x128xf32, #tpu.memory_space<vmem>>) target(%dma_start3A_73 : memref<10240x128xf32, #tpu.memory_space<vmem_shared>>) offsets(%dma_start3A_70 : memref<80xi32, #tpu.memory_space<vmem>>) semaphore(%run_scoped3A_67 : memref<!tpu.dma_semaphore, #tpu.memory_space<semaphore_mem>>) {add = true}
      %dma_wait3A_74 = arith.constant 0 : i32
      %dma_wait3A_75 = tpu.memref_slice %arg6[%run_scoped3A_44, %dma_wait3A_74] : memref<2x80xi32, #tpu.memory_space<vmem>> -> memref<1x80xi32, #tpu.memory_space<vmem>>
      %dma_wait3A_76 = tpu.memref_squeeze %dma_wait3A_75 : memref<1x80xi32, #tpu.memory_space<vmem>> -> memref<80xi32, #tpu.memory_space<vmem>>
      %dma_wait3A_77 = arith.constant 0 : i32
      %dma_wait3A_78 = arith.constant 0 : i32
      %dma_wait3A_79 = tpu.memref_slice %arg18[%dma_wait3A_77, %dma_wait3A_78] : memref<10240x128xf32, #tpu.memory_space<vmem_shared>> -> memref<10240x128xf32, #tpu.memory_space<vmem_shared>>
      tpu.wait_indirect_dma semaphore(%run_scoped3A_67 : memref<!tpu.dma_semaphore, #tpu.memory_space<semaphore_mem>>) src(%arg10 : memref<80x128xf32, #tpu.memory_space<vmem>>) dst(%dma_wait3A_79 : memref<10240x128xf32, #tpu.memory_space<vmem_shared>>)
      tpu.yield
    }) : () -> ()
    %dma_wait3A_45 = arith.constant 0 : i32
    %dma_wait3A_46 = arith.constant 0 : i32
    %dma_wait3A_47 = tpu.memref_slice %arg7[%dma_wait3A_45, %dma_wait3A_46] : memref<2x80xi32, #tpu.memory_space<vmem>> -> memref<1x80xi32, #tpu.memory_space<vmem>>
    %dma_wait3A_48 = tpu.memref_squeeze %dma_wait3A_47 : memref<1x80xi32, #tpu.memory_space<vmem>> -> memref<80xi32, #tpu.memory_space<vmem>>
    %dma_wait3A_49 = arith.constant 0 : i32
    %dma_wait3A_50 = arith.constant 0 : i32
    %dma_wait3A_51 = tpu.memref_slice %arg2[%dma_wait3A_49, %dma_wait3A_50] : memref<10000x128xf32, #tpu.memory_space<hbm>> -> memref<10000x128xf32, #tpu.memory_space<hbm>>
    tpu.wait_indirect_dma semaphore(%arg15 : memref<!tpu.dma_semaphore, #tpu.memory_space<semaphore_mem>>) src(%dma_wait3A_51 : memref<10000x128xf32, #tpu.memory_space<hbm>>) dst(%arg11 : memref<80x128xf32, #tpu.memory_space<vmem>>)
    %dma_wait3A_52 = arith.constant 0 : i32
    %dma_wait3A_53 = arith.constant 0 : i32
    %dma_wait3A_54 = tpu.memref_slice %arg8[%dma_wait3A_52, %dma_wait3A_53] : memref<2x80xi32, #tpu.memory_space<vmem>> -> memref<1x80xi32, #tpu.memory_space<vmem>>
    %dma_wait3A_55 = tpu.memref_squeeze %dma_wait3A_54 : memref<1x80xi32, #tpu.memory_space<vmem>> -> memref<80xi32, #tpu.memory_space<vmem>>
    %dma_wait3A_56 = arith.constant 0 : i32
    %dma_wait3A_57 = arith.constant 0 : i32
    %dma_wait3A_58 = tpu.memref_slice %arg2[%dma_wait3A_56, %dma_wait3A_57] : memref<10000x128xf32, #tpu.memory_space<hbm>> -> memref<10000x128xf32, #tpu.memory_space<hbm>>
    tpu.wait_indirect_dma semaphore(%arg16 : memref<!tpu.dma_semaphore, #tpu.memory_space<semaphore_mem>>) src(%dma_wait3A_58 : memref<10000x128xf32, #tpu.memory_space<hbm>>) dst(%arg12 : memref<80x128xf32, #tpu.memory_space<vmem>>)
    %dma_wait3A_59 = arith.constant 0 : i32
    %dma_wait3A_60 = arith.constant 0 : i32
    %dma_wait3A_61 = tpu.memref_slice %arg9[%dma_wait3A_59, %dma_wait3A_60] : memref<2x80xi32, #tpu.memory_space<vmem>> -> memref<1x80xi32, #tpu.memory_space<vmem>>
    %dma_wait3A_62 = tpu.memref_squeeze %dma_wait3A_61 : memref<1x80xi32, #tpu.memory_space<vmem>> -> memref<80xi32, #tpu.memory_space<vmem>>
    %dma_wait3A_63 = arith.constant 0 : i32
    %dma_wait3A_64 = arith.constant 0 : i32
    %dma_wait3A_65 = tpu.memref_slice %arg2[%dma_wait3A_63, %dma_wait3A_64] : memref<10000x128xf32, #tpu.memory_space<hbm>> -> memref<10000x128xf32, #tpu.memory_space<hbm>>
    tpu.wait_indirect_dma semaphore(%arg17 : memref<!tpu.dma_semaphore, #tpu.memory_space<semaphore_mem>>) src(%dma_wait3A_65 : memref<10000x128xf32, #tpu.memory_space<hbm>>) dst(%arg13 : memref<80x128xf32, #tpu.memory_space<vmem>>)
    %barrier3A_66 = arith.constant 0 : index
    tpu.barrier barrier_id(%barrier3A_66)
    "tpu.region"() ({
      %run_scoped3A_67 = tpu.sem_alloc : memref<!tpu.dma_semaphore, #tpu.memory_space<semaphore_mem>>
      %dma_start3A_68 = arith.constant 0 : i32
      %dma_start3A_69 = tpu.memref_slice %arg5[%arg0, %mul3A_2, %dma_start3A_68] : memref<2x10240x128xf32, #tpu.memory_space<hbm>> -> memref<1x640x128xf32, #tpu.memory_space<hbm>>
      %dma_start3A_70 = tpu.memref_squeeze %dma_start3A_69 : memref<1x640x128xf32, #tpu.memory_space<hbm>> -> memref<640x128xf32, #tpu.memory_space<hbm>>
      %dma_start3A_71 = arith.constant 0 : i32
      %dma_start3A_72 = tpu.memref_slice %arg18[%mul3A_2, %dma_start3A_71] : memref<10240x128xf32, #tpu.memory_space<vmem_shared>> -> memref<640x128xf32, #tpu.memory_space<vmem_shared>>
      tpu.enqueue_dma source(%dma_start3A_72 : memref<640x128xf32, #tpu.memory_space<vmem_shared>>) target(%dma_start3A_70 : memref<640x128xf32, #tpu.memory_space<hbm>>) target_semaphore(%run_scoped3A_67 : memref<!tpu.dma_semaphore, #tpu.memory_space<semaphore_mem>>)
      %dma_wait3A_73 = arith.constant 0 : i32
      %dma_wait3A_74 = tpu.memref_slice %arg5[%arg0, %mul3A_2, %dma_wait3A_73] : memref<2x10240x128xf32, #tpu.memory_space<hbm>> -> memref<1x640x128xf32, #tpu.memory_space<hbm>>
      %dma_wait3A_75 = tpu.memref_squeeze %dma_wait3A_74 : memref<1x640x128xf32, #tpu.memory_space<hbm>> -> memref<640x128xf32, #tpu.memory_space<hbm>>
      %dma_wait3A_76 = arith.constant 0 : i32
      %dma_wait3A_77 = tpu.memref_slice %arg18[%mul3A_2, %dma_wait3A_76] : memref<10240x128xf32, #tpu.memory_space<vmem_shared>> -> memref<640x128xf32, #tpu.memory_space<vmem_shared>>
      tpu.wait_dma2 semaphore(%run_scoped3A_67 : memref<!tpu.dma_semaphore, #tpu.memory_space<semaphore_mem>>) src(%dma_wait3A_77 : memref<640x128xf32, #tpu.memory_space<vmem_shared>>) dst(%dma_wait3A_75 : memref<640x128xf32, #tpu.memory_space<hbm>>)
      tpu.yield
    }) : () -> ()
    return
  }
}

#map = affine_map<(d0, d1) -> (0)>
#map1 = affine_map<(d0, d1) -> (0, 0)>
#map2 = affine_map<(d0, d1) -> (0, 0, 0)>
module attributes {stable_mosaic.version = 14 : i64} {
  func.func @_sc_degree(%arg0: i32, %arg1: i32, %arg2: memref<320000xi32, #tpu.memory_space<hbm>>, %arg3: memref<80x16xf32, #tpu.memory_space<hbm>>, %arg4: memref<640x16xf32, #tpu.memory_space<hbm>>, %arg5: memref<2x10240x16xf32, #tpu.memory_space<hbm>>, %arg6: memref<80xi32, #tpu.memory_space<vmem>>, %arg7: memref<80xi32, #tpu.memory_space<vmem>>, %arg8: memref<80xi32, #tpu.memory_space<vmem>>, %arg9: memref<80xi32, #tpu.memory_space<vmem>>, %arg10: memref<80x16xf32, #tpu.memory_space<vmem>>, %arg11: memref<!tpu.dma_semaphore, #tpu.memory_space<semaphore_mem>>, %arg12: memref<!tpu.dma_semaphore, #tpu.memory_space<semaphore_mem>>, %arg13: memref<!tpu.dma_semaphore, #tpu.memory_space<semaphore_mem>>, %arg14: memref<!tpu.dma_semaphore, #tpu.memory_space<semaphore_mem>>, %arg15: memref<10240x16xf32, #tpu.memory_space<vmem_shared>>) attributes {dimension_semantics = [#tpu.dimension_semantics<core_parallel>, #tpu.dimension_semantics<subcore_parallel>], iteration_bounds = array<i64: 2, 16>, scalar_prefetch = 0 : i64, scratch_operands = 10 : i64, tpu.core_type = #tpu.core_type<sc_vector_subcore>, window_params = [{transform_indices = #map}, {transform_indices = #map1}, {transform_indices = #map1}, {transform_indices = #map2}]} {
    %mul3A = arith.constant 640 : i32
    %mul3A_0 = arith.muli %arg1, %mul3A : i32
    "tpu.region"() ({
      %run_scoped3A = tpu.sem_alloc : memref<!tpu.dma_semaphore, #tpu.memory_space<semaphore_mem>>
      %dma_start3A_49 = arith.constant 0 : i32
      %dma_start3A_50 = tpu.memref_slice %arg15[%mul3A_0, %dma_start3A_49] : memref<10240x16xf32, #tpu.memory_space<vmem_shared>> -> memref<640x16xf32, #tpu.memory_space<vmem_shared>>
      tpu.enqueue_dma source(%arg4 : memref<640x16xf32, #tpu.memory_space<hbm>>) target(%dma_start3A_50 : memref<640x16xf32, #tpu.memory_space<vmem_shared>>) target_semaphore(%run_scoped3A : memref<!tpu.dma_semaphore, #tpu.memory_space<semaphore_mem>>)
      %dma_wait3A_51 = arith.constant 0 : i32
      %dma_wait3A_52 = tpu.memref_slice %arg15[%mul3A_0, %dma_wait3A_51] : memref<10240x16xf32, #tpu.memory_space<vmem_shared>> -> memref<640x16xf32, #tpu.memory_space<vmem_shared>>
      tpu.wait_dma2 semaphore(%run_scoped3A : memref<!tpu.dma_semaphore, #tpu.memory_space<semaphore_mem>>) src(%arg4 : memref<640x16xf32, #tpu.memory_space<hbm>>) dst(%dma_wait3A_52 : memref<640x16xf32, #tpu.memory_space<vmem_shared>>)
      tpu.yield
    }) : () -> ()
    "tpu.region"() ({
      %run_scoped3A = tpu.sem_alloc : memref<!tpu.dma_semaphore, #tpu.memory_space<semaphore_mem>>
      tpu.enqueue_dma source(%arg3 : memref<80x16xf32, #tpu.memory_space<hbm>>) target(%arg10 : memref<80x16xf32, #tpu.memory_space<vmem>>) target_semaphore(%run_scoped3A : memref<!tpu.dma_semaphore, #tpu.memory_space<semaphore_mem>>)
      tpu.wait_dma2 semaphore(%run_scoped3A : memref<!tpu.dma_semaphore, #tpu.memory_space<semaphore_mem>>) src(%arg3 : memref<80x16xf32, #tpu.memory_space<hbm>>) dst(%arg10 : memref<80x16xf32, #tpu.memory_space<vmem>>)
      tpu.yield
    }) : () -> ()
    %barrier3A = arith.constant 0 : index
    tpu.barrier barrier_id(%barrier3A)
    %mul3A_1 = arith.constant 16 : i32
    %mul3A_2 = arith.muli %arg0, %mul3A_1 : i32
    %add3A = arith.addi %mul3A_2, %arg1 : i32
    %mul3A_3 = arith.constant 10000 : i32
    %mul3A_4 = arith.muli %add3A, %mul3A_3 : i32
    %add3A_5 = arith.constant 0 : i32
    %add3A_6 = arith.addi %mul3A_4, %add3A_5 : i32
    "tpu.region"() ({
      %run_scoped3A = tpu.sem_alloc : memref<!tpu.dma_semaphore, #tpu.memory_space<semaphore_mem>>
      %dma_start3A_49 = tpu.memref_slice %arg2[%add3A_6] : memref<320000xi32, #tpu.memory_space<hbm>> -> memref<80xi32, #tpu.memory_space<hbm>>
      %dma_start3A_50 = tpu.memref_slice %arg2[%add3A_6] : memref<320000xi32, #tpu.memory_space<hbm>> -> memref<80xi32, #tpu.memory_space<hbm>>
      tpu.enqueue_dma source(%dma_start3A_50 : memref<80xi32, #tpu.memory_space<hbm>>) target(%arg6 : memref<80xi32, #tpu.memory_space<vmem>>) target_semaphore(%run_scoped3A : memref<!tpu.dma_semaphore, #tpu.memory_space<semaphore_mem>>)
      %dma_wait3A_51 = tpu.memref_slice %arg2[%add3A_6] : memref<320000xi32, #tpu.memory_space<hbm>> -> memref<80xi32, #tpu.memory_space<hbm>>
      %dma_wait3A_52 = tpu.memref_slice %arg2[%add3A_6] : memref<320000xi32, #tpu.memory_space<hbm>> -> memref<80xi32, #tpu.memory_space<hbm>>
      tpu.wait_dma2 semaphore(%run_scoped3A : memref<!tpu.dma_semaphore, #tpu.memory_space<semaphore_mem>>) src(%dma_wait3A_52 : memref<80xi32, #tpu.memory_space<hbm>>) dst(%arg6 : memref<80xi32, #tpu.memory_space<vmem>>)
      tpu.yield
    }) : () -> ()
    %dma_start3A = arith.constant 0 : i32
    %dma_start3A_7 = arith.constant 0 : i32
    %dma_start3A_8 = tpu.memref_slice %arg15[%dma_start3A, %dma_start3A_7] : memref<10240x16xf32, #tpu.memory_space<vmem_shared>> -> memref<10240x16xf32, #tpu.memory_space<vmem_shared>>
    tpu.enqueue_indirect_dma source(%arg10 : memref<80x16xf32, #tpu.memory_space<vmem>>) target(%dma_start3A_8 : memref<10240x16xf32, #tpu.memory_space<vmem_shared>>) offsets(%arg6 : memref<80xi32, #tpu.memory_space<vmem>>) semaphore(%arg11 : memref<!tpu.dma_semaphore, #tpu.memory_space<semaphore_mem>>) {add = true}
    %add3A_9 = arith.constant 80 : i32
    %add3A_10 = arith.addi %mul3A_4, %add3A_9 : i32
    "tpu.region"() ({
      %run_scoped3A = tpu.sem_alloc : memref<!tpu.dma_semaphore, #tpu.memory_space<semaphore_mem>>
      %dma_start3A_49 = tpu.memref_slice %arg2[%add3A_10] : memref<320000xi32, #tpu.memory_space<hbm>> -> memref<80xi32, #tpu.memory_space<hbm>>
      %dma_start3A_50 = tpu.memref_slice %arg2[%add3A_10] : memref<320000xi32, #tpu.memory_space<hbm>> -> memref<80xi32, #tpu.memory_space<hbm>>
      tpu.enqueue_dma source(%dma_start3A_50 : memref<80xi32, #tpu.memory_space<hbm>>) target(%arg7 : memref<80xi32, #tpu.memory_space<vmem>>) target_semaphore(%run_scoped3A : memref<!tpu.dma_semaphore, #tpu.memory_space<semaphore_mem>>)
      %dma_wait3A_51 = tpu.memref_slice %arg2[%add3A_10] : memref<320000xi32, #tpu.memory_space<hbm>> -> memref<80xi32, #tpu.memory_space<hbm>>
      %dma_wait3A_52 = tpu.memref_slice %arg2[%add3A_10] : memref<320000xi32, #tpu.memory_space<hbm>> -> memref<80xi32, #tpu.memory_space<hbm>>
      tpu.wait_dma2 semaphore(%run_scoped3A : memref<!tpu.dma_semaphore, #tpu.memory_space<semaphore_mem>>) src(%dma_wait3A_52 : memref<80xi32, #tpu.memory_space<hbm>>) dst(%arg7 : memref<80xi32, #tpu.memory_space<vmem>>)
      tpu.yield
    }) : () -> ()
    %dma_start3A_11 = arith.constant 0 : i32
    %dma_start3A_12 = arith.constant 0 : i32
    %dma_start3A_13 = tpu.memref_slice %arg15[%dma_start3A_11, %dma_start3A_12] : memref<10240x16xf32, #tpu.memory_space<vmem_shared>> -> memref<10240x16xf32, #tpu.memory_space<vmem_shared>>
    tpu.enqueue_indirect_dma source(%arg10 : memref<80x16xf32, #tpu.memory_space<vmem>>) target(%dma_start3A_13 : memref<10240x16xf32, #tpu.memory_space<vmem_shared>>) offsets(%arg7 : memref<80xi32, #tpu.memory_space<vmem>>) semaphore(%arg12 : memref<!tpu.dma_semaphore, #tpu.memory_space<semaphore_mem>>) {add = true}
    %add3A_14 = arith.constant 160 : i32
    %add3A_15 = arith.addi %mul3A_4, %add3A_14 : i32
    "tpu.region"() ({
      %run_scoped3A = tpu.sem_alloc : memref<!tpu.dma_semaphore, #tpu.memory_space<semaphore_mem>>
      %dma_start3A_49 = tpu.memref_slice %arg2[%add3A_15] : memref<320000xi32, #tpu.memory_space<hbm>> -> memref<80xi32, #tpu.memory_space<hbm>>
      %dma_start3A_50 = tpu.memref_slice %arg2[%add3A_15] : memref<320000xi32, #tpu.memory_space<hbm>> -> memref<80xi32, #tpu.memory_space<hbm>>
      tpu.enqueue_dma source(%dma_start3A_50 : memref<80xi32, #tpu.memory_space<hbm>>) target(%arg8 : memref<80xi32, #tpu.memory_space<vmem>>) target_semaphore(%run_scoped3A : memref<!tpu.dma_semaphore, #tpu.memory_space<semaphore_mem>>)
      %dma_wait3A_51 = tpu.memref_slice %arg2[%add3A_15] : memref<320000xi32, #tpu.memory_space<hbm>> -> memref<80xi32, #tpu.memory_space<hbm>>
      %dma_wait3A_52 = tpu.memref_slice %arg2[%add3A_15] : memref<320000xi32, #tpu.memory_space<hbm>> -> memref<80xi32, #tpu.memory_space<hbm>>
      tpu.wait_dma2 semaphore(%run_scoped3A : memref<!tpu.dma_semaphore, #tpu.memory_space<semaphore_mem>>) src(%dma_wait3A_52 : memref<80xi32, #tpu.memory_space<hbm>>) dst(%arg8 : memref<80xi32, #tpu.memory_space<vmem>>)
      tpu.yield
    }) : () -> ()
    %dma_start3A_16 = arith.constant 0 : i32
    %dma_start3A_17 = arith.constant 0 : i32
    %dma_start3A_18 = tpu.memref_slice %arg15[%dma_start3A_16, %dma_start3A_17] : memref<10240x16xf32, #tpu.memory_space<vmem_shared>> -> memref<10240x16xf32, #tpu.memory_space<vmem_shared>>
    tpu.enqueue_indirect_dma source(%arg10 : memref<80x16xf32, #tpu.memory_space<vmem>>) target(%dma_start3A_18 : memref<10240x16xf32, #tpu.memory_space<vmem_shared>>) offsets(%arg8 : memref<80xi32, #tpu.memory_space<vmem>>) semaphore(%arg13 : memref<!tpu.dma_semaphore, #tpu.memory_space<semaphore_mem>>) {add = true}
    %add3A_19 = arith.constant 240 : i32
    %add3A_20 = arith.addi %mul3A_4, %add3A_19 : i32
    "tpu.region"() ({
      %run_scoped3A = tpu.sem_alloc : memref<!tpu.dma_semaphore, #tpu.memory_space<semaphore_mem>>
      %dma_start3A_49 = tpu.memref_slice %arg2[%add3A_20] : memref<320000xi32, #tpu.memory_space<hbm>> -> memref<80xi32, #tpu.memory_space<hbm>>
      %dma_start3A_50 = tpu.memref_slice %arg2[%add3A_20] : memref<320000xi32, #tpu.memory_space<hbm>> -> memref<80xi32, #tpu.memory_space<hbm>>
      tpu.enqueue_dma source(%dma_start3A_50 : memref<80xi32, #tpu.memory_space<hbm>>) target(%arg9 : memref<80xi32, #tpu.memory_space<vmem>>) target_semaphore(%run_scoped3A : memref<!tpu.dma_semaphore, #tpu.memory_space<semaphore_mem>>)
      %dma_wait3A_51 = tpu.memref_slice %arg2[%add3A_20] : memref<320000xi32, #tpu.memory_space<hbm>> -> memref<80xi32, #tpu.memory_space<hbm>>
      %dma_wait3A_52 = tpu.memref_slice %arg2[%add3A_20] : memref<320000xi32, #tpu.memory_space<hbm>> -> memref<80xi32, #tpu.memory_space<hbm>>
      tpu.wait_dma2 semaphore(%run_scoped3A : memref<!tpu.dma_semaphore, #tpu.memory_space<semaphore_mem>>) src(%dma_wait3A_52 : memref<80xi32, #tpu.memory_space<hbm>>) dst(%arg9 : memref<80xi32, #tpu.memory_space<vmem>>)
      tpu.yield
    }) : () -> ()
    %dma_start3A_21 = arith.constant 0 : i32
    %dma_start3A_22 = arith.constant 0 : i32
    %dma_start3A_23 = tpu.memref_slice %arg15[%dma_start3A_21, %dma_start3A_22] : memref<10240x16xf32, #tpu.memory_space<vmem_shared>> -> memref<10240x16xf32, #tpu.memory_space<vmem_shared>>
    tpu.enqueue_indirect_dma source(%arg10 : memref<80x16xf32, #tpu.memory_space<vmem>>) target(%dma_start3A_23 : memref<10240x16xf32, #tpu.memory_space<vmem_shared>>) offsets(%arg9 : memref<80xi32, #tpu.memory_space<vmem>>) semaphore(%arg14 : memref<!tpu.dma_semaphore, #tpu.memory_space<semaphore_mem>>) {add = true}
    %scan3A = arith.constant 0 : i32
    %scan3A_24 = arith.constant 0 : i32
    %scan3A_25 = arith.constant 30 : i32
    %scan3A_26 = arith.addi %scan3A_24, %scan3A_25 : i32
    %scan3A_27 = arith.constant 1 : i32
    scf.for %scan3A_49 = %scan3A_24 to %scan3A_26 step %scan3A_27  : i32 {
      %dma_wait3A_50 = arith.constant 0 : i32
      %dma_wait3A_51 = arith.constant 0 : i32
      %dma_wait3A_52 = tpu.memref_slice %arg15[%dma_wait3A_50, %dma_wait3A_51] : memref<10240x16xf32, #tpu.memory_space<vmem_shared>> -> memref<10240x16xf32, #tpu.memory_space<vmem_shared>>
      tpu.wait_indirect_dma semaphore(%arg11 : memref<!tpu.dma_semaphore, #tpu.memory_space<semaphore_mem>>) src(%arg10 : memref<80x16xf32, #tpu.memory_space<vmem>>) dst(%dma_wait3A_52 : memref<10240x16xf32, #tpu.memory_space<vmem_shared>>)
      %mul3A_53 = arith.constant 4 : i32
      %mul3A_54 = arith.muli %mul3A_53, %scan3A_49 : i32
      %add3A_55 = arith.constant 4 : i32
      %add3A_56 = arith.addi %mul3A_54, %add3A_55 : i32
      %add3A_57 = arith.constant 0 : i32
      %add3A_58 = arith.addi %add3A_56, %add3A_57 : i32
      %mul3A_59 = arith.constant 80 : i32
      %mul3A_60 = arith.muli %add3A_58, %mul3A_59 : i32
      %add3A_61 = arith.addi %mul3A_4, %mul3A_60 : i32
      "tpu.region"() ({
        %run_scoped3A = tpu.sem_alloc : memref<!tpu.dma_semaphore, #tpu.memory_space<semaphore_mem>>
        %dma_start3A_110 = tpu.memref_slice %arg2[%add3A_61] : memref<320000xi32, #tpu.memory_space<hbm>> -> memref<80xi32, #tpu.memory_space<hbm>>
        %dma_start3A_111 = tpu.memref_slice %arg2[%add3A_61] : memref<320000xi32, #tpu.memory_space<hbm>> -> memref<80xi32, #tpu.memory_space<hbm>>
        tpu.enqueue_dma source(%dma_start3A_111 : memref<80xi32, #tpu.memory_space<hbm>>) target(%arg6 : memref<80xi32, #tpu.memory_space<vmem>>) target_semaphore(%run_scoped3A : memref<!tpu.dma_semaphore, #tpu.memory_space<semaphore_mem>>)
        %dma_wait3A_112 = tpu.memref_slice %arg2[%add3A_61] : memref<320000xi32, #tpu.memory_space<hbm>> -> memref<80xi32, #tpu.memory_space<hbm>>
        %dma_wait3A_113 = tpu.memref_slice %arg2[%add3A_61] : memref<320000xi32, #tpu.memory_space<hbm>> -> memref<80xi32, #tpu.memory_space<hbm>>
        tpu.wait_dma2 semaphore(%run_scoped3A : memref<!tpu.dma_semaphore, #tpu.memory_space<semaphore_mem>>) src(%dma_wait3A_113 : memref<80xi32, #tpu.memory_space<hbm>>) dst(%arg6 : memref<80xi32, #tpu.memory_space<vmem>>)
        tpu.yield
      }) : () -> ()
      %dma_start3A_62 = arith.constant 0 : i32
      %dma_start3A_63 = arith.constant 0 : i32
      %dma_start3A_64 = tpu.memref_slice %arg15[%dma_start3A_62, %dma_start3A_63] : memref<10240x16xf32, #tpu.memory_space<vmem_shared>> -> memref<10240x16xf32, #tpu.memory_space<vmem_shared>>
      tpu.enqueue_indirect_dma source(%arg10 : memref<80x16xf32, #tpu.memory_space<vmem>>) target(%dma_start3A_64 : memref<10240x16xf32, #tpu.memory_space<vmem_shared>>) offsets(%arg6 : memref<80xi32, #tpu.memory_space<vmem>>) semaphore(%arg11 : memref<!tpu.dma_semaphore, #tpu.memory_space<semaphore_mem>>) {add = true}
      %dma_wait3A_65 = arith.constant 0 : i32
      %dma_wait3A_66 = arith.constant 0 : i32
      %dma_wait3A_67 = tpu.memref_slice %arg15[%dma_wait3A_65, %dma_wait3A_66] : memref<10240x16xf32, #tpu.memory_space<vmem_shared>> -> memref<10240x16xf32, #tpu.memory_space<vmem_shared>>
      tpu.wait_indirect_dma semaphore(%arg12 : memref<!tpu.dma_semaphore, #tpu.memory_space<semaphore_mem>>) src(%arg10 : memref<80x16xf32, #tpu.memory_space<vmem>>) dst(%dma_wait3A_67 : memref<10240x16xf32, #tpu.memory_space<vmem_shared>>)
      %mul3A_68 = arith.constant 4 : i32
      %mul3A_69 = arith.muli %mul3A_68, %scan3A_49 : i32
      %add3A_70 = arith.constant 4 : i32
      %add3A_71 = arith.addi %mul3A_69, %add3A_70 : i32
      %add3A_72 = arith.constant 1 : i32
      %add3A_73 = arith.addi %add3A_71, %add3A_72 : i32
      %mul3A_74 = arith.constant 80 : i32
      %mul3A_75 = arith.muli %add3A_73, %mul3A_74 : i32
      %add3A_76 = arith.addi %mul3A_4, %mul3A_75 : i32
      "tpu.region"() ({
        %run_scoped3A = tpu.sem_alloc : memref<!tpu.dma_semaphore, #tpu.memory_space<semaphore_mem>>
        %dma_start3A_110 = tpu.memref_slice %arg2[%add3A_76] : memref<320000xi32, #tpu.memory_space<hbm>> -> memref<80xi32, #tpu.memory_space<hbm>>
        %dma_start3A_111 = tpu.memref_slice %arg2[%add3A_76] : memref<320000xi32, #tpu.memory_space<hbm>> -> memref<80xi32, #tpu.memory_space<hbm>>
        tpu.enqueue_dma source(%dma_start3A_111 : memref<80xi32, #tpu.memory_space<hbm>>) target(%arg7 : memref<80xi32, #tpu.memory_space<vmem>>) target_semaphore(%run_scoped3A : memref<!tpu.dma_semaphore, #tpu.memory_space<semaphore_mem>>)
        %dma_wait3A_112 = tpu.memref_slice %arg2[%add3A_76] : memref<320000xi32, #tpu.memory_space<hbm>> -> memref<80xi32, #tpu.memory_space<hbm>>
        %dma_wait3A_113 = tpu.memref_slice %arg2[%add3A_76] : memref<320000xi32, #tpu.memory_space<hbm>> -> memref<80xi32, #tpu.memory_space<hbm>>
        tpu.wait_dma2 semaphore(%run_scoped3A : memref<!tpu.dma_semaphore, #tpu.memory_space<semaphore_mem>>) src(%dma_wait3A_113 : memref<80xi32, #tpu.memory_space<hbm>>) dst(%arg7 : memref<80xi32, #tpu.memory_space<vmem>>)
        tpu.yield
      }) : () -> ()
      %dma_start3A_77 = arith.constant 0 : i32
      %dma_start3A_78 = arith.constant 0 : i32
      %dma_start3A_79 = tpu.memref_slice %arg15[%dma_start3A_77, %dma_start3A_78] : memref<10240x16xf32, #tpu.memory_space<vmem_shared>> -> memref<10240x16xf32, #tpu.memory_space<vmem_shared>>
      tpu.enqueue_indirect_dma source(%arg10 : memref<80x16xf32, #tpu.memory_space<vmem>>) target(%dma_start3A_79 : memref<10240x16xf32, #tpu.memory_space<vmem_shared>>) offsets(%arg7 : memref<80xi32, #tpu.memory_space<vmem>>) semaphore(%arg12 : memref<!tpu.dma_semaphore, #tpu.memory_space<semaphore_mem>>) {add = true}
      %dma_wait3A_80 = arith.constant 0 : i32
      %dma_wait3A_81 = arith.constant 0 : i32
      %dma_wait3A_82 = tpu.memref_slice %arg15[%dma_wait3A_80, %dma_wait3A_81] : memref<10240x16xf32, #tpu.memory_space<vmem_shared>> -> memref<10240x16xf32, #tpu.memory_space<vmem_shared>>
      tpu.wait_indirect_dma semaphore(%arg13 : memref<!tpu.dma_semaphore, #tpu.memory_space<semaphore_mem>>) src(%arg10 : memref<80x16xf32, #tpu.memory_space<vmem>>) dst(%dma_wait3A_82 : memref<10240x16xf32, #tpu.memory_space<vmem_shared>>)
      %mul3A_83 = arith.constant 4 : i32
      %mul3A_84 = arith.muli %mul3A_83, %scan3A_49 : i32
      %add3A_85 = arith.constant 4 : i32
      %add3A_86 = arith.addi %mul3A_84, %add3A_85 : i32
      %add3A_87 = arith.constant 2 : i32
      %add3A_88 = arith.addi %add3A_86, %add3A_87 : i32
      %mul3A_89 = arith.constant 80 : i32
      %mul3A_90 = arith.muli %add3A_88, %mul3A_89 : i32
      %add3A_91 = arith.addi %mul3A_4, %mul3A_90 : i32
      "tpu.region"() ({
        %run_scoped3A = tpu.sem_alloc : memref<!tpu.dma_semaphore, #tpu.memory_space<semaphore_mem>>
        %dma_start3A_110 = tpu.memref_slice %arg2[%add3A_91] : memref<320000xi32, #tpu.memory_space<hbm>> -> memref<80xi32, #tpu.memory_space<hbm>>
        %dma_start3A_111 = tpu.memref_slice %arg2[%add3A_91] : memref<320000xi32, #tpu.memory_space<hbm>> -> memref<80xi32, #tpu.memory_space<hbm>>
        tpu.enqueue_dma source(%dma_start3A_111 : memref<80xi32, #tpu.memory_space<hbm>>) target(%arg8 : memref<80xi32, #tpu.memory_space<vmem>>) target_semaphore(%run_scoped3A : memref<!tpu.dma_semaphore, #tpu.memory_space<semaphore_mem>>)
        %dma_wait3A_112 = tpu.memref_slice %arg2[%add3A_91] : memref<320000xi32, #tpu.memory_space<hbm>> -> memref<80xi32, #tpu.memory_space<hbm>>
        %dma_wait3A_113 = tpu.memref_slice %arg2[%add3A_91] : memref<320000xi32, #tpu.memory_space<hbm>> -> memref<80xi32, #tpu.memory_space<hbm>>
        tpu.wait_dma2 semaphore(%run_scoped3A : memref<!tpu.dma_semaphore, #tpu.memory_space<semaphore_mem>>) src(%dma_wait3A_113 : memref<80xi32, #tpu.memory_space<hbm>>) dst(%arg8 : memref<80xi32, #tpu.memory_space<vmem>>)
        tpu.yield
      }) : () -> ()
      %dma_start3A_92 = arith.constant 0 : i32
      %dma_start3A_93 = arith.constant 0 : i32
      %dma_start3A_94 = tpu.memref_slice %arg15[%dma_start3A_92, %dma_start3A_93] : memref<10240x16xf32, #tpu.memory_space<vmem_shared>> -> memref<10240x16xf32, #tpu.memory_space<vmem_shared>>
      tpu.enqueue_indirect_dma source(%arg10 : memref<80x16xf32, #tpu.memory_space<vmem>>) target(%dma_start3A_94 : memref<10240x16xf32, #tpu.memory_space<vmem_shared>>) offsets(%arg8 : memref<80xi32, #tpu.memory_space<vmem>>) semaphore(%arg13 : memref<!tpu.dma_semaphore, #tpu.memory_space<semaphore_mem>>) {add = true}
      %dma_wait3A_95 = arith.constant 0 : i32
      %dma_wait3A_96 = arith.constant 0 : i32
      %dma_wait3A_97 = tpu.memref_slice %arg15[%dma_wait3A_95, %dma_wait3A_96] : memref<10240x16xf32, #tpu.memory_space<vmem_shared>> -> memref<10240x16xf32, #tpu.memory_space<vmem_shared>>
      tpu.wait_indirect_dma semaphore(%arg14 : memref<!tpu.dma_semaphore, #tpu.memory_space<semaphore_mem>>) src(%arg10 : memref<80x16xf32, #tpu.memory_space<vmem>>) dst(%dma_wait3A_97 : memref<10240x16xf32, #tpu.memory_space<vmem_shared>>)
      %mul3A_98 = arith.constant 4 : i32
      %mul3A_99 = arith.muli %mul3A_98, %scan3A_49 : i32
      %add3A_100 = arith.constant 4 : i32
      %add3A_101 = arith.addi %mul3A_99, %add3A_100 : i32
      %add3A_102 = arith.constant 3 : i32
      %add3A_103 = arith.addi %add3A_101, %add3A_102 : i32
      %mul3A_104 = arith.constant 80 : i32
      %mul3A_105 = arith.muli %add3A_103, %mul3A_104 : i32
      %add3A_106 = arith.addi %mul3A_4, %mul3A_105 : i32
      "tpu.region"() ({
        %run_scoped3A = tpu.sem_alloc : memref<!tpu.dma_semaphore, #tpu.memory_space<semaphore_mem>>
        %dma_start3A_110 = tpu.memref_slice %arg2[%add3A_106] : memref<320000xi32, #tpu.memory_space<hbm>> -> memref<80xi32, #tpu.memory_space<hbm>>
        %dma_start3A_111 = tpu.memref_slice %arg2[%add3A_106] : memref<320000xi32, #tpu.memory_space<hbm>> -> memref<80xi32, #tpu.memory_space<hbm>>
        tpu.enqueue_dma source(%dma_start3A_111 : memref<80xi32, #tpu.memory_space<hbm>>) target(%arg9 : memref<80xi32, #tpu.memory_space<vmem>>) target_semaphore(%run_scoped3A : memref<!tpu.dma_semaphore, #tpu.memory_space<semaphore_mem>>)
        %dma_wait3A_112 = tpu.memref_slice %arg2[%add3A_106] : memref<320000xi32, #tpu.memory_space<hbm>> -> memref<80xi32, #tpu.memory_space<hbm>>
        %dma_wait3A_113 = tpu.memref_slice %arg2[%add3A_106] : memref<320000xi32, #tpu.memory_space<hbm>> -> memref<80xi32, #tpu.memory_space<hbm>>
        tpu.wait_dma2 semaphore(%run_scoped3A : memref<!tpu.dma_semaphore, #tpu.memory_space<semaphore_mem>>) src(%dma_wait3A_113 : memref<80xi32, #tpu.memory_space<hbm>>) dst(%arg9 : memref<80xi32, #tpu.memory_space<vmem>>)
        tpu.yield
      }) : () -> ()
      %dma_start3A_107 = arith.constant 0 : i32
      %dma_start3A_108 = arith.constant 0 : i32
      %dma_start3A_109 = tpu.memref_slice %arg15[%dma_start3A_107, %dma_start3A_108] : memref<10240x16xf32, #tpu.memory_space<vmem_shared>> -> memref<10240x16xf32, #tpu.memory_space<vmem_shared>>
      tpu.enqueue_indirect_dma source(%arg10 : memref<80x16xf32, #tpu.memory_space<vmem>>) target(%dma_start3A_109 : memref<10240x16xf32, #tpu.memory_space<vmem_shared>>) offsets(%arg9 : memref<80xi32, #tpu.memory_space<vmem>>) semaphore(%arg14 : memref<!tpu.dma_semaphore, #tpu.memory_space<semaphore_mem>>) {add = true}
    }
    %scan3A_28 = arith.constant 30 : i32
    %dma_wait3A = arith.constant 0 : i32
    %dma_wait3A_29 = arith.constant 0 : i32
    %dma_wait3A_30 = tpu.memref_slice %arg15[%dma_wait3A, %dma_wait3A_29] : memref<10240x16xf32, #tpu.memory_space<vmem_shared>> -> memref<10240x16xf32, #tpu.memory_space<vmem_shared>>
    tpu.wait_indirect_dma semaphore(%arg11 : memref<!tpu.dma_semaphore, #tpu.memory_space<semaphore_mem>>) src(%arg10 : memref<80x16xf32, #tpu.memory_space<vmem>>) dst(%dma_wait3A_30 : memref<10240x16xf32, #tpu.memory_space<vmem_shared>>)
    %add3A_31 = arith.constant 9920 : i32
    %add3A_32 = arith.addi %mul3A_4, %add3A_31 : i32
    "tpu.region"() ({
      %run_scoped3A = tpu.sem_alloc : memref<!tpu.dma_semaphore, #tpu.memory_space<semaphore_mem>>
      %dma_start3A_49 = tpu.memref_slice %arg2[%add3A_32] : memref<320000xi32, #tpu.memory_space<hbm>> -> memref<80xi32, #tpu.memory_space<hbm>>
      %dma_start3A_50 = tpu.memref_slice %arg2[%add3A_32] : memref<320000xi32, #tpu.memory_space<hbm>> -> memref<80xi32, #tpu.memory_space<hbm>>
      tpu.enqueue_dma source(%dma_start3A_50 : memref<80xi32, #tpu.memory_space<hbm>>) target(%arg6 : memref<80xi32, #tpu.memory_space<vmem>>) target_semaphore(%run_scoped3A : memref<!tpu.dma_semaphore, #tpu.memory_space<semaphore_mem>>)
      %dma_wait3A_51 = tpu.memref_slice %arg2[%add3A_32] : memref<320000xi32, #tpu.memory_space<hbm>> -> memref<80xi32, #tpu.memory_space<hbm>>
      %dma_wait3A_52 = tpu.memref_slice %arg2[%add3A_32] : memref<320000xi32, #tpu.memory_space<hbm>> -> memref<80xi32, #tpu.memory_space<hbm>>
      tpu.wait_dma2 semaphore(%run_scoped3A : memref<!tpu.dma_semaphore, #tpu.memory_space<semaphore_mem>>) src(%dma_wait3A_52 : memref<80xi32, #tpu.memory_space<hbm>>) dst(%arg6 : memref<80xi32, #tpu.memory_space<vmem>>)
      tpu.yield
    }) : () -> ()
    %dma_start3A_33 = arith.constant 0 : i32
    %dma_start3A_34 = arith.constant 0 : i32
    %dma_start3A_35 = tpu.memref_slice %arg15[%dma_start3A_33, %dma_start3A_34] : memref<10240x16xf32, #tpu.memory_space<vmem_shared>> -> memref<10240x16xf32, #tpu.memory_space<vmem_shared>>
    tpu.enqueue_indirect_dma source(%arg10 : memref<80x16xf32, #tpu.memory_space<vmem>>) target(%dma_start3A_35 : memref<10240x16xf32, #tpu.memory_space<vmem_shared>>) offsets(%arg6 : memref<80xi32, #tpu.memory_space<vmem>>) semaphore(%arg11 : memref<!tpu.dma_semaphore, #tpu.memory_space<semaphore_mem>>) {add = true}
    %dma_wait3A_36 = arith.constant 0 : i32
    %dma_wait3A_37 = arith.constant 0 : i32
    %dma_wait3A_38 = tpu.memref_slice %arg15[%dma_wait3A_36, %dma_wait3A_37] : memref<10240x16xf32, #tpu.memory_space<vmem_shared>> -> memref<10240x16xf32, #tpu.memory_space<vmem_shared>>
    tpu.wait_indirect_dma semaphore(%arg11 : memref<!tpu.dma_semaphore, #tpu.memory_space<semaphore_mem>>) src(%arg10 : memref<80x16xf32, #tpu.memory_space<vmem>>) dst(%dma_wait3A_38 : memref<10240x16xf32, #tpu.memory_space<vmem_shared>>)
    %dma_wait3A_39 = arith.constant 0 : i32
    %dma_wait3A_40 = arith.constant 0 : i32
    %dma_wait3A_41 = tpu.memref_slice %arg15[%dma_wait3A_39, %dma_wait3A_40] : memref<10240x16xf32, #tpu.memory_space<vmem_shared>> -> memref<10240x16xf32, #tpu.memory_space<vmem_shared>>
    tpu.wait_indirect_dma semaphore(%arg12 : memref<!tpu.dma_semaphore, #tpu.memory_space<semaphore_mem>>) src(%arg10 : memref<80x16xf32, #tpu.memory_space<vmem>>) dst(%dma_wait3A_41 : memref<10240x16xf32, #tpu.memory_space<vmem_shared>>)
    %dma_wait3A_42 = arith.constant 0 : i32
    %dma_wait3A_43 = arith.constant 0 : i32
    %dma_wait3A_44 = tpu.memref_slice %arg15[%dma_wait3A_42, %dma_wait3A_43] : memref<10240x16xf32, #tpu.memory_space<vmem_shared>> -> memref<10240x16xf32, #tpu.memory_space<vmem_shared>>
    tpu.wait_indirect_dma semaphore(%arg13 : memref<!tpu.dma_semaphore, #tpu.memory_space<semaphore_mem>>) src(%arg10 : memref<80x16xf32, #tpu.memory_space<vmem>>) dst(%dma_wait3A_44 : memref<10240x16xf32, #tpu.memory_space<vmem_shared>>)
    %dma_wait3A_45 = arith.constant 0 : i32
    %dma_wait3A_46 = arith.constant 0 : i32
    %dma_wait3A_47 = tpu.memref_slice %arg15[%dma_wait3A_45, %dma_wait3A_46] : memref<10240x16xf32, #tpu.memory_space<vmem_shared>> -> memref<10240x16xf32, #tpu.memory_space<vmem_shared>>
    tpu.wait_indirect_dma semaphore(%arg14 : memref<!tpu.dma_semaphore, #tpu.memory_space<semaphore_mem>>) src(%arg10 : memref<80x16xf32, #tpu.memory_space<vmem>>) dst(%dma_wait3A_47 : memref<10240x16xf32, #tpu.memory_space<vmem_shared>>)
    %barrier3A_48 = arith.constant 0 : index
    tpu.barrier barrier_id(%barrier3A_48)
    "tpu.region"() ({
      %run_scoped3A = tpu.sem_alloc : memref<!tpu.dma_semaphore, #tpu.memory_space<semaphore_mem>>
      %dma_start3A_49 = arith.constant 0 : i32
      %dma_start3A_50 = tpu.memref_slice %arg5[%arg0, %mul3A_0, %dma_start3A_49] : memref<2x10240x16xf32, #tpu.memory_space<hbm>> -> memref<1x640x16xf32, #tpu.memory_space<hbm>>
      %dma_start3A_51 = tpu.memref_squeeze %dma_start3A_50 : memref<1x640x16xf32, #tpu.memory_space<hbm>> -> memref<640x16xf32, #tpu.memory_space<hbm>>
      %dma_start3A_52 = arith.constant 0 : i32
      %dma_start3A_53 = tpu.memref_slice %arg15[%mul3A_0, %dma_start3A_52] : memref<10240x16xf32, #tpu.memory_space<vmem_shared>> -> memref<640x16xf32, #tpu.memory_space<vmem_shared>>
      tpu.enqueue_dma source(%dma_start3A_53 : memref<640x16xf32, #tpu.memory_space<vmem_shared>>) target(%dma_start3A_51 : memref<640x16xf32, #tpu.memory_space<hbm>>) target_semaphore(%run_scoped3A : memref<!tpu.dma_semaphore, #tpu.memory_space<semaphore_mem>>)
      %dma_wait3A_54 = arith.constant 0 : i32
      %dma_wait3A_55 = tpu.memref_slice %arg5[%arg0, %mul3A_0, %dma_wait3A_54] : memref<2x10240x16xf32, #tpu.memory_space<hbm>> -> memref<1x640x16xf32, #tpu.memory_space<hbm>>
      %dma_wait3A_56 = tpu.memref_squeeze %dma_wait3A_55 : memref<1x640x16xf32, #tpu.memory_space<hbm>> -> memref<640x16xf32, #tpu.memory_space<hbm>>
      %dma_wait3A_57 = arith.constant 0 : i32
      %dma_wait3A_58 = tpu.memref_slice %arg15[%mul3A_0, %dma_wait3A_57] : memref<10240x16xf32, #tpu.memory_space<vmem_shared>> -> memref<640x16xf32, #tpu.memory_space<vmem_shared>>
      tpu.wait_dma2 semaphore(%run_scoped3A : memref<!tpu.dma_semaphore, #tpu.memory_space<semaphore_mem>>) src(%dma_wait3A_58 : memref<640x16xf32, #tpu.memory_space<vmem_shared>>) dst(%dma_wait3A_56 : memref<640x16xf32, #tpu.memory_space<hbm>>)
      tpu.yield
    }) : () -> ()
    return
  }
}

#map = affine_map<(d0, d1) -> (0, 0)>
#map1 = affine_map<(d0, d1) -> (0, 0, 0, 0)>
#map2 = affine_map<(d0, d1) -> (0, 0, 0)>
module attributes {stable_mosaic.version = 14 : i64} {
  func.func @_sc_aggregate(%arg0: i32, %arg1: i32, %arg2: memref<10000x128xf32, #tpu.memory_space<hbm>>, %arg3: memref<32x125x2x80xi32, #tpu.memory_space<hbm>>, %arg4: memref<640x128xf32, #tpu.memory_space<hbm>>, %arg5: memref<2x10240x128xf32, #tpu.memory_space<hbm>>, %arg6: memref<2x80xi32, #tpu.memory_space<vmem>>, %arg7: memref<2x80xi32, #tpu.memory_space<vmem>>, %arg8: memref<2x80xi32, #tpu.memory_space<vmem>>, %arg9: memref<2x80xi32, #tpu.memory_space<vmem>>, %arg10: memref<80x128xf32, #tpu.memory_space<vmem>>, %arg11: memref<80x128xf32, #tpu.memory_space<vmem>>, %arg12: memref<80x128xf32, #tpu.memory_space<vmem>>, %arg13: memref<80x128xf32, #tpu.memory_space<vmem>>, %arg14: memref<!tpu.dma_semaphore, #tpu.memory_space<semaphore_mem>>, %arg15: memref<!tpu.dma_semaphore, #tpu.memory_space<semaphore_mem>>, %arg16: memref<!tpu.dma_semaphore, #tpu.memory_space<semaphore_mem>>, %arg17: memref<!tpu.dma_semaphore, #tpu.memory_space<semaphore_mem>>, %arg18: memref<10240x128xf32, #tpu.memory_space<vmem_shared>>) attributes {dimension_semantics = [#tpu.dimension_semantics<core_parallel>, #tpu.dimension_semantics<subcore_parallel>], iteration_bounds = array<i64: 2, 16>, scalar_prefetch = 0 : i64, scratch_operands = 13 : i64, tpu.core_type = #tpu.core_type<sc_vector_subcore>, window_params = [{transform_indices = #map}, {transform_indices = #map1}, {transform_indices = #map}, {transform_indices = #map2}]} {
    %mul3A = arith.constant 16 : i32
    %mul3A_0 = arith.muli %arg0, %mul3A : i32
    %add3A = arith.addi %mul3A_0, %arg1 : i32
    %mul3A_1 = arith.constant 640 : i32
    %mul3A_2 = arith.muli %arg1, %mul3A_1 : i32
    "tpu.region"() ({
      %run_scoped3A_67 = tpu.sem_alloc : memref<!tpu.dma_semaphore, #tpu.memory_space<semaphore_mem>>
      %dma_start3A_68 = arith.constant 0 : i32
      %dma_start3A_69 = tpu.memref_slice %arg18[%mul3A_2, %dma_start3A_68] : memref<10240x128xf32, #tpu.memory_space<vmem_shared>> -> memref<640x128xf32, #tpu.memory_space<vmem_shared>>
      tpu.enqueue_dma source(%arg4 : memref<640x128xf32, #tpu.memory_space<hbm>>) target(%dma_start3A_69 : memref<640x128xf32, #tpu.memory_space<vmem_shared>>) target_semaphore(%run_scoped3A_67 : memref<!tpu.dma_semaphore, #tpu.memory_space<semaphore_mem>>)
      %dma_wait3A_70 = arith.constant 0 : i32
      %dma_wait3A_71 = tpu.memref_slice %arg18[%mul3A_2, %dma_wait3A_70] : memref<10240x128xf32, #tpu.memory_space<vmem_shared>> -> memref<640x128xf32, #tpu.memory_space<vmem_shared>>
      tpu.wait_dma2 semaphore(%run_scoped3A_67 : memref<!tpu.dma_semaphore, #tpu.memory_space<semaphore_mem>>) src(%arg4 : memref<640x128xf32, #tpu.memory_space<hbm>>) dst(%dma_wait3A_71 : memref<640x128xf32, #tpu.memory_space<vmem_shared>>)
      tpu.yield
    }) : () -> ()
    %barrier3A = arith.constant 0 : index
    tpu.barrier barrier_id(%barrier3A)
    %run_scoped3A = arith.constant 0 : i32
    "tpu.region"() ({
      %run_scoped3A_67 = tpu.sem_alloc : memref<!tpu.dma_semaphore, #tpu.memory_space<semaphore_mem>>
      %dma_start3A_68 = arith.constant 0 : i32
      %dma_start3A_69 = arith.constant 0 : i32
      %dma_start3A_70 = tpu.memref_slice %arg3[%add3A, %run_scoped3A, %dma_start3A_68, %dma_start3A_69] : memref<32x125x2x80xi32, #tpu.memory_space<hbm>> -> memref<1x1x2x80xi32, #tpu.memory_space<hbm>>
      %dma_start3A_71 = tpu.memref_squeeze %dma_start3A_70 : memref<1x1x2x80xi32, #tpu.memory_space<hbm>> -> memref<2x80xi32, #tpu.memory_space<hbm>>
      %dma_start3A_72 = arith.constant 0 : i32
      %dma_start3A_73 = arith.constant 0 : i32
      %dma_start3A_74 = tpu.memref_slice %arg3[%add3A, %run_scoped3A, %dma_start3A_72, %dma_start3A_73] : memref<32x125x2x80xi32, #tpu.memory_space<hbm>> -> memref<1x1x2x80xi32, #tpu.memory_space<hbm>>
      %dma_start3A_75 = tpu.memref_squeeze %dma_start3A_74 : memref<1x1x2x80xi32, #tpu.memory_space<hbm>> -> memref<2x80xi32, #tpu.memory_space<hbm>>
      tpu.enqueue_dma source(%dma_start3A_75 : memref<2x80xi32, #tpu.memory_space<hbm>>) target(%arg6 : memref<2x80xi32, #tpu.memory_space<vmem>>) target_semaphore(%run_scoped3A_67 : memref<!tpu.dma_semaphore, #tpu.memory_space<semaphore_mem>>)
      %dma_wait3A_76 = arith.constant 0 : i32
      %dma_wait3A_77 = arith.constant 0 : i32
      %dma_wait3A_78 = tpu.memref_slice %arg3[%add3A, %run_scoped3A, %dma_wait3A_76, %dma_wait3A_77] : memref<32x125x2x80xi32, #tpu.memory_space<hbm>> -> memref<1x1x2x80xi32, #tpu.memory_space<hbm>>
      %dma_wait3A_79 = tpu.memref_squeeze %dma_wait3A_78 : memref<1x1x2x80xi32, #tpu.memory_space<hbm>> -> memref<2x80xi32, #tpu.memory_space<hbm>>
      %dma_wait3A_80 = arith.constant 0 : i32
      %dma_wait3A_81 = arith.constant 0 : i32
      %dma_wait3A_82 = tpu.memref_slice %arg3[%add3A, %run_scoped3A, %dma_wait3A_80, %dma_wait3A_81] : memref<32x125x2x80xi32, #tpu.memory_space<hbm>> -> memref<1x1x2x80xi32, #tpu.memory_space<hbm>>
      %dma_wait3A_83 = tpu.memref_squeeze %dma_wait3A_82 : memref<1x1x2x80xi32, #tpu.memory_space<hbm>> -> memref<2x80xi32, #tpu.memory_space<hbm>>
      tpu.wait_dma2 semaphore(%run_scoped3A_67 : memref<!tpu.dma_semaphore, #tpu.memory_space<semaphore_mem>>) src(%dma_wait3A_83 : memref<2x80xi32, #tpu.memory_space<hbm>>) dst(%arg6 : memref<2x80xi32, #tpu.memory_space<vmem>>)
      tpu.yield
    }) : () -> ()
    %dma_start3A = arith.constant 0 : i32
    %dma_start3A_3 = arith.constant 0 : i32
    %dma_start3A_4 = tpu.memref_slice %arg6[%dma_start3A, %dma_start3A_3] : memref<2x80xi32, #tpu.memory_space<vmem>> -> memref<1x80xi32, #tpu.memory_space<vmem>>
    %dma_start3A_5 = tpu.memref_squeeze %dma_start3A_4 : memref<1x80xi32, #tpu.memory_space<vmem>> -> memref<80xi32, #tpu.memory_space<vmem>>
    %dma_start3A_6 = arith.constant 0 : i32
    %dma_start3A_7 = arith.constant 0 : i32
    %dma_start3A_8 = tpu.memref_slice %arg2[%dma_start3A_6, %dma_start3A_7] : memref<10000x128xf32, #tpu.memory_space<hbm>> -> memref<10000x128xf32, #tpu.memory_space<hbm>>
    tpu.enqueue_indirect_dma source(%dma_start3A_8 : memref<10000x128xf32, #tpu.memory_space<hbm>>) target(%arg10 : memref<80x128xf32, #tpu.memory_space<vmem>>) offsets(%dma_start3A_5 : memref<80xi32, #tpu.memory_space<vmem>>) semaphore(%arg14 : memref<!tpu.dma_semaphore, #tpu.memory_space<semaphore_mem>>)
    %run_scoped3A_9 = arith.constant 1 : i32
    "tpu.region"() ({
      %run_scoped3A_67 = tpu.sem_alloc : memref<!tpu.dma_semaphore, #tpu.memory_space<semaphore_mem>>
      %dma_start3A_68 = arith.constant 0 : i32
      %dma_start3A_69 = arith.constant 0 : i32
      %dma_start3A_70 = tpu.memref_slice %arg3[%add3A, %run_scoped3A_9, %dma_start3A_68, %dma_start3A_69] : memref<32x125x2x80xi32, #tpu.memory_space<hbm>> -> memref<1x1x2x80xi32, #tpu.memory_space<hbm>>
      %dma_start3A_71 = tpu.memref_squeeze %dma_start3A_70 : memref<1x1x2x80xi32, #tpu.memory_space<hbm>> -> memref<2x80xi32, #tpu.memory_space<hbm>>
      %dma_start3A_72 = arith.constant 0 : i32
      %dma_start3A_73 = arith.constant 0 : i32
      %dma_start3A_74 = tpu.memref_slice %arg3[%add3A, %run_scoped3A_9, %dma_start3A_72, %dma_start3A_73] : memref<32x125x2x80xi32, #tpu.memory_space<hbm>> -> memref<1x1x2x80xi32, #tpu.memory_space<hbm>>
      %dma_start3A_75 = tpu.memref_squeeze %dma_start3A_74 : memref<1x1x2x80xi32, #tpu.memory_space<hbm>> -> memref<2x80xi32, #tpu.memory_space<hbm>>
      tpu.enqueue_dma source(%dma_start3A_75 : memref<2x80xi32, #tpu.memory_space<hbm>>) target(%arg7 : memref<2x80xi32, #tpu.memory_space<vmem>>) target_semaphore(%run_scoped3A_67 : memref<!tpu.dma_semaphore, #tpu.memory_space<semaphore_mem>>)
      %dma_wait3A_76 = arith.constant 0 : i32
      %dma_wait3A_77 = arith.constant 0 : i32
      %dma_wait3A_78 = tpu.memref_slice %arg3[%add3A, %run_scoped3A_9, %dma_wait3A_76, %dma_wait3A_77] : memref<32x125x2x80xi32, #tpu.memory_space<hbm>> -> memref<1x1x2x80xi32, #tpu.memory_space<hbm>>
      %dma_wait3A_79 = tpu.memref_squeeze %dma_wait3A_78 : memref<1x1x2x80xi32, #tpu.memory_space<hbm>> -> memref<2x80xi32, #tpu.memory_space<hbm>>
      %dma_wait3A_80 = arith.constant 0 : i32
      %dma_wait3A_81 = arith.constant 0 : i32
      %dma_wait3A_82 = tpu.memref_slice %arg3[%add3A, %run_scoped3A_9, %dma_wait3A_80, %dma_wait3A_81] : memref<32x125x2x80xi32, #tpu.memory_space<hbm>> -> memref<1x1x2x80xi32, #tpu.memory_space<hbm>>
      %dma_wait3A_83 = tpu.memref_squeeze %dma_wait3A_82 : memref<1x1x2x80xi32, #tpu.memory_space<hbm>> -> memref<2x80xi32, #tpu.memory_space<hbm>>
      tpu.wait_dma2 semaphore(%run_scoped3A_67 : memref<!tpu.dma_semaphore, #tpu.memory_space<semaphore_mem>>) src(%dma_wait3A_83 : memref<2x80xi32, #tpu.memory_space<hbm>>) dst(%arg7 : memref<2x80xi32, #tpu.memory_space<vmem>>)
      tpu.yield
    }) : () -> ()
    %dma_start3A_10 = arith.constant 0 : i32
    %dma_start3A_11 = arith.constant 0 : i32
    %dma_start3A_12 = tpu.memref_slice %arg7[%dma_start3A_10, %dma_start3A_11] : memref<2x80xi32, #tpu.memory_space<vmem>> -> memref<1x80xi32, #tpu.memory_space<vmem>>
    %dma_start3A_13 = tpu.memref_squeeze %dma_start3A_12 : memref<1x80xi32, #tpu.memory_space<vmem>> -> memref<80xi32, #tpu.memory_space<vmem>>
    %dma_start3A_14 = arith.constant 0 : i32
    %dma_start3A_15 = arith.constant 0 : i32
    %dma_start3A_16 = tpu.memref_slice %arg2[%dma_start3A_14, %dma_start3A_15] : memref<10000x128xf32, #tpu.memory_space<hbm>> -> memref<10000x128xf32, #tpu.memory_space<hbm>>
    tpu.enqueue_indirect_dma source(%dma_start3A_16 : memref<10000x128xf32, #tpu.memory_space<hbm>>) target(%arg11 : memref<80x128xf32, #tpu.memory_space<vmem>>) offsets(%dma_start3A_13 : memref<80xi32, #tpu.memory_space<vmem>>) semaphore(%arg15 : memref<!tpu.dma_semaphore, #tpu.memory_space<semaphore_mem>>)
    %run_scoped3A_17 = arith.constant 2 : i32
    "tpu.region"() ({
      %run_scoped3A_67 = tpu.sem_alloc : memref<!tpu.dma_semaphore, #tpu.memory_space<semaphore_mem>>
      %dma_start3A_68 = arith.constant 0 : i32
      %dma_start3A_69 = arith.constant 0 : i32
      %dma_start3A_70 = tpu.memref_slice %arg3[%add3A, %run_scoped3A_17, %dma_start3A_68, %dma_start3A_69] : memref<32x125x2x80xi32, #tpu.memory_space<hbm>> -> memref<1x1x2x80xi32, #tpu.memory_space<hbm>>
      %dma_start3A_71 = tpu.memref_squeeze %dma_start3A_70 : memref<1x1x2x80xi32, #tpu.memory_space<hbm>> -> memref<2x80xi32, #tpu.memory_space<hbm>>
      %dma_start3A_72 = arith.constant 0 : i32
      %dma_start3A_73 = arith.constant 0 : i32
      %dma_start3A_74 = tpu.memref_slice %arg3[%add3A, %run_scoped3A_17, %dma_start3A_72, %dma_start3A_73] : memref<32x125x2x80xi32, #tpu.memory_space<hbm>> -> memref<1x1x2x80xi32, #tpu.memory_space<hbm>>
      %dma_start3A_75 = tpu.memref_squeeze %dma_start3A_74 : memref<1x1x2x80xi32, #tpu.memory_space<hbm>> -> memref<2x80xi32, #tpu.memory_space<hbm>>
      tpu.enqueue_dma source(%dma_start3A_75 : memref<2x80xi32, #tpu.memory_space<hbm>>) target(%arg8 : memref<2x80xi32, #tpu.memory_space<vmem>>) target_semaphore(%run_scoped3A_67 : memref<!tpu.dma_semaphore, #tpu.memory_space<semaphore_mem>>)
      %dma_wait3A_76 = arith.constant 0 : i32
      %dma_wait3A_77 = arith.constant 0 : i32
      %dma_wait3A_78 = tpu.memref_slice %arg3[%add3A, %run_scoped3A_17, %dma_wait3A_76, %dma_wait3A_77] : memref<32x125x2x80xi32, #tpu.memory_space<hbm>> -> memref<1x1x2x80xi32, #tpu.memory_space<hbm>>
      %dma_wait3A_79 = tpu.memref_squeeze %dma_wait3A_78 : memref<1x1x2x80xi32, #tpu.memory_space<hbm>> -> memref<2x80xi32, #tpu.memory_space<hbm>>
      %dma_wait3A_80 = arith.constant 0 : i32
      %dma_wait3A_81 = arith.constant 0 : i32
      %dma_wait3A_82 = tpu.memref_slice %arg3[%add3A, %run_scoped3A_17, %dma_wait3A_80, %dma_wait3A_81] : memref<32x125x2x80xi32, #tpu.memory_space<hbm>> -> memref<1x1x2x80xi32, #tpu.memory_space<hbm>>
      %dma_wait3A_83 = tpu.memref_squeeze %dma_wait3A_82 : memref<1x1x2x80xi32, #tpu.memory_space<hbm>> -> memref<2x80xi32, #tpu.memory_space<hbm>>
      tpu.wait_dma2 semaphore(%run_scoped3A_67 : memref<!tpu.dma_semaphore, #tpu.memory_space<semaphore_mem>>) src(%dma_wait3A_83 : memref<2x80xi32, #tpu.memory_space<hbm>>) dst(%arg8 : memref<2x80xi32, #tpu.memory_space<vmem>>)
      tpu.yield
    }) : () -> ()
    %dma_start3A_18 = arith.constant 0 : i32
    %dma_start3A_19 = arith.constant 0 : i32
    %dma_start3A_20 = tpu.memref_slice %arg8[%dma_start3A_18, %dma_start3A_19] : memref<2x80xi32, #tpu.memory_space<vmem>> -> memref<1x80xi32, #tpu.memory_space<vmem>>
    %dma_start3A_21 = tpu.memref_squeeze %dma_start3A_20 : memref<1x80xi32, #tpu.memory_space<vmem>> -> memref<80xi32, #tpu.memory_space<vmem>>
    %dma_start3A_22 = arith.constant 0 : i32
    %dma_start3A_23 = arith.constant 0 : i32
    %dma_start3A_24 = tpu.memref_slice %arg2[%dma_start3A_22, %dma_start3A_23] : memref<10000x128xf32, #tpu.memory_space<hbm>> -> memref<10000x128xf32, #tpu.memory_space<hbm>>
    tpu.enqueue_indirect_dma source(%dma_start3A_24 : memref<10000x128xf32, #tpu.memory_space<hbm>>) target(%arg12 : memref<80x128xf32, #tpu.memory_space<vmem>>) offsets(%dma_start3A_21 : memref<80xi32, #tpu.memory_space<vmem>>) semaphore(%arg16 : memref<!tpu.dma_semaphore, #tpu.memory_space<semaphore_mem>>)
    %run_scoped3A_25 = arith.constant 3 : i32
    "tpu.region"() ({
      %run_scoped3A_67 = tpu.sem_alloc : memref<!tpu.dma_semaphore, #tpu.memory_space<semaphore_mem>>
      %dma_start3A_68 = arith.constant 0 : i32
      %dma_start3A_69 = arith.constant 0 : i32
      %dma_start3A_70 = tpu.memref_slice %arg3[%add3A, %run_scoped3A_25, %dma_start3A_68, %dma_start3A_69] : memref<32x125x2x80xi32, #tpu.memory_space<hbm>> -> memref<1x1x2x80xi32, #tpu.memory_space<hbm>>
      %dma_start3A_71 = tpu.memref_squeeze %dma_start3A_70 : memref<1x1x2x80xi32, #tpu.memory_space<hbm>> -> memref<2x80xi32, #tpu.memory_space<hbm>>
      %dma_start3A_72 = arith.constant 0 : i32
      %dma_start3A_73 = arith.constant 0 : i32
      %dma_start3A_74 = tpu.memref_slice %arg3[%add3A, %run_scoped3A_25, %dma_start3A_72, %dma_start3A_73] : memref<32x125x2x80xi32, #tpu.memory_space<hbm>> -> memref<1x1x2x80xi32, #tpu.memory_space<hbm>>
      %dma_start3A_75 = tpu.memref_squeeze %dma_start3A_74 : memref<1x1x2x80xi32, #tpu.memory_space<hbm>> -> memref<2x80xi32, #tpu.memory_space<hbm>>
      tpu.enqueue_dma source(%dma_start3A_75 : memref<2x80xi32, #tpu.memory_space<hbm>>) target(%arg9 : memref<2x80xi32, #tpu.memory_space<vmem>>) target_semaphore(%run_scoped3A_67 : memref<!tpu.dma_semaphore, #tpu.memory_space<semaphore_mem>>)
      %dma_wait3A_76 = arith.constant 0 : i32
      %dma_wait3A_77 = arith.constant 0 : i32
      %dma_wait3A_78 = tpu.memref_slice %arg3[%add3A, %run_scoped3A_25, %dma_wait3A_76, %dma_wait3A_77] : memref<32x125x2x80xi32, #tpu.memory_space<hbm>> -> memref<1x1x2x80xi32, #tpu.memory_space<hbm>>
      %dma_wait3A_79 = tpu.memref_squeeze %dma_wait3A_78 : memref<1x1x2x80xi32, #tpu.memory_space<hbm>> -> memref<2x80xi32, #tpu.memory_space<hbm>>
      %dma_wait3A_80 = arith.constant 0 : i32
      %dma_wait3A_81 = arith.constant 0 : i32
      %dma_wait3A_82 = tpu.memref_slice %arg3[%add3A, %run_scoped3A_25, %dma_wait3A_80, %dma_wait3A_81] : memref<32x125x2x80xi32, #tpu.memory_space<hbm>> -> memref<1x1x2x80xi32, #tpu.memory_space<hbm>>
      %dma_wait3A_83 = tpu.memref_squeeze %dma_wait3A_82 : memref<1x1x2x80xi32, #tpu.memory_space<hbm>> -> memref<2x80xi32, #tpu.memory_space<hbm>>
      tpu.wait_dma2 semaphore(%run_scoped3A_67 : memref<!tpu.dma_semaphore, #tpu.memory_space<semaphore_mem>>) src(%dma_wait3A_83 : memref<2x80xi32, #tpu.memory_space<hbm>>) dst(%arg9 : memref<2x80xi32, #tpu.memory_space<vmem>>)
      tpu.yield
    }) : () -> ()
    %dma_start3A_26 = arith.constant 0 : i32
    %dma_start3A_27 = arith.constant 0 : i32
    %dma_start3A_28 = tpu.memref_slice %arg9[%dma_start3A_26, %dma_start3A_27] : memref<2x80xi32, #tpu.memory_space<vmem>> -> memref<1x80xi32, #tpu.memory_space<vmem>>
    %dma_start3A_29 = tpu.memref_squeeze %dma_start3A_28 : memref<1x80xi32, #tpu.memory_space<vmem>> -> memref<80xi32, #tpu.memory_space<vmem>>
    %dma_start3A_30 = arith.constant 0 : i32
    %dma_start3A_31 = arith.constant 0 : i32
    %dma_start3A_32 = tpu.memref_slice %arg2[%dma_start3A_30, %dma_start3A_31] : memref<10000x128xf32, #tpu.memory_space<hbm>> -> memref<10000x128xf32, #tpu.memory_space<hbm>>
    tpu.enqueue_indirect_dma source(%dma_start3A_32 : memref<10000x128xf32, #tpu.memory_space<hbm>>) target(%arg13 : memref<80x128xf32, #tpu.memory_space<vmem>>) offsets(%dma_start3A_29 : memref<80xi32, #tpu.memory_space<vmem>>) semaphore(%arg17 : memref<!tpu.dma_semaphore, #tpu.memory_space<semaphore_mem>>)
    %scan3A = arith.constant 0 : i32
    %scan3A_33 = arith.constant 0 : i32
    %scan3A_34 = arith.constant 31 : i32
    %scan3A_35 = arith.addi %scan3A_33, %scan3A_34 : i32
    %scan3A_36 = arith.constant 1 : i32
    scf.for %scan3A_67 = %scan3A_33 to %scan3A_35 step %scan3A_36  : i32 {
      %mul3A_68 = arith.constant 4 : i32
      %mul3A_69 = arith.muli %mul3A_68, %scan3A_67 : i32
      %add3A_70 = arith.constant 4 : i32
      %add3A_71 = arith.addi %mul3A_69, %add3A_70 : i32
      %add3A_72 = arith.constant 0 : i32
      %add3A_73 = arith.addi %add3A_71, %add3A_72 : i32
      %lt3A = arith.constant 125 : i32
      %lt3A_74 = arith.cmpi slt, %add3A_73, %lt3A : i32
      %jit3A = arith.constant 0 : i32
      %select_n3A = arith.select %lt3A_74, %add3A_73, %jit3A : i32
      %dma_wait3A_75 = arith.constant 0 : i32
      %dma_wait3A_76 = arith.constant 0 : i32
      %dma_wait3A_77 = tpu.memref_slice %arg6[%dma_wait3A_75, %dma_wait3A_76] : memref<2x80xi32, #tpu.memory_space<vmem>> -> memref<1x80xi32, #tpu.memory_space<vmem>>
      %dma_wait3A_78 = tpu.memref_squeeze %dma_wait3A_77 : memref<1x80xi32, #tpu.memory_space<vmem>> -> memref<80xi32, #tpu.memory_space<vmem>>
      %dma_wait3A_79 = arith.constant 0 : i32
      %dma_wait3A_80 = arith.constant 0 : i32
      %dma_wait3A_81 = tpu.memref_slice %arg2[%dma_wait3A_79, %dma_wait3A_80] : memref<10000x128xf32, #tpu.memory_space<hbm>> -> memref<10000x128xf32, #tpu.memory_space<hbm>>
      tpu.wait_indirect_dma semaphore(%arg14 : memref<!tpu.dma_semaphore, #tpu.memory_space<semaphore_mem>>) src(%dma_wait3A_81 : memref<10000x128xf32, #tpu.memory_space<hbm>>) dst(%arg10 : memref<80x128xf32, #tpu.memory_space<vmem>>)
      %run_scoped3A_82 = arith.constant 1 : i32
      "tpu.region"() ({
        %run_scoped3A_165 = tpu.sem_alloc : memref<!tpu.dma_semaphore, #tpu.memory_space<semaphore_mem>>
        %dma_start3A_166 = arith.constant 0 : i32
        %dma_start3A_167 = tpu.memref_slice %arg6[%run_scoped3A_82, %dma_start3A_166] : memref<2x80xi32, #tpu.memory_space<vmem>> -> memref<1x80xi32, #tpu.memory_space<vmem>>
        %dma_start3A_168 = tpu.memref_squeeze %dma_start3A_167 : memref<1x80xi32, #tpu.memory_space<vmem>> -> memref<80xi32, #tpu.memory_space<vmem>>
        %dma_start3A_169 = arith.constant 0 : i32
        %dma_start3A_170 = arith.constant 0 : i32
        %dma_start3A_171 = tpu.memref_slice %arg18[%dma_start3A_169, %dma_start3A_170] : memref<10240x128xf32, #tpu.memory_space<vmem_shared>> -> memref<10240x128xf32, #tpu.memory_space<vmem_shared>>
        tpu.enqueue_indirect_dma source(%arg10 : memref<80x128xf32, #tpu.memory_space<vmem>>) target(%dma_start3A_171 : memref<10240x128xf32, #tpu.memory_space<vmem_shared>>) offsets(%dma_start3A_168 : memref<80xi32, #tpu.memory_space<vmem>>) semaphore(%run_scoped3A_165 : memref<!tpu.dma_semaphore, #tpu.memory_space<semaphore_mem>>) {add = true}
        %dma_wait3A_172 = arith.constant 0 : i32
        %dma_wait3A_173 = tpu.memref_slice %arg6[%run_scoped3A_82, %dma_wait3A_172] : memref<2x80xi32, #tpu.memory_space<vmem>> -> memref<1x80xi32, #tpu.memory_space<vmem>>
        %dma_wait3A_174 = tpu.memref_squeeze %dma_wait3A_173 : memref<1x80xi32, #tpu.memory_space<vmem>> -> memref<80xi32, #tpu.memory_space<vmem>>
        %dma_wait3A_175 = arith.constant 0 : i32
        %dma_wait3A_176 = arith.constant 0 : i32
        %dma_wait3A_177 = tpu.memref_slice %arg18[%dma_wait3A_175, %dma_wait3A_176] : memref<10240x128xf32, #tpu.memory_space<vmem_shared>> -> memref<10240x128xf32, #tpu.memory_space<vmem_shared>>
        tpu.wait_indirect_dma semaphore(%run_scoped3A_165 : memref<!tpu.dma_semaphore, #tpu.memory_space<semaphore_mem>>) src(%arg10 : memref<80x128xf32, #tpu.memory_space<vmem>>) dst(%dma_wait3A_177 : memref<10240x128xf32, #tpu.memory_space<vmem_shared>>)
        tpu.yield
      }) : () -> ()
      "tpu.region"() ({
        %run_scoped3A_165 = tpu.sem_alloc : memref<!tpu.dma_semaphore, #tpu.memory_space<semaphore_mem>>
        %dma_start3A_166 = arith.constant 0 : i32
        %dma_start3A_167 = arith.constant 0 : i32
        %dma_start3A_168 = tpu.memref_slice %arg3[%add3A, %select_n3A, %dma_start3A_166, %dma_start3A_167] : memref<32x125x2x80xi32, #tpu.memory_space<hbm>> -> memref<1x1x2x80xi32, #tpu.memory_space<hbm>>
        %dma_start3A_169 = tpu.memref_squeeze %dma_start3A_168 : memref<1x1x2x80xi32, #tpu.memory_space<hbm>> -> memref<2x80xi32, #tpu.memory_space<hbm>>
        %dma_start3A_170 = arith.constant 0 : i32
        %dma_start3A_171 = arith.constant 0 : i32
        %dma_start3A_172 = tpu.memref_slice %arg3[%add3A, %select_n3A, %dma_start3A_170, %dma_start3A_171] : memref<32x125x2x80xi32, #tpu.memory_space<hbm>> -> memref<1x1x2x80xi32, #tpu.memory_space<hbm>>
        %dma_start3A_173 = tpu.memref_squeeze %dma_start3A_172 : memref<1x1x2x80xi32, #tpu.memory_space<hbm>> -> memref<2x80xi32, #tpu.memory_space<hbm>>
        tpu.enqueue_dma source(%dma_start3A_173 : memref<2x80xi32, #tpu.memory_space<hbm>>) target(%arg6 : memref<2x80xi32, #tpu.memory_space<vmem>>) target_semaphore(%run_scoped3A_165 : memref<!tpu.dma_semaphore, #tpu.memory_space<semaphore_mem>>)
        %dma_wait3A_174 = arith.constant 0 : i32
        %dma_wait3A_175 = arith.constant 0 : i32
        %dma_wait3A_176 = tpu.memref_slice %arg3[%add3A, %select_n3A, %dma_wait3A_174, %dma_wait3A_175] : memref<32x125x2x80xi32, #tpu.memory_space<hbm>> -> memref<1x1x2x80xi32, #tpu.memory_space<hbm>>
        %dma_wait3A_177 = tpu.memref_squeeze %dma_wait3A_176 : memref<1x1x2x80xi32, #tpu.memory_space<hbm>> -> memref<2x80xi32, #tpu.memory_space<hbm>>
        %dma_wait3A_178 = arith.constant 0 : i32
        %dma_wait3A_179 = arith.constant 0 : i32
        %dma_wait3A_180 = tpu.memref_slice %arg3[%add3A, %select_n3A, %dma_wait3A_178, %dma_wait3A_179] : memref<32x125x2x80xi32, #tpu.memory_space<hbm>> -> memref<1x1x2x80xi32, #tpu.memory_space<hbm>>
        %dma_wait3A_181 = tpu.memref_squeeze %dma_wait3A_180 : memref<1x1x2x80xi32, #tpu.memory_space<hbm>> -> memref<2x80xi32, #tpu.memory_space<hbm>>
        tpu.wait_dma2 semaphore(%run_scoped3A_165 : memref<!tpu.dma_semaphore, #tpu.memory_space<semaphore_mem>>) src(%dma_wait3A_181 : memref<2x80xi32, #tpu.memory_space<hbm>>) dst(%arg6 : memref<2x80xi32, #tpu.memory_space<vmem>>)
        tpu.yield
      }) : () -> ()
      %dma_start3A_83 = arith.constant 0 : i32
      %dma_start3A_84 = arith.constant 0 : i32
      %dma_start3A_85 = tpu.memref_slice %arg6[%dma_start3A_83, %dma_start3A_84] : memref<2x80xi32, #tpu.memory_space<vmem>> -> memref<1x80xi32, #tpu.memory_space<vmem>>
      %dma_start3A_86 = tpu.memref_squeeze %dma_start3A_85 : memref<1x80xi32, #tpu.memory_space<vmem>> -> memref<80xi32, #tpu.memory_space<vmem>>
      %dma_start3A_87 = arith.constant 0 : i32
      %dma_start3A_88 = arith.constant 0 : i32
      %dma_start3A_89 = tpu.memref_slice %arg2[%dma_start3A_87, %dma_start3A_88] : memref<10000x128xf32, #tpu.memory_space<hbm>> -> memref<10000x128xf32, #tpu.memory_space<hbm>>
      tpu.enqueue_indirect_dma source(%dma_start3A_89 : memref<10000x128xf32, #tpu.memory_space<hbm>>) target(%arg10 : memref<80x128xf32, #tpu.memory_space<vmem>>) offsets(%dma_start3A_86 : memref<80xi32, #tpu.memory_space<vmem>>) semaphore(%arg14 : memref<!tpu.dma_semaphore, #tpu.memory_space<semaphore_mem>>)
      %mul3A_90 = arith.constant 4 : i32
      %mul3A_91 = arith.muli %mul3A_90, %scan3A_67 : i32
      %add3A_92 = arith.constant 4 : i32
      %add3A_93 = arith.addi %mul3A_91, %add3A_92 : i32
      %add3A_94 = arith.constant 1 : i32
      %add3A_95 = arith.addi %add3A_93, %add3A_94 : i32
      %lt3A_96 = arith.constant 125 : i32
      %lt3A_97 = arith.cmpi slt, %add3A_95, %lt3A_96 : i32
      %jit3A_98 = arith.constant 0 : i32
      %select_n3A_99 = arith.select %lt3A_97, %add3A_95, %jit3A_98 : i32
      %dma_wait3A_100 = arith.constant 0 : i32
      %dma_wait3A_101 = arith.constant 0 : i32
      %dma_wait3A_102 = tpu.memref_slice %arg7[%dma_wait3A_100, %dma_wait3A_101] : memref<2x80xi32, #tpu.memory_space<vmem>> -> memref<1x80xi32, #tpu.memory_space<vmem>>
      %dma_wait3A_103 = tpu.memref_squeeze %dma_wait3A_102 : memref<1x80xi32, #tpu.memory_space<vmem>> -> memref<80xi32, #tpu.memory_space<vmem>>
      %dma_wait3A_104 = arith.constant 0 : i32
      %dma_wait3A_105 = arith.constant 0 : i32
      %dma_wait3A_106 = tpu.memref_slice %arg2[%dma_wait3A_104, %dma_wait3A_105] : memref<10000x128xf32, #tpu.memory_space<hbm>> -> memref<10000x128xf32, #tpu.memory_space<hbm>>
      tpu.wait_indirect_dma semaphore(%arg15 : memref<!tpu.dma_semaphore, #tpu.memory_space<semaphore_mem>>) src(%dma_wait3A_106 : memref<10000x128xf32, #tpu.memory_space<hbm>>) dst(%arg11 : memref<80x128xf32, #tpu.memory_space<vmem>>)
      %run_scoped3A_107 = arith.constant 1 : i32
      "tpu.region"() ({
        %run_scoped3A_165 = tpu.sem_alloc : memref<!tpu.dma_semaphore, #tpu.memory_space<semaphore_mem>>
        %dma_start3A_166 = arith.constant 0 : i32
        %dma_start3A_167 = tpu.memref_slice %arg7[%run_scoped3A_107, %dma_start3A_166] : memref<2x80xi32, #tpu.memory_space<vmem>> -> memref<1x80xi32, #tpu.memory_space<vmem>>
        %dma_start3A_168 = tpu.memref_squeeze %dma_start3A_167 : memref<1x80xi32, #tpu.memory_space<vmem>> -> memref<80xi32, #tpu.memory_space<vmem>>
        %dma_start3A_169 = arith.constant 0 : i32
        %dma_start3A_170 = arith.constant 0 : i32
        %dma_start3A_171 = tpu.memref_slice %arg18[%dma_start3A_169, %dma_start3A_170] : memref<10240x128xf32, #tpu.memory_space<vmem_shared>> -> memref<10240x128xf32, #tpu.memory_space<vmem_shared>>
        tpu.enqueue_indirect_dma source(%arg11 : memref<80x128xf32, #tpu.memory_space<vmem>>) target(%dma_start3A_171 : memref<10240x128xf32, #tpu.memory_space<vmem_shared>>) offsets(%dma_start3A_168 : memref<80xi32, #tpu.memory_space<vmem>>) semaphore(%run_scoped3A_165 : memref<!tpu.dma_semaphore, #tpu.memory_space<semaphore_mem>>) {add = true}
        %dma_wait3A_172 = arith.constant 0 : i32
        %dma_wait3A_173 = tpu.memref_slice %arg7[%run_scoped3A_107, %dma_wait3A_172] : memref<2x80xi32, #tpu.memory_space<vmem>> -> memref<1x80xi32, #tpu.memory_space<vmem>>
        %dma_wait3A_174 = tpu.memref_squeeze %dma_wait3A_173 : memref<1x80xi32, #tpu.memory_space<vmem>> -> memref<80xi32, #tpu.memory_space<vmem>>
        %dma_wait3A_175 = arith.constant 0 : i32
        %dma_wait3A_176 = arith.constant 0 : i32
        %dma_wait3A_177 = tpu.memref_slice %arg18[%dma_wait3A_175, %dma_wait3A_176] : memref<10240x128xf32, #tpu.memory_space<vmem_shared>> -> memref<10240x128xf32, #tpu.memory_space<vmem_shared>>
        tpu.wait_indirect_dma semaphore(%run_scoped3A_165 : memref<!tpu.dma_semaphore, #tpu.memory_space<semaphore_mem>>) src(%arg11 : memref<80x128xf32, #tpu.memory_space<vmem>>) dst(%dma_wait3A_177 : memref<10240x128xf32, #tpu.memory_space<vmem_shared>>)
        tpu.yield
      }) : () -> ()
      "tpu.region"() ({
        %run_scoped3A_165 = tpu.sem_alloc : memref<!tpu.dma_semaphore, #tpu.memory_space<semaphore_mem>>
        %dma_start3A_166 = arith.constant 0 : i32
        %dma_start3A_167 = arith.constant 0 : i32
        %dma_start3A_168 = tpu.memref_slice %arg3[%add3A, %select_n3A_99, %dma_start3A_166, %dma_start3A_167] : memref<32x125x2x80xi32, #tpu.memory_space<hbm>> -> memref<1x1x2x80xi32, #tpu.memory_space<hbm>>
        %dma_start3A_169 = tpu.memref_squeeze %dma_start3A_168 : memref<1x1x2x80xi32, #tpu.memory_space<hbm>> -> memref<2x80xi32, #tpu.memory_space<hbm>>
        %dma_start3A_170 = arith.constant 0 : i32
        %dma_start3A_171 = arith.constant 0 : i32
        %dma_start3A_172 = tpu.memref_slice %arg3[%add3A, %select_n3A_99, %dma_start3A_170, %dma_start3A_171] : memref<32x125x2x80xi32, #tpu.memory_space<hbm>> -> memref<1x1x2x80xi32, #tpu.memory_space<hbm>>
        %dma_start3A_173 = tpu.memref_squeeze %dma_start3A_172 : memref<1x1x2x80xi32, #tpu.memory_space<hbm>> -> memref<2x80xi32, #tpu.memory_space<hbm>>
        tpu.enqueue_dma source(%dma_start3A_173 : memref<2x80xi32, #tpu.memory_space<hbm>>) target(%arg7 : memref<2x80xi32, #tpu.memory_space<vmem>>) target_semaphore(%run_scoped3A_165 : memref<!tpu.dma_semaphore, #tpu.memory_space<semaphore_mem>>)
        %dma_wait3A_174 = arith.constant 0 : i32
        %dma_wait3A_175 = arith.constant 0 : i32
        %dma_wait3A_176 = tpu.memref_slice %arg3[%add3A, %select_n3A_99, %dma_wait3A_174, %dma_wait3A_175] : memref<32x125x2x80xi32, #tpu.memory_space<hbm>> -> memref<1x1x2x80xi32, #tpu.memory_space<hbm>>
        %dma_wait3A_177 = tpu.memref_squeeze %dma_wait3A_176 : memref<1x1x2x80xi32, #tpu.memory_space<hbm>> -> memref<2x80xi32, #tpu.memory_space<hbm>>
        %dma_wait3A_178 = arith.constant 0 : i32
        %dma_wait3A_179 = arith.constant 0 : i32
        %dma_wait3A_180 = tpu.memref_slice %arg3[%add3A, %select_n3A_99, %dma_wait3A_178, %dma_wait3A_179] : memref<32x125x2x80xi32, #tpu.memory_space<hbm>> -> memref<1x1x2x80xi32, #tpu.memory_space<hbm>>
        %dma_wait3A_181 = tpu.memref_squeeze %dma_wait3A_180 : memref<1x1x2x80xi32, #tpu.memory_space<hbm>> -> memref<2x80xi32, #tpu.memory_space<hbm>>
        tpu.wait_dma2 semaphore(%run_scoped3A_165 : memref<!tpu.dma_semaphore, #tpu.memory_space<semaphore_mem>>) src(%dma_wait3A_181 : memref<2x80xi32, #tpu.memory_space<hbm>>) dst(%arg7 : memref<2x80xi32, #tpu.memory_space<vmem>>)
        tpu.yield
      }) : () -> ()
      %dma_start3A_108 = arith.constant 0 : i32
      %dma_start3A_109 = arith.constant 0 : i32
      %dma_start3A_110 = tpu.memref_slice %arg7[%dma_start3A_108, %dma_start3A_109] : memref<2x80xi32, #tpu.memory_space<vmem>> -> memref<1x80xi32, #tpu.memory_space<vmem>>
      %dma_start3A_111 = tpu.memref_squeeze %dma_start3A_110 : memref<1x80xi32, #tpu.memory_space<vmem>> -> memref<80xi32, #tpu.memory_space<vmem>>
      %dma_start3A_112 = arith.constant 0 : i32
      %dma_start3A_113 = arith.constant 0 : i32
      %dma_start3A_114 = tpu.memref_slice %arg2[%dma_start3A_112, %dma_start3A_113] : memref<10000x128xf32, #tpu.memory_space<hbm>> -> memref<10000x128xf32, #tpu.memory_space<hbm>>
      tpu.enqueue_indirect_dma source(%dma_start3A_114 : memref<10000x128xf32, #tpu.memory_space<hbm>>) target(%arg11 : memref<80x128xf32, #tpu.memory_space<vmem>>) offsets(%dma_start3A_111 : memref<80xi32, #tpu.memory_space<vmem>>) semaphore(%arg15 : memref<!tpu.dma_semaphore, #tpu.memory_space<semaphore_mem>>)
      %mul3A_115 = arith.constant 4 : i32
      %mul3A_116 = arith.muli %mul3A_115, %scan3A_67 : i32
      %add3A_117 = arith.constant 4 : i32
      %add3A_118 = arith.addi %mul3A_116, %add3A_117 : i32
      %add3A_119 = arith.constant 2 : i32
      %add3A_120 = arith.addi %add3A_118, %add3A_119 : i32
      %lt3A_121 = arith.constant 125 : i32
      %lt3A_122 = arith.cmpi slt, %add3A_120, %lt3A_121 : i32
      %jit3A_123 = arith.constant 0 : i32
      %select_n3A_124 = arith.select %lt3A_122, %add3A_120, %jit3A_123 : i32
      %dma_wait3A_125 = arith.constant 0 : i32
      %dma_wait3A_126 = arith.constant 0 : i32
      %dma_wait3A_127 = tpu.memref_slice %arg8[%dma_wait3A_125, %dma_wait3A_126] : memref<2x80xi32, #tpu.memory_space<vmem>> -> memref<1x80xi32, #tpu.memory_space<vmem>>
      %dma_wait3A_128 = tpu.memref_squeeze %dma_wait3A_127 : memref<1x80xi32, #tpu.memory_space<vmem>> -> memref<80xi32, #tpu.memory_space<vmem>>
      %dma_wait3A_129 = arith.constant 0 : i32
      %dma_wait3A_130 = arith.constant 0 : i32
      %dma_wait3A_131 = tpu.memref_slice %arg2[%dma_wait3A_129, %dma_wait3A_130] : memref<10000x128xf32, #tpu.memory_space<hbm>> -> memref<10000x128xf32, #tpu.memory_space<hbm>>
      tpu.wait_indirect_dma semaphore(%arg16 : memref<!tpu.dma_semaphore, #tpu.memory_space<semaphore_mem>>) src(%dma_wait3A_131 : memref<10000x128xf32, #tpu.memory_space<hbm>>) dst(%arg12 : memref<80x128xf32, #tpu.memory_space<vmem>>)
      %run_scoped3A_132 = arith.constant 1 : i32
      "tpu.region"() ({
        %run_scoped3A_165 = tpu.sem_alloc : memref<!tpu.dma_semaphore, #tpu.memory_space<semaphore_mem>>
        %dma_start3A_166 = arith.constant 0 : i32
        %dma_start3A_167 = tpu.memref_slice %arg8[%run_scoped3A_132, %dma_start3A_166] : memref<2x80xi32, #tpu.memory_space<vmem>> -> memref<1x80xi32, #tpu.memory_space<vmem>>
        %dma_start3A_168 = tpu.memref_squeeze %dma_start3A_167 : memref<1x80xi32, #tpu.memory_space<vmem>> -> memref<80xi32, #tpu.memory_space<vmem>>
        %dma_start3A_169 = arith.constant 0 : i32
        %dma_start3A_170 = arith.constant 0 : i32
        %dma_start3A_171 = tpu.memref_slice %arg18[%dma_start3A_169, %dma_start3A_170] : memref<10240x128xf32, #tpu.memory_space<vmem_shared>> -> memref<10240x128xf32, #tpu.memory_space<vmem_shared>>
        tpu.enqueue_indirect_dma source(%arg12 : memref<80x128xf32, #tpu.memory_space<vmem>>) target(%dma_start3A_171 : memref<10240x128xf32, #tpu.memory_space<vmem_shared>>) offsets(%dma_start3A_168 : memref<80xi32, #tpu.memory_space<vmem>>) semaphore(%run_scoped3A_165 : memref<!tpu.dma_semaphore, #tpu.memory_space<semaphore_mem>>) {add = true}
        %dma_wait3A_172 = arith.constant 0 : i32
        %dma_wait3A_173 = tpu.memref_slice %arg8[%run_scoped3A_132, %dma_wait3A_172] : memref<2x80xi32, #tpu.memory_space<vmem>> -> memref<1x80xi32, #tpu.memory_space<vmem>>
        %dma_wait3A_174 = tpu.memref_squeeze %dma_wait3A_173 : memref<1x80xi32, #tpu.memory_space<vmem>> -> memref<80xi32, #tpu.memory_space<vmem>>
        %dma_wait3A_175 = arith.constant 0 : i32
        %dma_wait3A_176 = arith.constant 0 : i32
        %dma_wait3A_177 = tpu.memref_slice %arg18[%dma_wait3A_175, %dma_wait3A_176] : memref<10240x128xf32, #tpu.memory_space<vmem_shared>> -> memref<10240x128xf32, #tpu.memory_space<vmem_shared>>
        tpu.wait_indirect_dma semaphore(%run_scoped3A_165 : memref<!tpu.dma_semaphore, #tpu.memory_space<semaphore_mem>>) src(%arg12 : memref<80x128xf32, #tpu.memory_space<vmem>>) dst(%dma_wait3A_177 : memref<10240x128xf32, #tpu.memory_space<vmem_shared>>)
        tpu.yield
      }) : () -> ()
      "tpu.region"() ({
        %run_scoped3A_165 = tpu.sem_alloc : memref<!tpu.dma_semaphore, #tpu.memory_space<semaphore_mem>>
        %dma_start3A_166 = arith.constant 0 : i32
        %dma_start3A_167 = arith.constant 0 : i32
        %dma_start3A_168 = tpu.memref_slice %arg3[%add3A, %select_n3A_124, %dma_start3A_166, %dma_start3A_167] : memref<32x125x2x80xi32, #tpu.memory_space<hbm>> -> memref<1x1x2x80xi32, #tpu.memory_space<hbm>>
        %dma_start3A_169 = tpu.memref_squeeze %dma_start3A_168 : memref<1x1x2x80xi32, #tpu.memory_space<hbm>> -> memref<2x80xi32, #tpu.memory_space<hbm>>
        %dma_start3A_170 = arith.constant 0 : i32
        %dma_start3A_171 = arith.constant 0 : i32
        %dma_start3A_172 = tpu.memref_slice %arg3[%add3A, %select_n3A_124, %dma_start3A_170, %dma_start3A_171] : memref<32x125x2x80xi32, #tpu.memory_space<hbm>> -> memref<1x1x2x80xi32, #tpu.memory_space<hbm>>
        %dma_start3A_173 = tpu.memref_squeeze %dma_start3A_172 : memref<1x1x2x80xi32, #tpu.memory_space<hbm>> -> memref<2x80xi32, #tpu.memory_space<hbm>>
        tpu.enqueue_dma source(%dma_start3A_173 : memref<2x80xi32, #tpu.memory_space<hbm>>) target(%arg8 : memref<2x80xi32, #tpu.memory_space<vmem>>) target_semaphore(%run_scoped3A_165 : memref<!tpu.dma_semaphore, #tpu.memory_space<semaphore_mem>>)
        %dma_wait3A_174 = arith.constant 0 : i32
        %dma_wait3A_175 = arith.constant 0 : i32
        %dma_wait3A_176 = tpu.memref_slice %arg3[%add3A, %select_n3A_124, %dma_wait3A_174, %dma_wait3A_175] : memref<32x125x2x80xi32, #tpu.memory_space<hbm>> -> memref<1x1x2x80xi32, #tpu.memory_space<hbm>>
        %dma_wait3A_177 = tpu.memref_squeeze %dma_wait3A_176 : memref<1x1x2x80xi32, #tpu.memory_space<hbm>> -> memref<2x80xi32, #tpu.memory_space<hbm>>
        %dma_wait3A_178 = arith.constant 0 : i32
        %dma_wait3A_179 = arith.constant 0 : i32
        %dma_wait3A_180 = tpu.memref_slice %arg3[%add3A, %select_n3A_124, %dma_wait3A_178, %dma_wait3A_179] : memref<32x125x2x80xi32, #tpu.memory_space<hbm>> -> memref<1x1x2x80xi32, #tpu.memory_space<hbm>>
        %dma_wait3A_181 = tpu.memref_squeeze %dma_wait3A_180 : memref<1x1x2x80xi32, #tpu.memory_space<hbm>> -> memref<2x80xi32, #tpu.memory_space<hbm>>
        tpu.wait_dma2 semaphore(%run_scoped3A_165 : memref<!tpu.dma_semaphore, #tpu.memory_space<semaphore_mem>>) src(%dma_wait3A_181 : memref<2x80xi32, #tpu.memory_space<hbm>>) dst(%arg8 : memref<2x80xi32, #tpu.memory_space<vmem>>)
        tpu.yield
      }) : () -> ()
      %dma_start3A_133 = arith.constant 0 : i32
      %dma_start3A_134 = arith.constant 0 : i32
      %dma_start3A_135 = tpu.memref_slice %arg8[%dma_start3A_133, %dma_start3A_134] : memref<2x80xi32, #tpu.memory_space<vmem>> -> memref<1x80xi32, #tpu.memory_space<vmem>>
      %dma_start3A_136 = tpu.memref_squeeze %dma_start3A_135 : memref<1x80xi32, #tpu.memory_space<vmem>> -> memref<80xi32, #tpu.memory_space<vmem>>
      %dma_start3A_137 = arith.constant 0 : i32
      %dma_start3A_138 = arith.constant 0 : i32
      %dma_start3A_139 = tpu.memref_slice %arg2[%dma_start3A_137, %dma_start3A_138] : memref<10000x128xf32, #tpu.memory_space<hbm>> -> memref<10000x128xf32, #tpu.memory_space<hbm>>
      tpu.enqueue_indirect_dma source(%dma_start3A_139 : memref<10000x128xf32, #tpu.memory_space<hbm>>) target(%arg12 : memref<80x128xf32, #tpu.memory_space<vmem>>) offsets(%dma_start3A_136 : memref<80xi32, #tpu.memory_space<vmem>>) semaphore(%arg16 : memref<!tpu.dma_semaphore, #tpu.memory_space<semaphore_mem>>)
      %mul3A_140 = arith.constant 4 : i32
      %mul3A_141 = arith.muli %mul3A_140, %scan3A_67 : i32
      %add3A_142 = arith.constant 4 : i32
      %add3A_143 = arith.addi %mul3A_141, %add3A_142 : i32
      %add3A_144 = arith.constant 3 : i32
      %add3A_145 = arith.addi %add3A_143, %add3A_144 : i32
      %lt3A_146 = arith.constant 125 : i32
      %lt3A_147 = arith.cmpi slt, %add3A_145, %lt3A_146 : i32
      %jit3A_148 = arith.constant 0 : i32
      %select_n3A_149 = arith.select %lt3A_147, %add3A_145, %jit3A_148 : i32
      %dma_wait3A_150 = arith.constant 0 : i32
      %dma_wait3A_151 = arith.constant 0 : i32
      %dma_wait3A_152 = tpu.memref_slice %arg9[%dma_wait3A_150, %dma_wait3A_151] : memref<2x80xi32, #tpu.memory_space<vmem>> -> memref<1x80xi32, #tpu.memory_space<vmem>>
      %dma_wait3A_153 = tpu.memref_squeeze %dma_wait3A_152 : memref<1x80xi32, #tpu.memory_space<vmem>> -> memref<80xi32, #tpu.memory_space<vmem>>
      %dma_wait3A_154 = arith.constant 0 : i32
      %dma_wait3A_155 = arith.constant 0 : i32
      %dma_wait3A_156 = tpu.memref_slice %arg2[%dma_wait3A_154, %dma_wait3A_155] : memref<10000x128xf32, #tpu.memory_space<hbm>> -> memref<10000x128xf32, #tpu.memory_space<hbm>>
      tpu.wait_indirect_dma semaphore(%arg17 : memref<!tpu.dma_semaphore, #tpu.memory_space<semaphore_mem>>) src(%dma_wait3A_156 : memref<10000x128xf32, #tpu.memory_space<hbm>>) dst(%arg13 : memref<80x128xf32, #tpu.memory_space<vmem>>)
      %run_scoped3A_157 = arith.constant 1 : i32
      "tpu.region"() ({
        %run_scoped3A_165 = tpu.sem_alloc : memref<!tpu.dma_semaphore, #tpu.memory_space<semaphore_mem>>
        %dma_start3A_166 = arith.constant 0 : i32
        %dma_start3A_167 = tpu.memref_slice %arg9[%run_scoped3A_157, %dma_start3A_166] : memref<2x80xi32, #tpu.memory_space<vmem>> -> memref<1x80xi32, #tpu.memory_space<vmem>>
        %dma_start3A_168 = tpu.memref_squeeze %dma_start3A_167 : memref<1x80xi32, #tpu.memory_space<vmem>> -> memref<80xi32, #tpu.memory_space<vmem>>
        %dma_start3A_169 = arith.constant 0 : i32
        %dma_start3A_170 = arith.constant 0 : i32
        %dma_start3A_171 = tpu.memref_slice %arg18[%dma_start3A_169, %dma_start3A_170] : memref<10240x128xf32, #tpu.memory_space<vmem_shared>> -> memref<10240x128xf32, #tpu.memory_space<vmem_shared>>
        tpu.enqueue_indirect_dma source(%arg13 : memref<80x128xf32, #tpu.memory_space<vmem>>) target(%dma_start3A_171 : memref<10240x128xf32, #tpu.memory_space<vmem_shared>>) offsets(%dma_start3A_168 : memref<80xi32, #tpu.memory_space<vmem>>) semaphore(%run_scoped3A_165 : memref<!tpu.dma_semaphore, #tpu.memory_space<semaphore_mem>>) {add = true}
        %dma_wait3A_172 = arith.constant 0 : i32
        %dma_wait3A_173 = tpu.memref_slice %arg9[%run_scoped3A_157, %dma_wait3A_172] : memref<2x80xi32, #tpu.memory_space<vmem>> -> memref<1x80xi32, #tpu.memory_space<vmem>>
        %dma_wait3A_174 = tpu.memref_squeeze %dma_wait3A_173 : memref<1x80xi32, #tpu.memory_space<vmem>> -> memref<80xi32, #tpu.memory_space<vmem>>
        %dma_wait3A_175 = arith.constant 0 : i32
        %dma_wait3A_176 = arith.constant 0 : i32
        %dma_wait3A_177 = tpu.memref_slice %arg18[%dma_wait3A_175, %dma_wait3A_176] : memref<10240x128xf32, #tpu.memory_space<vmem_shared>> -> memref<10240x128xf32, #tpu.memory_space<vmem_shared>>
        tpu.wait_indirect_dma semaphore(%run_scoped3A_165 : memref<!tpu.dma_semaphore, #tpu.memory_space<semaphore_mem>>) src(%arg13 : memref<80x128xf32, #tpu.memory_space<vmem>>) dst(%dma_wait3A_177 : memref<10240x128xf32, #tpu.memory_space<vmem_shared>>)
        tpu.yield
      }) : () -> ()
      "tpu.region"() ({
        %run_scoped3A_165 = tpu.sem_alloc : memref<!tpu.dma_semaphore, #tpu.memory_space<semaphore_mem>>
        %dma_start3A_166 = arith.constant 0 : i32
        %dma_start3A_167 = arith.constant 0 : i32
        %dma_start3A_168 = tpu.memref_slice %arg3[%add3A, %select_n3A_149, %dma_start3A_166, %dma_start3A_167] : memref<32x125x2x80xi32, #tpu.memory_space<hbm>> -> memref<1x1x2x80xi32, #tpu.memory_space<hbm>>
        %dma_start3A_169 = tpu.memref_squeeze %dma_start3A_168 : memref<1x1x2x80xi32, #tpu.memory_space<hbm>> -> memref<2x80xi32, #tpu.memory_space<hbm>>
        %dma_start3A_170 = arith.constant 0 : i32
        %dma_start3A_171 = arith.constant 0 : i32
        %dma_start3A_172 = tpu.memref_slice %arg3[%add3A, %select_n3A_149, %dma_start3A_170, %dma_start3A_171] : memref<32x125x2x80xi32, #tpu.memory_space<hbm>> -> memref<1x1x2x80xi32, #tpu.memory_space<hbm>>
        %dma_start3A_173 = tpu.memref_squeeze %dma_start3A_172 : memref<1x1x2x80xi32, #tpu.memory_space<hbm>> -> memref<2x80xi32, #tpu.memory_space<hbm>>
        tpu.enqueue_dma source(%dma_start3A_173 : memref<2x80xi32, #tpu.memory_space<hbm>>) target(%arg9 : memref<2x80xi32, #tpu.memory_space<vmem>>) target_semaphore(%run_scoped3A_165 : memref<!tpu.dma_semaphore, #tpu.memory_space<semaphore_mem>>)
        %dma_wait3A_174 = arith.constant 0 : i32
        %dma_wait3A_175 = arith.constant 0 : i32
        %dma_wait3A_176 = tpu.memref_slice %arg3[%add3A, %select_n3A_149, %dma_wait3A_174, %dma_wait3A_175] : memref<32x125x2x80xi32, #tpu.memory_space<hbm>> -> memref<1x1x2x80xi32, #tpu.memory_space<hbm>>
        %dma_wait3A_177 = tpu.memref_squeeze %dma_wait3A_176 : memref<1x1x2x80xi32, #tpu.memory_space<hbm>> -> memref<2x80xi32, #tpu.memory_space<hbm>>
        %dma_wait3A_178 = arith.constant 0 : i32
        %dma_wait3A_179 = arith.constant 0 : i32
        %dma_wait3A_180 = tpu.memref_slice %arg3[%add3A, %select_n3A_149, %dma_wait3A_178, %dma_wait3A_179] : memref<32x125x2x80xi32, #tpu.memory_space<hbm>> -> memref<1x1x2x80xi32, #tpu.memory_space<hbm>>
        %dma_wait3A_181 = tpu.memref_squeeze %dma_wait3A_180 : memref<1x1x2x80xi32, #tpu.memory_space<hbm>> -> memref<2x80xi32, #tpu.memory_space<hbm>>
        tpu.wait_dma2 semaphore(%run_scoped3A_165 : memref<!tpu.dma_semaphore, #tpu.memory_space<semaphore_mem>>) src(%dma_wait3A_181 : memref<2x80xi32, #tpu.memory_space<hbm>>) dst(%arg9 : memref<2x80xi32, #tpu.memory_space<vmem>>)
        tpu.yield
      }) : () -> ()
      %dma_start3A_158 = arith.constant 0 : i32
      %dma_start3A_159 = arith.constant 0 : i32
      %dma_start3A_160 = tpu.memref_slice %arg9[%dma_start3A_158, %dma_start3A_159] : memref<2x80xi32, #tpu.memory_space<vmem>> -> memref<1x80xi32, #tpu.memory_space<vmem>>
      %dma_start3A_161 = tpu.memref_squeeze %dma_start3A_160 : memref<1x80xi32, #tpu.memory_space<vmem>> -> memref<80xi32, #tpu.memory_space<vmem>>
      %dma_start3A_162 = arith.constant 0 : i32
      %dma_start3A_163 = arith.constant 0 : i32
      %dma_start3A_164 = tpu.memref_slice %arg2[%dma_start3A_162, %dma_start3A_163] : memref<10000x128xf32, #tpu.memory_space<hbm>> -> memref<10000x128xf32, #tpu.memory_space<hbm>>
      tpu.enqueue_indirect_dma source(%dma_start3A_164 : memref<10000x128xf32, #tpu.memory_space<hbm>>) target(%arg13 : memref<80x128xf32, #tpu.memory_space<vmem>>) offsets(%dma_start3A_161 : memref<80xi32, #tpu.memory_space<vmem>>) semaphore(%arg17 : memref<!tpu.dma_semaphore, #tpu.memory_space<semaphore_mem>>)
    }
    %scan3A_37 = arith.constant 31 : i32
    %dma_wait3A = arith.constant 0 : i32
    %dma_wait3A_38 = arith.constant 0 : i32
    %dma_wait3A_39 = tpu.memref_slice %arg6[%dma_wait3A, %dma_wait3A_38] : memref<2x80xi32, #tpu.memory_space<vmem>> -> memref<1x80xi32, #tpu.memory_space<vmem>>
    %dma_wait3A_40 = tpu.memref_squeeze %dma_wait3A_39 : memref<1x80xi32, #tpu.memory_space<vmem>> -> memref<80xi32, #tpu.memory_space<vmem>>
    %dma_wait3A_41 = arith.constant 0 : i32
    %dma_wait3A_42 = arith.constant 0 : i32
    %dma_wait3A_43 = tpu.memref_slice %arg2[%dma_wait3A_41, %dma_wait3A_42] : memref<10000x128xf32, #tpu.memory_space<hbm>> -> memref<10000x128xf32, #tpu.memory_space<hbm>>
    tpu.wait_indirect_dma semaphore(%arg14 : memref<!tpu.dma_semaphore, #tpu.memory_space<semaphore_mem>>) src(%dma_wait3A_43 : memref<10000x128xf32, #tpu.memory_space<hbm>>) dst(%arg10 : memref<80x128xf32, #tpu.memory_space<vmem>>)
    %run_scoped3A_44 = arith.constant 1 : i32
    "tpu.region"() ({
      %run_scoped3A_67 = tpu.sem_alloc : memref<!tpu.dma_semaphore, #tpu.memory_space<semaphore_mem>>
      %dma_start3A_68 = arith.constant 0 : i32
      %dma_start3A_69 = tpu.memref_slice %arg6[%run_scoped3A_44, %dma_start3A_68] : memref<2x80xi32, #tpu.memory_space<vmem>> -> memref<1x80xi32, #tpu.memory_space<vmem>>
      %dma_start3A_70 = tpu.memref_squeeze %dma_start3A_69 : memref<1x80xi32, #tpu.memory_space<vmem>> -> memref<80xi32, #tpu.memory_space<vmem>>
      %dma_start3A_71 = arith.constant 0 : i32
      %dma_start3A_72 = arith.constant 0 : i32
      %dma_start3A_73 = tpu.memref_slice %arg18[%dma_start3A_71, %dma_start3A_72] : memref<10240x128xf32, #tpu.memory_space<vmem_shared>> -> memref<10240x128xf32, #tpu.memory_space<vmem_shared>>
      tpu.enqueue_indirect_dma source(%arg10 : memref<80x128xf32, #tpu.memory_space<vmem>>) target(%dma_start3A_73 : memref<10240x128xf32, #tpu.memory_space<vmem_shared>>) offsets(%dma_start3A_70 : memref<80xi32, #tpu.memory_space<vmem>>) semaphore(%run_scoped3A_67 : memref<!tpu.dma_semaphore, #tpu.memory_space<semaphore_mem>>) {add = true}
      %dma_wait3A_74 = arith.constant 0 : i32
      %dma_wait3A_75 = tpu.memref_slice %arg6[%run_scoped3A_44, %dma_wait3A_74] : memref<2x80xi32, #tpu.memory_space<vmem>> -> memref<1x80xi32, #tpu.memory_space<vmem>>
      %dma_wait3A_76 = tpu.memref_squeeze %dma_wait3A_75 : memref<1x80xi32, #tpu.memory_space<vmem>> -> memref<80xi32, #tpu.memory_space<vmem>>
      %dma_wait3A_77 = arith.constant 0 : i32
      %dma_wait3A_78 = arith.constant 0 : i32
      %dma_wait3A_79 = tpu.memref_slice %arg18[%dma_wait3A_77, %dma_wait3A_78] : memref<10240x128xf32, #tpu.memory_space<vmem_shared>> -> memref<10240x128xf32, #tpu.memory_space<vmem_shared>>
      tpu.wait_indirect_dma semaphore(%run_scoped3A_67 : memref<!tpu.dma_semaphore, #tpu.memory_space<semaphore_mem>>) src(%arg10 : memref<80x128xf32, #tpu.memory_space<vmem>>) dst(%dma_wait3A_79 : memref<10240x128xf32, #tpu.memory_space<vmem_shared>>)
      tpu.yield
    }) : () -> ()
    %dma_wait3A_45 = arith.constant 0 : i32
    %dma_wait3A_46 = arith.constant 0 : i32
    %dma_wait3A_47 = tpu.memref_slice %arg7[%dma_wait3A_45, %dma_wait3A_46] : memref<2x80xi32, #tpu.memory_space<vmem>> -> memref<1x80xi32, #tpu.memory_space<vmem>>
    %dma_wait3A_48 = tpu.memref_squeeze %dma_wait3A_47 : memref<1x80xi32, #tpu.memory_space<vmem>> -> memref<80xi32, #tpu.memory_space<vmem>>
    %dma_wait3A_49 = arith.constant 0 : i32
    %dma_wait3A_50 = arith.constant 0 : i32
    %dma_wait3A_51 = tpu.memref_slice %arg2[%dma_wait3A_49, %dma_wait3A_50] : memref<10000x128xf32, #tpu.memory_space<hbm>> -> memref<10000x128xf32, #tpu.memory_space<hbm>>
    tpu.wait_indirect_dma semaphore(%arg15 : memref<!tpu.dma_semaphore, #tpu.memory_space<semaphore_mem>>) src(%dma_wait3A_51 : memref<10000x128xf32, #tpu.memory_space<hbm>>) dst(%arg11 : memref<80x128xf32, #tpu.memory_space<vmem>>)
    %dma_wait3A_52 = arith.constant 0 : i32
    %dma_wait3A_53 = arith.constant 0 : i32
    %dma_wait3A_54 = tpu.memref_slice %arg8[%dma_wait3A_52, %dma_wait3A_53] : memref<2x80xi32, #tpu.memory_space<vmem>> -> memref<1x80xi32, #tpu.memory_space<vmem>>
    %dma_wait3A_55 = tpu.memref_squeeze %dma_wait3A_54 : memref<1x80xi32, #tpu.memory_space<vmem>> -> memref<80xi32, #tpu.memory_space<vmem>>
    %dma_wait3A_56 = arith.constant 0 : i32
    %dma_wait3A_57 = arith.constant 0 : i32
    %dma_wait3A_58 = tpu.memref_slice %arg2[%dma_wait3A_56, %dma_wait3A_57] : memref<10000x128xf32, #tpu.memory_space<hbm>> -> memref<10000x128xf32, #tpu.memory_space<hbm>>
    tpu.wait_indirect_dma semaphore(%arg16 : memref<!tpu.dma_semaphore, #tpu.memory_space<semaphore_mem>>) src(%dma_wait3A_58 : memref<10000x128xf32, #tpu.memory_space<hbm>>) dst(%arg12 : memref<80x128xf32, #tpu.memory_space<vmem>>)
    %dma_wait3A_59 = arith.constant 0 : i32
    %dma_wait3A_60 = arith.constant 0 : i32
    %dma_wait3A_61 = tpu.memref_slice %arg9[%dma_wait3A_59, %dma_wait3A_60] : memref<2x80xi32, #tpu.memory_space<vmem>> -> memref<1x80xi32, #tpu.memory_space<vmem>>
    %dma_wait3A_62 = tpu.memref_squeeze %dma_wait3A_61 : memref<1x80xi32, #tpu.memory_space<vmem>> -> memref<80xi32, #tpu.memory_space<vmem>>
    %dma_wait3A_63 = arith.constant 0 : i32
    %dma_wait3A_64 = arith.constant 0 : i32
    %dma_wait3A_65 = tpu.memref_slice %arg2[%dma_wait3A_63, %dma_wait3A_64] : memref<10000x128xf32, #tpu.memory_space<hbm>> -> memref<10000x128xf32, #tpu.memory_space<hbm>>
    tpu.wait_indirect_dma semaphore(%arg17 : memref<!tpu.dma_semaphore, #tpu.memory_space<semaphore_mem>>) src(%dma_wait3A_65 : memref<10000x128xf32, #tpu.memory_space<hbm>>) dst(%arg13 : memref<80x128xf32, #tpu.memory_space<vmem>>)
    %barrier3A_66 = arith.constant 0 : index
    tpu.barrier barrier_id(%barrier3A_66)
    "tpu.region"() ({
      %run_scoped3A_67 = tpu.sem_alloc : memref<!tpu.dma_semaphore, #tpu.memory_space<semaphore_mem>>
      %dma_start3A_68 = arith.constant 0 : i32
      %dma_start3A_69 = tpu.memref_slice %arg5[%arg0, %mul3A_2, %dma_start3A_68] : memref<2x10240x128xf32, #tpu.memory_space<hbm>> -> memref<1x640x128xf32, #tpu.memory_space<hbm>>
      %dma_start3A_70 = tpu.memref_squeeze %dma_start3A_69 : memref<1x640x128xf32, #tpu.memory_space<hbm>> -> memref<640x128xf32, #tpu.memory_space<hbm>>
      %dma_start3A_71 = arith.constant 0 : i32
      %dma_start3A_72 = tpu.memref_slice %arg18[%mul3A_2, %dma_start3A_71] : memref<10240x128xf32, #tpu.memory_space<vmem_shared>> -> memref<640x128xf32, #tpu.memory_space<vmem_shared>>
      tpu.enqueue_dma source(%dma_start3A_72 : memref<640x128xf32, #tpu.memory_space<vmem_shared>>) target(%dma_start3A_70 : memref<640x128xf32, #tpu.memory_space<hbm>>) target_semaphore(%run_scoped3A_67 : memref<!tpu.dma_semaphore, #tpu.memory_space<semaphore_mem>>)
      %dma_wait3A_73 = arith.constant 0 : i32
      %dma_wait3A_74 = tpu.memref_slice %arg5[%arg0, %mul3A_2, %dma_wait3A_73] : memref<2x10240x128xf32, #tpu.memory_space<hbm>> -> memref<1x640x128xf32, #tpu.memory_space<hbm>>
      %dma_wait3A_75 = tpu.memref_squeeze %dma_wait3A_74 : memref<1x640x128xf32, #tpu.memory_space<hbm>> -> memref<640x128xf32, #tpu.memory_space<hbm>>
      %dma_wait3A_76 = arith.constant 0 : i32
      %dma_wait3A_77 = tpu.memref_slice %arg18[%mul3A_2, %dma_wait3A_76] : memref<10240x128xf32, #tpu.memory_space<vmem_shared>> -> memref<640x128xf32, #tpu.memory_space<vmem_shared>>
      tpu.wait_dma2 semaphore(%run_scoped3A_67 : memref<!tpu.dma_semaphore, #tpu.memory_space<semaphore_mem>>) src(%dma_wait3A_77 : memref<640x128xf32, #tpu.memory_space<vmem_shared>>) dst(%dma_wait3A_75 : memref<640x128xf32, #tpu.memory_space<hbm>>)
      tpu.yield
    }) : () -> ()
    return
  }
}

module attributes {stable_mosaic.version = 14 : i64} {
  func.func @_tc1_body(%arg0: i32, %arg1: memref<2000x128xf32, #tpu.memory_space<vmem>>, %arg2: memref<128x128xf32, #tpu.memory_space<vmem>>, %arg3: memref<2x2000x16xf32, #tpu.memory_space<vmem>>, %arg4: memref<2000x128xf32, #tpu.memory_space<vmem>>) attributes {dimension_semantics = [#tpu.dimension_semantics<arbitrary>], iteration_bounds = array<i64: 5>, scalar_prefetch = 0 : i64, scratch_operands = 0 : i64, tpu.core_type = #tpu.core_type<tc>, window_params = [{transform_indices = @transform_0, window_bounds = array<i64: 2000, 128>}, {pipeline_mode = #tpu.pipeline_mode<synchronous>, transform_indices = @transform_1, window_bounds = array<i64: 128, 128>}, {transform_indices = @transform_2, window_bounds = array<i64: 2, 2000, 16>}, {transform_indices = @transform_3, window_bounds = array<i64: 2000, 128>}]} {
    %get3A = arith.constant 0 : index
    %get3A_0 = arith.constant 0 : index
    %get3A_1 = arith.constant 0 : index
    %get3A_2 = vector.load %arg3[%get3A, %get3A_0, %get3A_1] : memref<2x2000x16xf32, #tpu.memory_space<vmem>>, vector<1x2000x1xf32>
    %get3A_3 = vector.shape_cast %get3A_2 : vector<1x2000x1xf32> to vector<2000x1xf32>
    %get3A_4 = arith.constant 1 : index
    %get3A_5 = arith.constant 0 : index
    %get3A_6 = arith.constant 0 : index
    %get3A_7 = vector.load %arg3[%get3A_4, %get3A_5, %get3A_6] : memref<2x2000x16xf32, #tpu.memory_space<vmem>>, vector<1x2000x1xf32>
    %get3A_8 = vector.shape_cast %get3A_7 : vector<1x2000x1xf32> to vector<2000x1xf32>
    %add3A = arith.addf %get3A_3, %get3A_8 : vector<2000x1xf32>
    %add3A_9 = arith.constant 1.000000e+00 : f32
    %add3A_10 = vector.broadcast %add3A_9 : f32 to vector<2000x1xf32>
    %add3A_11 = arith.addf %add3A, %add3A_10 : vector<2000x1xf32>
    %rsqrt3A = math.rsqrt %add3A_11 : vector<2000x1xf32>
    %get3A_12 = arith.constant 0 : index
    %get3A_13 = arith.constant 0 : index
    %get3A_14 = vector.load %arg1[%get3A_12, %get3A_13] : memref<2000x128xf32, #tpu.memory_space<vmem>>, vector<2000x128xf32>
    %get3A_15 = arith.constant 0 : index
    %get3A_16 = arith.constant 0 : index
    %get3A_17 = vector.load %arg2[%get3A_15, %get3A_16] : memref<128x128xf32, #tpu.memory_space<vmem>>, vector<128x128xf32>
    %dot_general3A = arith.constant dense<0.000000e+00> : vector<2000x128xf32>
    %dot_general3A_18 = tpu.matmul %get3A_14, %get3A_17, %dot_general3A {dimension_numbers = #tpu.dot_dimension_numbers<[1], [0], [0], [1], [0, 0, 1, 1], [], []>, transpose_lhs_hint = false} : vector<2000x128xf32>, vector<128x128xf32>, vector<2000x128xf32> -> vector<2000x128xf32>
    %mul3A = vector.broadcast %rsqrt3A : vector<2000x1xf32> to vector<2000x128xf32>
    %mul3A_19 = arith.mulf %dot_general3A_18, %mul3A : vector<2000x128xf32>
    %swap3A = arith.constant 0 : index
    %swap3A_20 = arith.constant 0 : index
    %swap3A_21 = vector.load %arg4[%swap3A, %swap3A_20] : memref<2000x128xf32, #tpu.memory_space<vmem>>, vector<2000x128xf32>
    tpu.vector_store %arg4[%swap3A, %swap3A_20], %mul3A_19 {strides = array<i32>} : memref<2000x128xf32, #tpu.memory_space<vmem>>, vector<2000x128xf32>,
    return
  }
  func.func @transform_0(%arg0: i32) -> (i32, i32) {
    %c0_i32 = arith.constant 0 : i32
    %c0_i32_0 = arith.constant 0 : i32
    return %arg0, %c0_i32 : i32, i32
  }
  func.func @transform_1(%arg0: i32) -> (i32, i32) {
    %c0_i32 = arith.constant 0 : i32
    %c0_i32_0 = arith.constant 0 : i32
    %c0_i32_1 = arith.constant 0 : i32
    return %c0_i32, %c0_i32_0 : i32, i32
  }
  func.func @transform_2(%arg0: i32) -> (i32, i32, i32) {
    %c0_i32 = arith.constant 0 : i32
    %c0_i32_0 = arith.constant 0 : i32
    %c0_i32_1 = arith.constant 0 : i32
    return %c0_i32, %arg0, %c0_i32_0 : i32, i32, i32
  }
  func.func @transform_3(%arg0: i32) -> (i32, i32) {
    %c0_i32 = arith.constant 0 : i32
    %c0_i32_0 = arith.constant 0 : i32
    return %arg0, %c0_i32 : i32, i32
  }
}

module attributes {stable_mosaic.version = 14 : i64} {
  func.func @_tc2_body(%arg0: i32, %arg1: memref<2x2000x128xf32, #tpu.memory_space<vmem>>, %arg2: memref<2000x128xf32, #tpu.memory_space<vmem>>, %arg3: memref<2x2000x16xf32, #tpu.memory_space<vmem>>, %arg4: memref<1x128xf32, #tpu.memory_space<vmem>>, %arg5: memref<128x128xf32, #tpu.memory_space<vmem>>, %arg6: memref<2000x128xf32, #tpu.memory_space<vmem>>) attributes {dimension_semantics = [#tpu.dimension_semantics<arbitrary>], iteration_bounds = array<i64: 5>, scalar_prefetch = 0 : i64, scratch_operands = 0 : i64, tpu.core_type = #tpu.core_type<tc>, window_params = [{transform_indices = @transform_0, window_bounds = array<i64: 2, 2000, 128>}, {transform_indices = @transform_1, window_bounds = array<i64: 2000, 128>}, {transform_indices = @transform_2, window_bounds = array<i64: 2, 2000, 16>}, {pipeline_mode = #tpu.pipeline_mode<synchronous>, transform_indices = @transform_3, window_bounds = array<i64: 1, 128>}, {pipeline_mode = #tpu.pipeline_mode<synchronous>, transform_indices = @transform_4, window_bounds = array<i64: 128, 128>}, {transform_indices = @transform_5, window_bounds = array<i64: 2000, 128>}]} {
    %get3A = arith.constant 0 : index
    %get3A_0 = arith.constant 0 : index
    %get3A_1 = arith.constant 0 : index
    %get3A_2 = vector.load %arg3[%get3A, %get3A_0, %get3A_1] : memref<2x2000x16xf32, #tpu.memory_space<vmem>>, vector<1x2000x1xf32>
    %get3A_3 = vector.shape_cast %get3A_2 : vector<1x2000x1xf32> to vector<2000x1xf32>
    %get3A_4 = arith.constant 1 : index
    %get3A_5 = arith.constant 0 : index
    %get3A_6 = arith.constant 0 : index
    %get3A_7 = vector.load %arg3[%get3A_4, %get3A_5, %get3A_6] : memref<2x2000x16xf32, #tpu.memory_space<vmem>>, vector<1x2000x1xf32>
    %get3A_8 = vector.shape_cast %get3A_7 : vector<1x2000x1xf32> to vector<2000x1xf32>
    %add3A = arith.addf %get3A_3, %get3A_8 : vector<2000x1xf32>
    %add3A_9 = arith.constant 1.000000e+00 : f32
    %add3A_10 = vector.broadcast %add3A_9 : f32 to vector<2000x1xf32>
    %add3A_11 = arith.addf %add3A, %add3A_10 : vector<2000x1xf32>
    %rsqrt3A = math.rsqrt %add3A_11 : vector<2000x1xf32>
    %get3A_12 = arith.constant 0 : index
    %get3A_13 = arith.constant 0 : index
    %get3A_14 = arith.constant 0 : index
    %get3A_15 = vector.load %arg1[%get3A_12, %get3A_13, %get3A_14] : memref<2x2000x128xf32, #tpu.memory_space<vmem>>, vector<1x2000x128xf32>
    %get3A_16 = vector.shape_cast %get3A_15 : vector<1x2000x128xf32> to vector<2000x128xf32>
    %get3A_17 = arith.constant 1 : index
    %get3A_18 = arith.constant 0 : index
    %get3A_19 = arith.constant 0 : index
    %get3A_20 = vector.load %arg1[%get3A_17, %get3A_18, %get3A_19] : memref<2x2000x128xf32, #tpu.memory_space<vmem>>, vector<1x2000x128xf32>
    %get3A_21 = vector.shape_cast %get3A_20 : vector<1x2000x128xf32> to vector<2000x128xf32>
    %add3A_22 = arith.addf %get3A_16, %get3A_21 : vector<2000x128xf32>
    %get3A_23 = arith.constant 0 : index
    %get3A_24 = arith.constant 0 : index
    %get3A_25 = vector.load %arg2[%get3A_23, %get3A_24] : memref<2000x128xf32, #tpu.memory_space<vmem>>, vector<2000x128xf32>
    %add3A_26 = arith.addf %add3A_22, %get3A_25 : vector<2000x128xf32>
    %mul3A = vector.broadcast %rsqrt3A : vector<2000x1xf32> to vector<2000x128xf32>
    %mul3A_27 = arith.mulf %mul3A, %add3A_26 : vector<2000x128xf32>
    %get3A_28 = arith.constant 0 : index
    %get3A_29 = arith.constant 0 : index
    %get3A_30 = vector.load %arg4[%get3A_28, %get3A_29] : memref<1x128xf32, #tpu.memory_space<vmem>>, vector<1x128xf32>
    %add3A_31 = vector.broadcast %get3A_30 : vector<1x128xf32> to vector<2000x128xf32>
    %add3A_32 = arith.addf %mul3A_27, %add3A_31 : vector<2000x128xf32>
    %max3A = arith.constant 0.000000e+00 : f32
    %max3A_33 = vector.broadcast %max3A : f32 to vector<2000x128xf32>
    %max3A_34 = arith.maximumf %add3A_32, %max3A_33 : vector<2000x128xf32>
    %get3A_35 = arith.constant 0 : index
    %get3A_36 = arith.constant 0 : index
    %get3A_37 = vector.load %arg5[%get3A_35, %get3A_36] : memref<128x128xf32, #tpu.memory_space<vmem>>, vector<128x128xf32>
    %dot_general3A = arith.constant dense<0.000000e+00> : vector<2000x128xf32>
    %dot_general3A_38 = tpu.matmul %max3A_34, %get3A_37, %dot_general3A {dimension_numbers = #tpu.dot_dimension_numbers<[1], [0], [0], [1], [0, 0, 1, 1], [], []>, transpose_lhs_hint = false} : vector<2000x128xf32>, vector<128x128xf32>, vector<2000x128xf32> -> vector<2000x128xf32>
    %mul3A_39 = vector.broadcast %rsqrt3A : vector<2000x1xf32> to vector<2000x128xf32>
    %mul3A_40 = arith.mulf %dot_general3A_38, %mul3A_39 : vector<2000x128xf32>
    %swap3A = arith.constant 0 : index
    %swap3A_41 = arith.constant 0 : index
    %swap3A_42 = vector.load %arg6[%swap3A, %swap3A_41] : memref<2000x128xf32, #tpu.memory_space<vmem>>, vector<2000x128xf32>
    tpu.vector_store %arg6[%swap3A, %swap3A_41], %mul3A_40 {strides = array<i32>} : memref<2000x128xf32, #tpu.memory_space<vmem>>, vector<2000x128xf32>,
    return
  }
  func.func @transform_0(%arg0: i32) -> (i32, i32, i32) {
    %c0_i32 = arith.constant 0 : i32
    %c0_i32_0 = arith.constant 0 : i32
    %c0_i32_1 = arith.constant 0 : i32
    return %c0_i32, %arg0, %c0_i32_0 : i32, i32, i32
  }
  func.func @transform_1(%arg0: i32) -> (i32, i32) {
    %c0_i32 = arith.constant 0 : i32
    %c0_i32_0 = arith.constant 0 : i32
    return %arg0, %c0_i32 : i32, i32
  }
  func.func @transform_2(%arg0: i32) -> (i32, i32, i32) {
    %c0_i32 = arith.constant 0 : i32
    %c0_i32_0 = arith.constant 0 : i32
    %c0_i32_1 = arith.constant 0 : i32
    return %c0_i32, %arg0, %c0_i32_0 : i32, i32, i32
  }
  func.func @transform_3(%arg0: i32) -> (i32, i32) {
    %c0_i32 = arith.constant 0 : i32
    %c0_i32_0 = arith.constant 0 : i32
    %c0_i32_1 = arith.constant 0 : i32
    return %c0_i32, %c0_i32_0 : i32, i32
  }
  func.func @transform_4(%arg0: i32) -> (i32, i32) {
    %c0_i32 = arith.constant 0 : i32
    %c0_i32_0 = arith.constant 0 : i32
    %c0_i32_1 = arith.constant 0 : i32
    return %c0_i32, %c0_i32_0 : i32, i32
  }
  func.func @transform_5(%arg0: i32) -> (i32, i32) {
    %c0_i32 = arith.constant 0 : i32
    %c0_i32_0 = arith.constant 0 : i32
    return %arg0, %c0_i32 : i32, i32
  }
}

module attributes {stable_mosaic.version = 14 : i64} {
  func.func @_tc3_body(%arg0: i32, %arg1: memref<2x2000x128xf32, #tpu.memory_space<vmem>>, %arg2: memref<2000x128xf32, #tpu.memory_space<vmem>>, %arg3: memref<2x2000x16xf32, #tpu.memory_space<vmem>>, %arg4: memref<1x128xf32, #tpu.memory_space<vmem>>, %arg5: memref<128x64xf32, #tpu.memory_space<vmem>>, %arg6: memref<1x64xf32, #tpu.memory_space<vmem>>, %arg7: memref<2000x64xf32, #tpu.memory_space<vmem>>) attributes {dimension_semantics = [#tpu.dimension_semantics<arbitrary>], iteration_bounds = array<i64: 5>, scalar_prefetch = 0 : i64, scratch_operands = 0 : i64, tpu.core_type = #tpu.core_type<tc>, window_params = [{transform_indices = @transform_0, window_bounds = array<i64: 2, 2000, 128>}, {transform_indices = @transform_1, window_bounds = array<i64: 2000, 128>}, {transform_indices = @transform_2, window_bounds = array<i64: 2, 2000, 16>}, {pipeline_mode = #tpu.pipeline_mode<synchronous>, transform_indices = @transform_3, window_bounds = array<i64: 1, 128>}, {pipeline_mode = #tpu.pipeline_mode<synchronous>, transform_indices = @transform_4, window_bounds = array<i64: 128, 64>}, {pipeline_mode = #tpu.pipeline_mode<synchronous>, transform_indices = @transform_5, window_bounds = array<i64: 1, 64>}, {transform_indices = @transform_6, window_bounds = array<i64: 2000, 64>}]} {
    %get3A = arith.constant 0 : index
    %get3A_0 = arith.constant 0 : index
    %get3A_1 = arith.constant 0 : index
    %get3A_2 = vector.load %arg3[%get3A, %get3A_0, %get3A_1] : memref<2x2000x16xf32, #tpu.memory_space<vmem>>, vector<1x2000x1xf32>
    %get3A_3 = vector.shape_cast %get3A_2 : vector<1x2000x1xf32> to vector<2000x1xf32>
    %get3A_4 = arith.constant 1 : index
    %get3A_5 = arith.constant 0 : index
    %get3A_6 = arith.constant 0 : index
    %get3A_7 = vector.load %arg3[%get3A_4, %get3A_5, %get3A_6] : memref<2x2000x16xf32, #tpu.memory_space<vmem>>, vector<1x2000x1xf32>
    %get3A_8 = vector.shape_cast %get3A_7 : vector<1x2000x1xf32> to vector<2000x1xf32>
    %add3A = arith.addf %get3A_3, %get3A_8 : vector<2000x1xf32>
    %add3A_9 = arith.constant 1.000000e+00 : f32
    %add3A_10 = vector.broadcast %add3A_9 : f32 to vector<2000x1xf32>
    %add3A_11 = arith.addf %add3A, %add3A_10 : vector<2000x1xf32>
    %rsqrt3A = math.rsqrt %add3A_11 : vector<2000x1xf32>
    %get3A_12 = arith.constant 0 : index
    %get3A_13 = arith.constant 0 : index
    %get3A_14 = arith.constant 0 : index
    %get3A_15 = vector.load %arg1[%get3A_12, %get3A_13, %get3A_14] : memref<2x2000x128xf32, #tpu.memory_space<vmem>>, vector<1x2000x128xf32>
    %get3A_16 = vector.shape_cast %get3A_15 : vector<1x2000x128xf32> to vector<2000x128xf32>
    %get3A_17 = arith.constant 1 : index
    %get3A_18 = arith.constant 0 : index
    %get3A_19 = arith.constant 0 : index
    %get3A_20 = vector.load %arg1[%get3A_17, %get3A_18, %get3A_19] : memref<2x2000x128xf32, #tpu.memory_space<vmem>>, vector<1x2000x128xf32>
    %get3A_21 = vector.shape_cast %get3A_20 : vector<1x2000x128xf32> to vector<2000x128xf32>
    %add3A_22 = arith.addf %get3A_16, %get3A_21 : vector<2000x128xf32>
    %get3A_23 = arith.constant 0 : index
    %get3A_24 = arith.constant 0 : index
    %get3A_25 = vector.load %arg2[%get3A_23, %get3A_24] : memref<2000x128xf32, #tpu.memory_space<vmem>>, vector<2000x128xf32>
    %add3A_26 = arith.addf %add3A_22, %get3A_25 : vector<2000x128xf32>
    %mul3A = vector.broadcast %rsqrt3A : vector<2000x1xf32> to vector<2000x128xf32>
    %mul3A_27 = arith.mulf %mul3A, %add3A_26 : vector<2000x128xf32>
    %get3A_28 = arith.constant 0 : index
    %get3A_29 = arith.constant 0 : index
    %get3A_30 = vector.load %arg4[%get3A_28, %get3A_29] : memref<1x128xf32, #tpu.memory_space<vmem>>, vector<1x128xf32>
    %add3A_31 = vector.broadcast %get3A_30 : vector<1x128xf32> to vector<2000x128xf32>
    %add3A_32 = arith.addf %mul3A_27, %add3A_31 : vector<2000x128xf32>
    %get3A_33 = arith.constant 0 : index
    %get3A_34 = arith.constant 0 : index
    %get3A_35 = vector.load %arg5[%get3A_33, %get3A_34] : memref<128x64xf32, #tpu.memory_space<vmem>>, vector<128x64xf32>
    %dot_general3A = arith.constant dense<0.000000e+00> : vector<2000x64xf32>
    %dot_general3A_36 = tpu.matmul %add3A_32, %get3A_35, %dot_general3A {dimension_numbers = #tpu.dot_dimension_numbers<[1], [0], [0], [1], [0, 0, 1, 1], [], []>, transpose_lhs_hint = false} : vector<2000x128xf32>, vector<128x64xf32>, vector<2000x64xf32> -> vector<2000x64xf32>
    %get3A_37 = arith.constant 0 : index
    %get3A_38 = arith.constant 0 : index
    %get3A_39 = vector.load %arg6[%get3A_37, %get3A_38] : memref<1x64xf32, #tpu.memory_space<vmem>>, vector<1x64xf32>
    %add3A_40 = vector.broadcast %get3A_39 : vector<1x64xf32> to vector<2000x64xf32>
    %add3A_41 = arith.addf %dot_general3A_36, %add3A_40 : vector<2000x64xf32>
    %reduce_max3A = arith.constant dense<0xFF800000> : vector<2000xf32>
    %reduce_max3A_42 = vector.multi_reduction <maximumf>, %add3A_41, %reduce_max3A [1] : vector<2000x64xf32> to vector<2000xf32>
    %broadcast_in_dim3A = vector.shape_cast %reduce_max3A_42 : vector<2000xf32> to vector<2000x1xf32>
    %sub3A = vector.broadcast %broadcast_in_dim3A : vector<2000x1xf32> to vector<2000x64xf32>
    %sub3A_43 = arith.subf %add3A_41, %sub3A : vector<2000x64xf32>
    %exp3A = math.exp %sub3A_43 : vector<2000x64xf32>
    %reduce_sum3A = arith.constant dense<0.000000e+00> : vector<2000xf32>
    %reduce_sum3A_44 = vector.multi_reduction <add>, %exp3A, %reduce_sum3A [1] : vector<2000x64xf32> to vector<2000xf32>
    %broadcast_in_dim3A_45 = vector.shape_cast %reduce_sum3A_44 : vector<2000xf32> to vector<2000x1xf32>
    %log3A = math.log %broadcast_in_dim3A_45 : vector<2000x1xf32>
    %sub3A_46 = vector.broadcast %log3A : vector<2000x1xf32> to vector<2000x64xf32>
    %sub3A_47 = arith.subf %sub3A_43, %sub3A_46 : vector<2000x64xf32>
    %swap3A = arith.constant 0 : index
    %swap3A_48 = arith.constant 0 : index
    %swap3A_49 = vector.load %arg7[%swap3A, %swap3A_48] : memref<2000x64xf32, #tpu.memory_space<vmem>>, vector<2000x64xf32>
    tpu.vector_store %arg7[%swap3A, %swap3A_48], %sub3A_47 {strides = array<i32>} : memref<2000x64xf32, #tpu.memory_space<vmem>>, vector<2000x64xf32>,
    return
  }
  func.func @transform_0(%arg0: i32) -> (i32, i32, i32) {
    %c0_i32 = arith.constant 0 : i32
    %c0_i32_0 = arith.constant 0 : i32
    %c0_i32_1 = arith.constant 0 : i32
    return %c0_i32, %arg0, %c0_i32_0 : i32, i32, i32
  }
  func.func @transform_1(%arg0: i32) -> (i32, i32) {
    %c0_i32 = arith.constant 0 : i32
    %c0_i32_0 = arith.constant 0 : i32
    return %arg0, %c0_i32 : i32, i32
  }
  func.func @transform_2(%arg0: i32) -> (i32, i32, i32) {
    %c0_i32 = arith.constant 0 : i32
    %c0_i32_0 = arith.constant 0 : i32
    %c0_i32_1 = arith.constant 0 : i32
    return %c0_i32, %arg0, %c0_i32_0 : i32, i32, i32
  }
  func.func @transform_3(%arg0: i32) -> (i32, i32) {
    %c0_i32 = arith.constant 0 : i32
    %c0_i32_0 = arith.constant 0 : i32
    %c0_i32_1 = arith.constant 0 : i32
    return %c0_i32, %c0_i32_0 : i32, i32
  }
  func.func @transform_4(%arg0: i32) -> (i32, i32) {
    %c0_i32 = arith.constant 0 : i32
    %c0_i32_0 = arith.constant 0 : i32
    %c0_i32_1 = arith.constant 0 : i32
    return %c0_i32, %c0_i32_0 : i32, i32
  }
  func.func @transform_5(%arg0: i32) -> (i32, i32) {
    %c0_i32 = arith.constant 0 : i32
    %c0_i32_0 = arith.constant 0 : i32
    %c0_i32_1 = arith.constant 0 : i32
    return %c0_i32, %c0_i32_0 : i32, i32
  }
  func.func @transform_6(%arg0: i32) -> (i32, i32) {
    %c0_i32 = arith.constant 0 : i32
    %c0_i32_0 = arith.constant 0 : i32
    return %arg0, %c0_i32 : i32, i32
  }
}

</mosaic_0001>

<sc_bundles>
// kernel: kernel.11.cloned.1.call-start
scs
__scs_entry_jumppad:
0x0: {  	(pc) =	sbr.rel $0x88, $3  }
0x1: {  	(tag) =	ssettag $0x0;
	lr =	simm.s32 $0x1  }
0x2: {  	[smem:$0x3F99] =	sst lr;
	_ =	strace $0xD0000000  }
0x3: {  	_ = 	snop  }
0x4: {  	_ = 	snop  }
0x5: {  	_ = 	snop  }
0x6: {  	_ = 	snop  }
0x7: {  	_ = 	snop  }
__scs_overlays_trampoline_lowered:
0x8: {  	[smem:$0x3FA8] =	sst s0  }
0x9: {  	[smem:$0x3FA9] =	sst s1  }
0xa: {  	[smem:$0x3FAA] =	sst s2  }
0xb: {  	[smem:$0x3FAB] =	sst s3  }
0xc: {  	[smem:$0x3FAC] =	sst s4  }
0xd: {  	[smem:$0x3FAD] =	sst s5  }
0xe: {  	[smem:$0x3FAE] =	sst s6  }
0xf: {  	[smem:$0x3FAF] =	sst s7  }
0x10: {  	[smem:$0x3FB0] =	sst s8  }
0x11: {  	[smem:$0x3FB1] =	sst s9;
	s0 =	simm.s32 @!p0 $0x0  }
0x12: {  	s1 =	sld [smem:$0x3F97];
	s0 =	simm.s32 @p0 $0x1  }
0x13: {  	[smem:$0x3FB2] =	sst s0;
	s0 =	simm.s32 @!p1 $0x0  }
0x14: {  	s2 =	sld [smem:$0x3F96];
	s0 =	simm.s32 @p1 $0x1  }
0x15: {  	[smem:$0x3FB3] =	sst s0;
	s0 =	simm.s32 @!p2 $0x0  }
0x16: {  	s3 =	sld [smem:$0x3FDB];
	s0 =	simm.s32 @p2 $0x1  }
0x17: {  	s4 =	simm.s32 $0x1BF5;
	[smem:$0x3FB5] =	sst s0  }
0x18: {  	s0 =	sld [smem:$0x3F98];
	_ =	swait.ge [sflag:s4], $0x0  }
0x19: {  	s7 =	sld [smem:$0x3F99]  }
0x1a: {  	s8 =	sadd.s32 $0xFFFFE003, lr  }
0x1b: {  	s9 =	sadd.s32 $0xFFFFFEF7, lr;
	s5 =	simm.s32 $0xFFFFFFFF;
	p2 =	slt.u32 s8, $0xFFFFF086  }
0x1c: {  	p1 =	slt.u32 s9, $0xF7A;
	s5 =	simm.s32 @!p2 $0x0  }
0x1d: {  	s5 =	simm.s32 @p1 $0x1;
	p0 =	seq.s32 s7, s2  }
0x1e: {  	s7 =	smul.u32 @!p0 $0xF7A, s2;
	p2 =	seq.s32 @!p0 s5, $0x0  }
0x1f: {  	s9 =	smul.u32 $0xF7A, s1;
	s8 =	simm.s32 @!p0 $0x1BF5;
	p2 =	por !p2, p0  }
0x20: {  	[sflag:s8] =	ssyncset.s32 @!p0 $0xFFFFF086;
	s6 =	sadd.s32 @!p0 s3, s7;
	s7 =	simm.s32 @!p0 $0x108  }
0x21: {  	s3 =	sadd.s32 s3, s9;
	s6 =	sadd.s32 @!p0 $0x88, s6;
	s7 =	simm.s32 @p2 $0x1082  }
0x22: {  	[simem:s7], [sflag:s8] =	dma.local @!p0 [hbm:s6], $0xF7A  }
0x23: {  	s9 =	sor.u32 $0xD0000000, s2;
	s6 =	simm.s32 $0x108;
	_ =	swait.ge @!p0 [sflag:s8], $0x0  }
0x24: {  	s3 =	sadd.s32 $0x88, s3;
	s6 =	simm.s32 @!p1 $0x1082;
	[sflag:s4] =	ssyncset.s32 $0xFFFFF086  }
0x25: {  	[simem:s6], [sflag:s4] =	dma.local [hbm:s3], $0xF7A  }
0x26: {  	[smem:$0x3F99] =	sst s1;
	(tag) =	ssettag s2;
	_ =	strace s9  }
0x27: {  	s1 =	sld [smem:$0x3FA9]  }
0x28: {  	s2 =	sld [smem:$0x3FAA]  }
0x29: {  	s4 =	sld [smem:$0x3FAC]  }
0x2a: {  	p0 =	seq.s32 s5, $0x0;
	s5 =	sld [smem:$0x3FAD]  }
0x2b: {  	s6 =	sld [smem:$0x3FAE]  }
0x2c: {  	s7 =	sld [smem:$0x3FAF]  }
0x2d: {  	s3 =	simm.s32 $0x108;
	s8 =	sld [smem:$0x3FB0]  }
0x2e: {  	s3 =	simm.s32 @!p0 $0x1082;
	s9 =	sld [smem:$0x3FB1]  }
0x2f: {  	lr =	sadd.s32 s0, s3;
	s0 =	sld [smem:$0x3FA8]  }
0x30: {  	s3 =	sld [smem:$0x3FAB]  }
0x31: {  	[smem:$0x3FB4] =	sst s10  }
0x32: {  	s10 =	sld [smem:$0x3FB2];
	_ =	sdelay $0x3  }
0x33: {  	p0 =	seq.s32 s10, $0x1;
	s10 =	sld [smem:$0x3FB4];
	_ =	sdelay $0x3  }
0x34: {  	[smem:$0x3FB4] =	sst s10  }
0x35: {  	s10 =	sld [smem:$0x3FB3];
	_ =	sdelay $0x3  }
0x36: {  	p1 =	seq.s32 s10, $0x1;
	s10 =	sld [smem:$0x3FB4];
	_ =	sdelay $0x3  }
0x37: {  	[smem:$0x3FB4] =	sst s10  }
0x38: {  	s10 =	sld [smem:$0x3FB5]  }
0x39: {  	_ = 	snop;
	(pc) =	sbr.ind lr, $3  }
0x3a: {  	_ = 	snop  }
0x3b: {  	_ = 	snop  }
0x3c: {  	p2 =	seq.s32 s10, $0x1;
	s10 =	sld [smem:$0x3FB4]  }
0x3d: {  	_ =	shalt  }
0x3e: {  	_ =	shalt  }
0x3f: {  	_ =	shalt  }
0x40: {  	_ =	shalt  }
0x41: {  	_ =	shalt  }
0x42: {  	_ =	shalt  }
0x43: {  	_ =	shalt  }
0x44: {  	_ =	shalt  }
0x45: {  	_ =	shalt  }
0x46: {  	_ =	shalt  }
0x47: {  	_ =	shalt  }
0x48: {  	_ =	shalt  }
0x49: {  	_ =	shalt  }
0x4a: {  	_ =	shalt  }
0x4b: {  	_ =	shalt  }
0x4c: {  	_ =	shalt  }
0x4d: {  	_ =	shalt  }
0x4e: {  	_ =	shalt  }
0x4f: {  	_ =	shalt  }
0x50: {  	_ =	shalt  }
0x51: {  	_ =	shalt  }
0x52: {  	_ =	shalt  }
0x53: {  	_ =	shalt  }
0x54: {  	_ =	shalt  }
0x55: {  	_ =	shalt  }
0x56: {  	_ =	shalt  }
0x57: {  	_ =	shalt  }
0x58: {  	_ =	shalt  }
0x59: {  	_ =	shalt  }
0x5a: {  	_ =	shalt  }
0x5b: {  	_ =	shalt  }
0x5c: {  	_ =	shalt  }
0x5d: {  	_ =	shalt  }
0x5e: {  	_ =	shalt  }
0x5f: {  	_ =	shalt  }
0x60: {  	_ =	shalt  }
0x61: {  	_ =	shalt  }
0x62: {  	_ =	shalt  }
0x63: {  	_ =	shalt  }
0x64: {  	_ =	shalt  }
0x65: {  	_ =	shalt  }
0x66: {  	_ =	shalt  }
0x67: {  	_ =	shalt  }
0x68: {  	_ =	shalt  }
0x69: {  	_ =	shalt  }
0x6a: {  	_ =	shalt  }
0x6b: {  	_ =	shalt  }
0x6c: {  	_ =	shalt  }
0x6d: {  	_ =	shalt  }
0x6e: {  	_ =	shalt  }
0x6f: {  	_ =	shalt  }
0x70: {  	_ =	shalt  }
0x71: {  	_ =	shalt  }
0x72: {  	_ =	shalt  }
0x73: {  	_ =	shalt  }
0x74: {  	_ =	shalt  }
0x75: {  	_ =	shalt  }
0x76: {  	_ =	shalt  }
0x77: {  	_ =	shalt  }
0x78: {  	_ =	shalt  }
0x79: {  	_ =	shalt  }
0x7a: {  	_ =	shalt  }
0x7b: {  	_ =	shalt  }
0x7c: {  	_ =	shalt  }
0x7d: {  	_ =	shalt  }
0x7e: {  	_ =	shalt  }
0x7f: {  	_ =	shalt  }
0x80: {  	_ =	shalt  }
0x81: {  	_ =	shalt  }
0x82: {  	_ =	shalt  }
0x83: {  	_ =	shalt  }
0x84: {  	_ =	shalt  }
0x85: {  	_ =	shalt  }
0x86: {  	_ =	shalt  }
0x87: {  	_ =	shalt  }
.Lfunc_end0:
.L_simem_size_0:
called_computation.1_lowered:
.L_overlay_start_0:
0x88: {  	s2 =	sld [smem:$0x3FD9]  }
0x89: {  	s3 =	sld [smem:$0x3FFE];
	_ =	sdelay $0x1  }
0x8a: {  	s1 =	srdreg.scid  }
0x8b: {  	s0 =	sand.u32 $0x1, s1  }
0x8c: {  	s17 =	sshll.u32 s0, $0xA;
	s2 =	sadd.s32 s3, s2  }
0x8d: {  	s2 =	sadd.s32 s2, s17  }
0x8e: {  	[smem:$0x3FC0] =	sst s2  }
0x8f: {  	_ = 	snop  }
0x90: {  	s2 =	sld [smem:$0x3FD0];
	(tm) =	ssettm $0x1  }
0x91: {  	s18 =	sld [smem:$0x3FFB];
	_ =	sdelay $0x3  }
0x92: {  	_ =	strace s18  }
0x93: {  	s3 =	sld [smem:$0x3FFC];
	_ =	sdelay $0x3  }
0x94: {  	_ =	strace s3  }
0x95: {  	s3 =	sld [smem:$0x3FFD];
	_ =	sdelay $0x3  }
0x96: {  	_ =	strace s3  }
0x97: {  	_ =	strace $0x8FFFFFFF  }
0x98: {  	s19 =	sld [smem:$0x3FDB];
	_ =	sdelay $0x1  }
0x99: {  	s4 =	simm.s32 $_scs_section_size  }
0x9a: {  	s5 =	simm.s32 $_size__tile_overlayer_lowered;
	s6 =	simm.s32 $_tile_overlayer_lowered  }
0x9b: {  	s22 =	simm.s32 $0x1BFF;
	s21 =	sshll.u32 s6, $0x1;
	s3 =	sadd.s32 s4, s19  }
0x9c: {  	s7 =	simm.s32 $0x0;
	s20 =	sshll.u32 s5, $0x1;
	s5 =	sadd.s32 s21, s3  }
0x9d: {  	[timem:s7], [sflag:s22] =	dma.local [hbm:s5], s20  }
0x9e: {  	_ =	swait.ge [sflag:s22], s20  }
0x9f: {  	s4 =	ssub.s32 $0x0, s20;
	[sflag:s22] =	ssyncset.done $0x0  }
0xa0: {  	[sflag:s22] =	ssyncadd.s32 s4;
	_ =	sdelay $0x1  }
0xa1: {  	s23 =	simm.s32 $0x1B8B  }
0xa2: {  	_ =	swait.ge [sflag:s23], $0x1  }
0xa3: {  	[sflag:s23] =	ssyncset.done $0x0  }
0xa4: {  	s25 =	simm.s32 $0x1B8E;
	s24 =	sld [smem:$0x3FFE];
	[sflag:s23] =	ssyncadd.s32 $0xFFFFFFFF  }
0xa5: {  	s26 =	simm.s32 $execute0_lowered;
	[smem:$0x3FD2] =	sst s25  }
0xa6: {  	s5 =	sshll.u32 s26, $0x1;
	_ =	strace $0x80000049;
	[dreg:$0x1] =	wrdreg $0xFFFFFFFF  }
0xa7: {  	s28 =	simm.s32 $_size_execute0_lowered;
	s3 =	sadd.s32 s3, s5;
	[dreg:$0x0] =	wrdreg $0x0  }
0xa8: {  	s5 =	sshll.u32 s28, $0x1;
	[dreg:$0x2] =	wrdreg s3  }
0xa9: {  	[dreg:$0x3] =	wrdreg s5  }
0xaa: {  	[dreg:$0x4] =	wrdreg $0xC0  }
0xab: {  	_ =	task [dreg:s7], $0x5FFFF  }
0xac: {  	[dreg:$0x1] =	wrdreg $0xFFFFFFFF  }
0xad: {  	[dreg:$0x0] =	wrdreg $0x60  }
0xae: {  	[dreg:$0x2] =	wrdreg s24  }
0xaf: {  	[dreg:$0x3] =	wrdreg s2  }
0xb0: {  	[dreg:$0x4] =	wrdreg $0xA4000  }
0xb1: {  	[dreg:$0x5] =	wrdreg $0x9  }
0xb2: {  	_ =	task.clear_ibuf [dreg:s7], $0x6FFFF;
	_ =	strace $0x90000049  }
0xb3: {  	s29 =	simm.s32 $0x9;
	_ =	strace $0x8000004B  }
0xb4: {  	_ =	swait.ge [sflag:s29], $0x1  }
0xb5: {  	[sflag:s29] =	ssyncadd.s32 $0xFFFFFFFF  }
0xb6: {  	_ =	strace $0x9000004B  }
0xb7: {  	_ =	sfence  }
0xb8: {  	s30 =	sld [smem:$0x0];
	_ =	sdelay $0x2  }
0xb9: {  	s31 =	sshll.u32 s1, $0xD;
	s1 =	sshrl.u32 s1, $0x2  }
0xba: {  	s3 =	sand.u32 $0x4000, s31;
	s1 =	sadd.s32 s1, s30  }
0xbb: {  	s0 =	sor.u32 s3, s0;
	s1 =	sshll.u32 s1, $0x11  }
0xbc: {  	s0 =	sor.u32 s1, s0  }
0xbd: {  	s0 =	sadd.s32 $0x8F2B, s0  }
0xbe: {  	[sflag:s0] =	ssyncadd.remote.s32 $0x1  }
0xbf: {  	_ =	sfence.sel $0xFFFF  }
0xc0: {  	[dreg:$0x0] =	wrdreg $0xFFFFFFFF;
	(pc) =	sbr.abs _section_cstart, $3  }
0xc1: {  	[dreg:$0x1] =	wrdreg $0xFFFFFFFF  }
0xc2: {  	_ =	task.clear_ibuf [dreg:s7], $0x2FFFF;
	_ =	strace $0x9FFFFFFF  }
0xc3: {  	(tm) =	ssettm $0x7FFFFFFF  }
tec
execute0_lowered:
.L_overlay_start_1:
0x0: {  	(tag) =	ssettag $0x1  }
0x1: {  	s0 =	rddreg [dreg:$0x0];
	s1 =	srdreg.scid  }
0x2: {  	s3 =	rddreg [dreg:$0x2];
	s16 =	stileid.u32;
	s4 =	simm.s32 $0x0  }
0x3: {  	s24 =	simm.s32 $0x180;
	s25 =	simm.s32 $0x280;
	s26 =	simm.s32 $0x380  }
0x4: {  	s28 =	simm.s32 $0x2;
	s29 =	simm.s32 $0x3;
	s7 =	smul.u32 $0x14000, s16  }
0x5: {  	s30 =	simm.s32 $0x4;
	s31 =	simm.s32 $0x0;
	s11 =	smul.u32 $0x50000, s16  }
0x6: {  	s8 =	sand.u32 $0x1, s1;
	[smem:$0x7FF] =	sst s4;
	s13 =	smul.u32 $0x7D00, s16  }
0x7: {  	s5 =	sadd.s32 $0x7C600, s0;
	s19 =	sshll.u32 s16, $0x6;
	s6 =	smul.u32 $0x140000, s8  }
0x8: {  	_ =	strace $0x8000004A;
	s9 =	sshll.u32 s8, $0x4;
	s10 =	ssub.s32 $0x2, s8  }
0x9: {  	s18 =	smul.u32 $0x7D000, s8;
	s8 =	sor.u32 $0x1C05, s19;
	[dreg:$0x5] =	wrdreg s24  }
0xa: {  	s19 =	simm.s32 $0x100;
	[dreg:$0x6] =	wrdreg s25;
	s24 =	simm.s32 $0x7C00  }
0xb: {  	[dreg:$0x7] =	wrdreg s26;
	s25 =	simm.s32 $0x1;
	s26 =	simm.s32 $0x80  }
0xc: {  	s9 =	sor.u32 s16, s9;
	s12 =	sshrl.u32 s10, $0x1;
	s17 =	sshrl.u32 s11, $0x2  }
0xd: {  	s7 =	sadd.s32 s7, s6;
	s6 =	sadd.s32 $0xD200, s0;
	s14 =	ssub.s32 s10, s12  }
0xe: {  	s15 =	sadd.s32 s17, s3;
	s16 =	sadd.s32 s13, s18;
	s7 =	sshrl.u32 s7, $0x3  }
0xf: {  	s17 =	simm.s32 $0x50;
	s0 =	sadd.s32 s7, s0;
	s7 =	smul.u32 $0x7D00, s9  }
0x10: {  	s18 =	simm.s32 $0x400;
	s23 =	sadd.s32 $0x400, s16;
	s14 =	smax.u32 s14, $0x1  }
0x11: {  	s15 =	sshrl.u32 s15, $0x3;
	s16 =	simm.s32 $0x5;
	s20 =	sshrl.u32 s7, $0x3  }
0x12: {  	[dreg:$0x4] =	wrdreg s23;
	s23 =	simm.s32 $0x300;
	s9 =	sadd.s32 s6, s20  }
0x13: {  	s13 =	sadd.s32 $0xA3800, s0;
	s20 =	simm.s32 $0x2C00;
	s21 =	sadd.s32 $0x20, s9  }
0x14: {  	s22 =	sadd.s32 $0x40, s9;
	s12 =	sadd.s32 $0x60, s9;
	[dreg:$0x8] =	wrdreg s21  }
0x15: {  	[dreg:$0x9] =	wrdreg s22;
	s21 =	simm.s32 $0x200;
	s22 =	simm.s32 $0x5400  }
.LBB2_1:
0x16: {  	s0 =	rddreg [dreg:$0x1]  }
0x17: {  	[spmem:s15], [sflag:s8] =	dma.local [hbm:s0], $0x2800  }
0x18: {  	_ =	swait.ge [sflag:s16], $0x2800  }
0x19: {  	[sflag:s16] =	ssyncset.done $0x0  }
0x1a: {  	[sflag:s16] =	ssyncadd.s32 $0xFFFFD800  }
0x1b: {  	[bflag:$0x0] =	sbarrier.arrive $0xFFFF  }
0x1c: {  	[tilespmem:s4], [sflag:$0x5] =	stream.linear.gather [hbm4b:s9+s4], $0x100, $0x38;
	[tilespmem:$0x1E400] =	vst v63  }
0x1d: {  	_ =	swait.ge [sflag:s16], $0x100  }
0x1e: {  	[sflag:s16] =	ssyncset.done $0x0  }
0x1f: {  	[sflag:s16] =	ssyncadd.s32 $0xFFFFFF00  }
0x20: {  	[tilespmem:s18], [sflag:$0x1] =	stream.indirect.gather [hbm4b:s5+s17], $0x80, s4, s17, $0xb8;
	[tilespmem:$0x1E400] =	vst v63  }
0x21: {  	s10 =	rddreg [dreg:$0x8]  }
0x22: {  	[tilespmem:s19], [sflag:$0x5] =	stream.linear.gather [hbm4b:s10+s4], $0x100, $0x38;
	[tilespmem:$0x1E400] =	vst v63  }
0x23: {  	_ =	swait.ge [sflag:s16], $0x100  }
0x24: {  	[sflag:s16] =	ssyncset.done $0x0  }
0x25: {  	[sflag:s16] =	ssyncadd.s32 $0xFFFFFF00  }
0x26: {  	[tilespmem:s20], [sflag:$0x2] =	stream.indirect.gather [hbm4b:s5+s17], $0x80, s19, s17, $0xb8;
	[tilespmem:$0x1E400] =	vst v63  }
0x27: {  	s11 =	rddreg [dreg:$0x9]  }
0x28: {  	[tilespmem:s21], [sflag:$0x5] =	stream.linear.gather [hbm4b:s11+s4], $0x100, $0x38;
	[tilespmem:$0x1E400] =	vst v63  }
0x29: {  	_ =	swait.ge [sflag:s16], $0x100  }
0x2a: {  	[sflag:s16] =	ssyncset.done $0x0  }
0x2b: {  	[sflag:s16] =	ssyncadd.s32 $0xFFFFFF00  }
0x2c: {  	[tilespmem:s22], [sflag:$0x3] =	stream.indirect.gather [hbm4b:s5+s17], $0x80, s21, s17, $0xb8;
	[tilespmem:$0x1E400] =	vst v63  }
0x2d: {  	_ = 	snop  }
0x2e: {  	[tilespmem:s23], [sflag:$0x5] =	stream.linear.gather [hbm4b:s12+s4], $0x100, $0x38;
	[tilespmem:$0x1E400] =	vst v63  }
0x2f: {  	_ =	swait.ge [sflag:s16], $0x100  }
0x30: {  	[sflag:s16] =	ssyncset.done $0x0  }
0x31: {  	[sflag:s16] =	ssyncadd.s32 $0xFFFFFF00  }
0x32: {  	[tilespmem:s24], [sflag:$0x4] =	stream.indirect.gather [hbm4b:s5+s17], $0x80, s23, s17, $0xb8;
	[tilespmem:$0x1E400] =	vst v63  }
0x33: {  	_ =	swait.ge [sflag:s25], $0x2800  }
0x34: {  	[sflag:s25] =	ssyncset.done $0x0  }
0x35: {  	[sflag:s25] =	ssyncadd.s32 $0xFFFFD800  }
0x36: {  	[spmem:s3] =	stream.indirect.scatter.add.f32 [tilespmem:s18], [sflag:$0x5], $0x80, s26, s17, $0xb8;
	[tilespmem:$0x1E400] =	vst v63  }
0x37: {  	_ =	swait.ge [sflag:s16], $0x2800  }
0x38: {  	s1 =	rddreg [dreg:$0x4]  }
0x39: {  	s0 =	sadd.s32 $0x0, s1  }
0x3a: {  	[sflag:s16] =	ssyncset.done $0x0;
	s0 =	sshrl.u32 s0, $0x3  }
0x3b: {  	[sflag:s16] =	ssyncadd.s32 $0xFFFFD800;
	s0 =	sadd.s32 s6, s0  }
0x3c: {  	[tilespmem:s4], [sflag:$0x5] =	stream.linear.gather [hbm4b:s0+s4], $0x100, $0x38;
	[tilespmem:$0x1E400] =	vst v63  }
0x3d: {  	_ =	swait.ge [sflag:s16], $0x100  }
0x3e: {  	[sflag:s16] =	ssyncset.done $0x0  }
0x3f: {  	[sflag:s16] =	ssyncadd.s32 $0xFFFFFF00  }
0x40: {  	[tilespmem:s18], [sflag:$0x1] =	stream.indirect.gather [hbm4b:s5+s17], $0x80, s4, s17, $0xb8;
	[tilespmem:$0x1E400] =	vst v63  }
0x41: {  	_ =	swait.ge [sflag:s28], $0x2800  }
0x42: {  	p0 =	por $0x0, $0x0;
	s0 =	simm.s32 $0x500;
	[sflag:s28] =	ssyncset.done $0x0  }
0x43: {  	s0 =	simm.s32 @p0 $0x0;
	s2 =	rddreg [dreg:$0x5];
	[sflag:s28] =	ssyncadd.s32 $0xFFFFD800  }
0x44: {  	[spmem:s3] =	stream.indirect.scatter.add.f32 [tilespmem:s20], [sflag:$0x5], $0x80, s2, s17, $0xb8;
	[tilespmem:$0x1E400] =	vst v63  }
0x45: {  	s0 =	sadd.s32 s7, s0;
	_ =	swait.ge [sflag:s16], $0x2800  }
0x46: {  	s0 =	sshrl.u32 s0, $0x3;
	[sflag:s16] =	ssyncset.done $0x0  }
0x47: {  	s0 =	sadd.s32 s6, s0;
	[sflag:s16] =	ssyncadd.s32 $0xFFFFD800  }
0x48: {  	[tilespmem:s19], [sflag:$0x5] =	stream.linear.gather [hbm4b:s0+s4], $0x100, $0x38;
	[tilespmem:$0x1E400] =	vst v63  }
0x49: {  	_ =	swait.ge [sflag:s16], $0x100  }
0x4a: {  	[sflag:s16] =	ssyncset.done $0x0  }
0x4b: {  	[sflag:s16] =	ssyncadd.s32 $0xFFFFFF00  }
0x4c: {  	[tilespmem:s20], [sflag:$0x2] =	stream.indirect.gather [hbm4b:s5+s17], $0x80, s19, s17, $0xb8;
	[tilespmem:$0x1E400] =	vst v63  }
0x4d: {  	_ =	swait.ge [sflag:s29], $0x2800  }
0x4e: {  	s0 =	simm.s32 $0x600;
	[sflag:s29] =	ssyncset.done $0x0  }
0x4f: {  	s0 =	simm.s32 @p0 $0x0;
	s10 =	rddreg [dreg:$0x6];
	[sflag:s29] =	ssyncadd.s32 $0xFFFFD800  }
0x50: {  	[spmem:s3] =	stream.indirect.scatter.add.f32 [tilespmem:s22], [sflag:$0x5], $0x80, s10, s17, $0xb8;
	[tilespmem:$0x1E400] =	vst v63  }
0x51: {  	s0 =	sadd.s32 s7, s0;
	_ =	swait.ge [sflag:s16], $0x2800  }
0x52: {  	s0 =	sshrl.u32 s0, $0x3;
	[sflag:s16] =	ssyncset.done $0x0  }
0x53: {  	s0 =	sadd.s32 s6, s0;
	[sflag:s16] =	ssyncadd.s32 $0xFFFFD800  }
0x54: {  	[tilespmem:s21], [sflag:$0x5] =	stream.linear.gather [hbm4b:s0+s4], $0x100, $0x38;
	[tilespmem:$0x1E400] =	vst v63  }
0x55: {  	_ =	swait.ge [sflag:s16], $0x100  }
0x56: {  	[sflag:s16] =	ssyncset.done $0x0  }
0x57: {  	[sflag:s16] =	ssyncadd.s32 $0xFFFFFF00  }
0x58: {  	[tilespmem:s22], [sflag:$0x3] =	stream.indirect.gather [hbm4b:s5+s17], $0x80, s21, s17, $0xb8;
	[tilespmem:$0x1E400] =	vst v63  }
0x59: {  	_ =	swait.ge [sflag:s30], $0x2800  }
0x5a: {  	s0 =	simm.s32 $0x700;
	[sflag:s30] =	ssyncset.done $0x0  }
0x5b: {  	s0 =	simm.s32 @p0 $0x0;
	s11 =	rddreg [dreg:$0x7];
	[sflag:s30] =	ssyncadd.s32 $0xFFFFD800  }
0x5c: {  	[spmem:s3] =	stream.indirect.scatter.add.f32 [tilespmem:s24], [sflag:$0x5], $0x80, s11, s17, $0xb8;
	[tilespmem:$0x1E400] =	vst v63  }
0x5d: {  	s0 =	sadd.s32 s7, s0;
	_ =	swait.ge [sflag:s16], $0x2800  }
0x5e: {  	s0 =	sshrl.u32 s0, $0x3;
	[sflag:s16] =	ssyncset.done $0x0  }
0x5f: {  	s0 =	sadd.s32 s6, s0;
	[sflag:s16] =	ssyncadd.s32 $0xFFFFD800  }
0x60: {  	[tilespmem:s23], [sflag:$0x5] =	stream.linear.gather [hbm4b:s0+s4], $0x100, $0x38;
	[tilespmem:$0x1E400] =	vst v63  }
0x61: {  	_ =	swait.ge [sflag:s16], $0x100  }
0x62: {  	s0 =	simm.s32 $0x400;
	[sflag:s16] =	ssyncset.done $0x0  }
.LBB2_2:
0x63: {  	[sflag:s16] =	ssyncadd.s32 $0xFFFFFF00  }
0x64: {  	[tilespmem:s24], [sflag:$0x4] =	stream.indirect.gather [hbm4b:s5+s17], $0x80, s23, s17, $0xb8;
	[tilespmem:$0x1E400] =	vst v63  }
0x65: {  	_ =	swait.ge [sflag:s25], $0x2800  }
0x66: {  	[sflag:s25] =	ssyncset.done $0x0  }
0x67: {  	[sflag:s25] =	ssyncadd.s32 $0xFFFFD800  }
0x68: {  	[spmem:s3] =	stream.indirect.scatter.add.f32 [tilespmem:s18], [sflag:$0x5], $0x80, s26, s17, $0xb8;
	[tilespmem:$0x1E400] =	vst v63  }
0x69: {  	_ =	swait.ge [sflag:s16], $0x2800  }
0x6a: {  	s1 =	smov.u32 s0;
	s2 =	rddreg [dreg:$0x4]  }
0x6b: {  	s2 =	sadd.s32 s1, s2  }
0x6c: {  	[sflag:s16] =	ssyncset.done $0x0;
	s2 =	sshrl.u32 s2, $0x3  }
0x6d: {  	[sflag:s16] =	ssyncadd.s32 $0xFFFFD800;
	s2 =	sadd.s32 s6, s2  }
0x6e: {  	[tilespmem:s4], [sflag:$0x5] =	stream.linear.gather [hbm4b:s2+s4], $0x100, $0x38;
	[tilespmem:$0x1E400] =	vst v63  }
0x6f: {  	_ =	swait.ge [sflag:s16], $0x100  }
0x70: {  	[sflag:s16] =	ssyncset.done $0x0  }
0x71: {  	[sflag:s16] =	ssyncadd.s32 $0xFFFFFF00  }
0x72: {  	[tilespmem:s18], [sflag:$0x1] =	stream.indirect.gather [hbm4b:s5+s17], $0x80, s4, s17, $0xb8;
	[tilespmem:$0x1E400] =	vst v63  }
0x73: {  	_ =	swait.ge [sflag:s28], $0x2800  }
0x74: {  	p1 =	seq.s32 s1, $0x7800;
	s11 =	sadd.s32 $0x500, s1;
	[sflag:s28] =	ssyncset.done $0x0  }
0x75: {  	s11 =	simm.s32 @p1 $0x0;
	s2 =	rddreg [dreg:$0x5];
	[sflag:s28] =	ssyncadd.s32 $0xFFFFD800  }
0x76: {  	[spmem:s3] =	stream.indirect.scatter.add.f32 [tilespmem:s20], [sflag:$0x5], $0x80, s2, s17, $0xb8;
	[tilespmem:$0x1E400] =	vst v63  }
0x77: {  	s11 =	sadd.s32 s7, s11;
	_ =	swait.ge [sflag:s16], $0x2800  }
0x78: {  	s2 =	sshrl.u32 s11, $0x3;
	[sflag:s16] =	ssyncset.done $0x0  }
0x79: {  	s2 =	sadd.s32 s6, s2;
	[sflag:s16] =	ssyncadd.s32 $0xFFFFD800  }
0x7a: {  	[tilespmem:s19], [sflag:$0x5] =	stream.linear.gather [hbm4b:s2+s4], $0x100, $0x38;
	[tilespmem:$0x1E400] =	vst v63  }
0x7b: {  	_ =	swait.ge [sflag:s16], $0x100  }
0x7c: {  	[sflag:s16] =	ssyncset.done $0x0  }
0x7d: {  	[sflag:s16] =	ssyncadd.s32 $0xFFFFFF00  }
0x7e: {  	[tilespmem:s20], [sflag:$0x2] =	stream.indirect.gather [hbm4b:s5+s17], $0x80, s19, s17, $0xb8;
	[tilespmem:$0x1E400] =	vst v63  }
0x7f: {  	_ =	swait.ge [sflag:s29], $0x2800  }
0x80: {  	s10 =	sadd.s32 $0x600, s1;
	[sflag:s29] =	ssyncset.done $0x0  }
0x81: {  	s10 =	simm.s32 @p1 $0x0;
	s11 =	rddreg [dreg:$0x6];
	[sflag:s29] =	ssyncadd.s32 $0xFFFFD800  }
0x82: {  	[spmem:s3] =	stream.indirect.scatter.add.f32 [tilespmem:s22], [sflag:$0x5], $0x80, s11, s17, $0xb8;
	[tilespmem:$0x1E400] =	vst v63  }
0x83: {  	s10 =	sadd.s32 s7, s10;
	_ =	swait.ge [sflag:s16], $0x2800  }
0x84: {  	s10 =	sshrl.u32 s10, $0x3;
	[sflag:s16] =	ssyncset.done $0x0  }
0x85: {  	s10 =	sadd.s32 s6, s10;
	[sflag:s16] =	ssyncadd.s32 $0xFFFFD800  }
0x86: {  	[tilespmem:s21], [sflag:$0x5] =	stream.linear.gather [hbm4b:s10+s4], $0x100, $0x38;
	[tilespmem:$0x1E400] =	vst v63  }
0x87: {  	_ =	swait.ge [sflag:s16], $0x100  }
0x88: {  	[sflag:s16] =	ssyncset.done $0x0  }
0x89: {  	[sflag:s16] =	ssyncadd.s32 $0xFFFFFF00  }
0x8a: {  	[tilespmem:s22], [sflag:$0x3] =	stream.indirect.gather [hbm4b:s5+s17], $0x80, s21, s17, $0xb8;
	[tilespmem:$0x1E400] =	vst v63  }
0x8b: {  	_ =	swait.ge [sflag:s30], $0x2800  }
0x8c: {  	s1 =	sadd.s32 $0x700, s1;
	[sflag:s30] =	ssyncset.done $0x0  }
0x8d: {  	s1 =	simm.s32 @p1 $0x0;
	s11 =	rddreg [dreg:$0x7];
	[sflag:s30] =	ssyncadd.s32 $0xFFFFD800  }
0x8e: {  	[spmem:s3] =	stream.indirect.scatter.add.f32 [tilespmem:s24], [sflag:$0x5], $0x80, s11, s17, $0xb8;
	[tilespmem:$0x1E400] =	vst v63  }
0x8f: {  	p0 =	sne.s32 s0, $0x7800;
	s1 =	sadd.s32 s7, s1;
	_ =	swait.ge [sflag:s16], $0x2800  }
.Ltmp0:
0x90: {  	s1 =	sshrl.u32 s1, $0x3;
	[sflag:s16] =	ssyncset.done $0x0;
	(pc) =	sbr.rel @p0 .LBB2_2-.Ltmp0, $4  }
0x91: {  	s1 =	sadd.s32 s6, s1;
	[sflag:s16] =	ssyncadd.s32 $0xFFFFD800  }
0x92: {  	[tilespmem:s23], [sflag:$0x5] =	stream.linear.gather [hbm4b:s1+s4], $0x100, $0x38;
	[tilespmem:$0x1E400] =	vst v63  }
0x93: {  	_ =	swait.ge [sflag:s16], $0x100  }
0x94: {  	s0 =	sadd.s32 $0x400, s0;
	[sflag:s16] =	ssyncset.done $0x0  }
0x95: {  	[sflag:s16] =	ssyncadd.s32 $0xFFFFFF00  }
0x96: {  	[tilespmem:s24], [sflag:$0x4] =	stream.indirect.gather [hbm4b:s5+s17], $0x80, s23, s17, $0xb8;
	[tilespmem:$0x1E400] =	vst v63  }
0x97: {  	_ =	swait.ge [sflag:s25], $0x2800  }
0x98: {  	[sflag:s25] =	ssyncset.done $0x0  }
0x99: {  	[sflag:s25] =	ssyncadd.s32 $0xFFFFD800  }
0x9a: {  	[spmem:s3] =	stream.indirect.scatter.add.f32 [tilespmem:s18], [sflag:$0x5], $0x80, s26, s17, $0xb8;
	[tilespmem:$0x1E400] =	vst v63  }
0x9b: {  	_ =	swait.ge [sflag:s16], $0x2800  }
0x9c: {  	[sflag:s16] =	ssyncset.done $0x0  }
0x9d: {  	[sflag:s16] =	ssyncadd.s32 $0xFFFFD800  }
0x9e: {  	_ =	swait.ge [sflag:s28], $0x2800  }
0x9f: {  	[sflag:s28] =	ssyncset.done $0x0  }
0xa0: {  	[sflag:s28] =	ssyncadd.s32 $0xFFFFD800  }
0xa1: {  	_ =	swait.ge [sflag:s29], $0x2800  }
0xa2: {  	[sflag:s29] =	ssyncset.done $0x0  }
0xa3: {  	[sflag:s29] =	ssyncadd.s32 $0xFFFFD800  }
0xa4: {  	_ =	swait.ge [sflag:s30], $0x2800  }
0xa5: {  	s31 =	sadd.s32 $0x1, s31;
	[sflag:s30] =	ssyncset.done $0x0  }
0xa6: {  	p0 =	sne.s32 s31, s14;
	[sflag:s30] =	ssyncadd.s32 $0xFFFFD800  }
.Ltmp1:
0xa7: {  	[bflag:$0x0] =	sbarrier.arrive $0xFFFF;
	(pc) =	sbr.rel @p0 .LBB2_1-.Ltmp1, $4  }
0xa8: {  	[hbm:s13], [sflag:s8] =	dma.local [spmem:s15], $0x2800  }
0xa9: {  	_ =	swait.ge [sflag:s16], $0x2800  }
0xaa: {  	[sflag:s16] =	ssyncset.done $0x0  }
0xab: {  	[sflag:s16] =	ssyncadd.s32 $0xFFFFD800  }
0xac: {  	_ =	sfence.sel $0x180000  }
0xad: {  	[bflag:$0x0] =	sbarrier.arrive $0xFFFF  }
0xae: {  	_ =	strace $0x9000004A  }
0xaf: {  	s0 =	stileid.u32;
	[bflag:$0x2] =	sbarrier.arrive $0xFFFF  }
0xb0: {  	p0 =	sne.s32 s0, $0x0;
	s0 =	rddreg [dreg:$0x3]  }
0xb1: {  	s0 =	sadd.s32 @!p0 $0x100000, s0  }
0xb2: {  	[sflag:s0] =	ssyncadd.tile.s32 @!p0 $0x1;
	_ =	shalt  }
.Lfunc_end2:
_tile_overlayer_lowered:
.L_overlay_start_2:
0xb3: {  	(tag) =	ssettag $0x2  }
0xb4: {  	s0 =	rddreg [dreg:$0x0];
	s2 =	stileid.u32  }
0xb5: {  	s1 =	rddreg [dreg:$0x1];
	p0 =	sne.s32 s2, $0x0  }
0xb6: {  	s3 =	rddreg [dreg:$0x2];
	[bflag:$0x3] =	sbarrier.arrive $0xFFFF;
	s2 =	simm.s32 @!p0 $0x1C05  }
0xb7: {  	[timem:s3], [sflag:s2] =	dma.local @!p0 [hbm:s0], s1  }
0xb8: {  	s0 =	simm.s32 @!p0 $0x5  }
0xb9: {  	_ =	swait.ge @!p0 [sflag:s0], s1  }
0xba: {  	s1 =	ssub.s32 @!p0 $0x0, s1;
	[sflag:s0] =	ssyncset.done @!p0 $0x0  }
0xbb: {  	[sflag:s0] =	ssyncadd.s32 @!p0 s1  }
0xbc: {  	[bflag:$0x3] =	sbarrier.arrive $0xFFFF  }
0xbd: {  	_ =	shalt  }

// kernel: kernel.14.cloned.1.call-start
scs
__scs_entry_jumppad:
0x0: {  	(pc) =	sbr.rel $0x88, $3  }
0x1: {  	(tag) =	ssettag $0x0;
	lr =	simm.s32 $0x1  }
0x2: {  	[smem:$0x3F99] =	sst lr;
	_ =	strace $0xD0000000  }
0x3: {  	_ = 	snop  }
0x4: {  	_ = 	snop  }
0x5: {  	_ = 	snop  }
0x6: {  	_ = 	snop  }
0x7: {  	_ = 	snop  }
__scs_overlays_trampoline_lowered:
0x8: {  	[smem:$0x3FA8] =	sst s0  }
0x9: {  	[smem:$0x3FA9] =	sst s1  }
0xa: {  	[smem:$0x3FAA] =	sst s2  }
0xb: {  	[smem:$0x3FAB] =	sst s3  }
0xc: {  	[smem:$0x3FAC] =	sst s4  }
0xd: {  	[smem:$0x3FAD] =	sst s5  }
0xe: {  	[smem:$0x3FAE] =	sst s6  }
0xf: {  	[smem:$0x3FAF] =	sst s7  }
0x10: {  	[smem:$0x3FB0] =	sst s8  }
0x11: {  	[smem:$0x3FB1] =	sst s9;
	s0 =	simm.s32 @!p0 $0x0  }
0x12: {  	s1 =	sld [smem:$0x3F97];
	s0 =	simm.s32 @p0 $0x1  }
0x13: {  	[smem:$0x3FB2] =	sst s0;
	s0 =	simm.s32 @!p1 $0x0  }
0x14: {  	s2 =	sld [smem:$0x3F96];
	s0 =	simm.s32 @p1 $0x1  }
0x15: {  	[smem:$0x3FB3] =	sst s0;
	s0 =	simm.s32 @!p2 $0x0  }
0x16: {  	s3 =	sld [smem:$0x3FDB];
	s0 =	simm.s32 @p2 $0x1  }
0x17: {  	s4 =	simm.s32 $0x1BF5;
	[smem:$0x3FB5] =	sst s0  }
0x18: {  	s0 =	sld [smem:$0x3F98];
	_ =	swait.ge [sflag:s4], $0x0  }
0x19: {  	s7 =	sld [smem:$0x3F99]  }
0x1a: {  	s8 =	sadd.s32 $0xFFFFE003, lr  }
0x1b: {  	s9 =	sadd.s32 $0xFFFFFEF7, lr;
	s5 =	simm.s32 $0xFFFFFFFF;
	p2 =	slt.u32 s8, $0xFFFFF086  }
0x1c: {  	p1 =	slt.u32 s9, $0xF7A;
	s5 =	simm.s32 @!p2 $0x0  }
0x1d: {  	s5 =	simm.s32 @p1 $0x1;
	p0 =	seq.s32 s7, s2  }
0x1e: {  	s7 =	smul.u32 @!p0 $0xF7A, s2;
	p2 =	seq.s32 @!p0 s5, $0x0  }
0x1f: {  	s9 =	smul.u32 $0xF7A, s1;
	s8 =	simm.s32 @!p0 $0x1BF5;
	p2 =	por !p2, p0  }
0x20: {  	[sflag:s8] =	ssyncset.s32 @!p0 $0xFFFFF086;
	s6 =	sadd.s32 @!p0 s3, s7;
	s7 =	simm.s32 @!p0 $0x108  }
0x21: {  	s3 =	sadd.s32 s3, s9;
	s6 =	sadd.s32 @!p0 $0x88, s6;
	s7 =	simm.s32 @p2 $0x1082  }
0x22: {  	[simem:s7], [sflag:s8] =	dma.local @!p0 [hbm:s6], $0xF7A  }
0x23: {  	s9 =	sor.u32 $0xD0000000, s2;
	s6 =	simm.s32 $0x108;
	_ =	swait.ge @!p0 [sflag:s8], $0x0  }
0x24: {  	s3 =	sadd.s32 $0x88, s3;
	s6 =	simm.s32 @!p1 $0x1082;
	[sflag:s4] =	ssyncset.s32 $0xFFFFF086  }
0x25: {  	[simem:s6], [sflag:s4] =	dma.local [hbm:s3], $0xF7A  }
0x26: {  	[smem:$0x3F99] =	sst s1;
	(tag) =	ssettag s2;
	_ =	strace s9  }
0x27: {  	s1 =	sld [smem:$0x3FA9]  }
0x28: {  	s2 =	sld [smem:$0x3FAA]  }
0x29: {  	s4 =	sld [smem:$0x3FAC]  }
0x2a: {  	p0 =	seq.s32 s5, $0x0;
	s5 =	sld [smem:$0x3FAD]  }
0x2b: {  	s6 =	sld [smem:$0x3FAE]  }
0x2c: {  	s7 =	sld [smem:$0x3FAF]  }
0x2d: {  	s3 =	simm.s32 $0x108;
	s8 =	sld [smem:$0x3FB0]  }
0x2e: {  	s3 =	simm.s32 @!p0 $0x1082;
	s9 =	sld [smem:$0x3FB1]  }
0x2f: {  	lr =	sadd.s32 s0, s3;
	s0 =	sld [smem:$0x3FA8]  }
0x30: {  	s3 =	sld [smem:$0x3FAB]  }
0x31: {  	[smem:$0x3FB4] =	sst s10  }
0x32: {  	s10 =	sld [smem:$0x3FB2];
	_ =	sdelay $0x3  }
0x33: {  	p0 =	seq.s32 s10, $0x1;
	s10 =	sld [smem:$0x3FB4];
	_ =	sdelay $0x3  }
0x34: {  	[smem:$0x3FB4] =	sst s10  }
0x35: {  	s10 =	sld [smem:$0x3FB3];
	_ =	sdelay $0x3  }
0x36: {  	p1 =	seq.s32 s10, $0x1;
	s10 =	sld [smem:$0x3FB4];
	_ =	sdelay $0x3  }
0x37: {  	[smem:$0x3FB4] =	sst s10  }
0x38: {  	s10 =	sld [smem:$0x3FB5]  }
0x39: {  	_ = 	snop;
	(pc) =	sbr.ind lr, $3  }
0x3a: {  	_ = 	snop  }
0x3b: {  	_ = 	snop  }
0x3c: {  	p2 =	seq.s32 s10, $0x1;
	s10 =	sld [smem:$0x3FB4]  }
0x3d: {  	_ =	shalt  }
0x3e: {  	_ =	shalt  }
0x3f: {  	_ =	shalt  }
0x40: {  	_ =	shalt  }
0x41: {  	_ =	shalt  }
0x42: {  	_ =	shalt  }
0x43: {  	_ =	shalt  }
0x44: {  	_ =	shalt  }
0x45: {  	_ =	shalt  }
0x46: {  	_ =	shalt  }
0x47: {  	_ =	shalt  }
0x48: {  	_ =	shalt  }
0x49: {  	_ =	shalt  }
0x4a: {  	_ =	shalt  }
0x4b: {  	_ =	shalt  }
0x4c: {  	_ =	shalt  }
0x4d: {  	_ =	shalt  }
0x4e: {  	_ =	shalt  }
0x4f: {  	_ =	shalt  }
0x50: {  	_ =	shalt  }
0x51: {  	_ =	shalt  }
0x52: {  	_ =	shalt  }
0x53: {  	_ =	shalt  }
0x54: {  	_ =	shalt  }
0x55: {  	_ =	shalt  }
0x56: {  	_ =	shalt  }
0x57: {  	_ =	shalt  }
0x58: {  	_ =	shalt  }
0x59: {  	_ =	shalt  }
0x5a: {  	_ =	shalt  }
0x5b: {  	_ =	shalt  }
0x5c: {  	_ =	shalt  }
0x5d: {  	_ =	shalt  }
0x5e: {  	_ =	shalt  }
0x5f: {  	_ =	shalt  }
0x60: {  	_ =	shalt  }
0x61: {  	_ =	shalt  }
0x62: {  	_ =	shalt  }
0x63: {  	_ =	shalt  }
0x64: {  	_ =	shalt  }
0x65: {  	_ =	shalt  }
0x66: {  	_ =	shalt  }
0x67: {  	_ =	shalt  }
0x68: {  	_ =	shalt  }
0x69: {  	_ =	shalt  }
0x6a: {  	_ =	shalt  }
0x6b: {  	_ =	shalt  }
0x6c: {  	_ =	shalt  }
0x6d: {  	_ =	shalt  }
0x6e: {  	_ =	shalt  }
0x6f: {  	_ =	shalt  }
0x70: {  	_ =	shalt  }
0x71: {  	_ =	shalt  }
0x72: {  	_ =	shalt  }
0x73: {  	_ =	shalt  }
0x74: {  	_ =	shalt  }
0x75: {  	_ =	shalt  }
0x76: {  	_ =	shalt  }
0x77: {  	_ =	shalt  }
0x78: {  	_ =	shalt  }
0x79: {  	_ =	shalt  }
0x7a: {  	_ =	shalt  }
0x7b: {  	_ =	shalt  }
0x7c: {  	_ =	shalt  }
0x7d: {  	_ =	shalt  }
0x7e: {  	_ =	shalt  }
0x7f: {  	_ =	shalt  }
0x80: {  	_ =	shalt  }
0x81: {  	_ =	shalt  }
0x82: {  	_ =	shalt  }
0x83: {  	_ =	shalt  }
0x84: {  	_ =	shalt  }
0x85: {  	_ =	shalt  }
0x86: {  	_ =	shalt  }
0x87: {  	_ =	shalt  }
.Lfunc_end0:
.L_simem_size_0:
called_computation.2_lowered:
.L_overlay_start_0:
0x88: {  	s2 =	sld [smem:$0x3FD9]  }
0x89: {  	s3 =	sld [smem:$0x3FFE];
	_ =	sdelay $0x1  }
0x8a: {  	s1 =	srdreg.scid  }
0x8b: {  	s0 =	sand.u32 $0x1, s1  }
0x8c: {  	s17 =	sshll.u32 s0, $0xA;
	s2 =	sadd.s32 s3, s2  }
0x8d: {  	s2 =	sadd.s32 s2, s17  }
0x8e: {  	[smem:$0x3FC0] =	sst s2  }
0x8f: {  	_ = 	snop  }
0x90: {  	s2 =	sld [smem:$0x3FD0];
	(tm) =	ssettm $0x1  }
0x91: {  	s18 =	sld [smem:$0x3FFB];
	_ =	sdelay $0x3  }
0x92: {  	_ =	strace s18  }
0x93: {  	s3 =	sld [smem:$0x3FFC];
	_ =	sdelay $0x3  }
0x94: {  	_ =	strace s3  }
0x95: {  	s3 =	sld [smem:$0x3FFD];
	_ =	sdelay $0x3  }
0x96: {  	_ =	strace s3  }
0x97: {  	_ =	strace $0x8FFFFFFF  }
0x98: {  	s19 =	sld [smem:$0x3FDB];
	_ =	sdelay $0x1  }
0x99: {  	s4 =	simm.s32 $_scs_section_size  }
0x9a: {  	s5 =	simm.s32 $_size__tile_overlayer_lowered;
	s6 =	simm.s32 $_tile_overlayer_lowered  }
0x9b: {  	s22 =	simm.s32 $0x1BFF;
	s21 =	sshll.u32 s6, $0x1;
	s3 =	sadd.s32 s4, s19  }
0x9c: {  	s7 =	simm.s32 $0x0;
	s20 =	sshll.u32 s5, $0x1;
	s5 =	sadd.s32 s21, s3  }
0x9d: {  	[timem:s7], [sflag:s22] =	dma.local [hbm:s5], s20  }
0x9e: {  	_ =	swait.ge [sflag:s22], s20  }
0x9f: {  	s4 =	ssub.s32 $0x0, s20;
	[sflag:s22] =	ssyncset.done $0x0  }
0xa0: {  	[sflag:s22] =	ssyncadd.s32 s4;
	_ =	sdelay $0x1  }
0xa1: {  	s23 =	simm.s32 $0x1B8B  }
0xa2: {  	_ =	swait.ge [sflag:s23], $0x1  }
0xa3: {  	[sflag:s23] =	ssyncset.done $0x0  }
0xa4: {  	s25 =	simm.s32 $0x1B8E;
	s24 =	sld [smem:$0x3FFE];
	[sflag:s23] =	ssyncadd.s32 $0xFFFFFFFF  }
0xa5: {  	s26 =	simm.s32 $execute0_lowered;
	[smem:$0x3FD2] =	sst s25  }
0xa6: {  	s5 =	sshll.u32 s26, $0x1;
	_ =	strace $0x8000004C;
	[dreg:$0x1] =	wrdreg $0xFFFFFFFF  }
0xa7: {  	s28 =	simm.s32 $_size_execute0_lowered;
	s3 =	sadd.s32 s3, s5;
	[dreg:$0x0] =	wrdreg $0x0  }
0xa8: {  	s5 =	sshll.u32 s28, $0x1;
	[dreg:$0x2] =	wrdreg s3  }
0xa9: {  	[dreg:$0x3] =	wrdreg s5  }
0xaa: {  	[dreg:$0x4] =	wrdreg $0xC0  }
0xab: {  	_ =	task [dreg:s7], $0x5FFFF  }
0xac: {  	[dreg:$0x1] =	wrdreg $0xFFFFFFFF  }
0xad: {  	[dreg:$0x0] =	wrdreg $0x60  }
0xae: {  	[dreg:$0x2] =	wrdreg s24  }
0xaf: {  	[dreg:$0x3] =	wrdreg s2  }
0xb0: {  	[dreg:$0x4] =	wrdreg $0xA4000  }
0xb1: {  	[dreg:$0x5] =	wrdreg $0x9  }
0xb2: {  	_ =	task.clear_ibuf [dreg:s7], $0x6FFFF;
	_ =	strace $0x9000004C  }
0xb3: {  	s29 =	simm.s32 $0x9;
	_ =	strace $0x8000004E  }
0xb4: {  	_ =	swait.ge [sflag:s29], $0x1  }
0xb5: {  	[sflag:s29] =	ssyncadd.s32 $0xFFFFFFFF  }
0xb6: {  	_ =	strace $0x9000004E  }
0xb7: {  	_ =	sfence  }
0xb8: {  	s30 =	sld [smem:$0x0];
	_ =	sdelay $0x2  }
0xb9: {  	s31 =	sshll.u32 s1, $0xD;
	s1 =	sshrl.u32 s1, $0x2  }
0xba: {  	s3 =	sand.u32 $0x4000, s31;
	s1 =	sadd.s32 s1, s30  }
0xbb: {  	s0 =	sor.u32 s3, s0;
	s1 =	sshll.u32 s1, $0x11  }
0xbc: {  	s0 =	sor.u32 s1, s0  }
0xbd: {  	s0 =	sadd.s32 $0x8F2B, s0  }
0xbe: {  	[sflag:s0] =	ssyncadd.remote.s32 $0x1  }
0xbf: {  	_ =	sfence.sel $0xFFFF  }
0xc0: {  	[dreg:$0x0] =	wrdreg $0xFFFFFFFF;
	(pc) =	sbr.abs _section_cstart, $3  }
0xc1: {  	[dreg:$0x1] =	wrdreg $0xFFFFFFFF  }
0xc2: {  	_ =	task.clear_ibuf [dreg:s7], $0x2FFFF;
	_ =	strace $0x9FFFFFFF  }
0xc3: {  	(tm) =	ssettm $0x7FFFFFFF  }
tec
execute0_lowered:
.L_overlay_start_1:
0x0: {  	(tag) =	ssettag $0x1  }
0x1: {  	s0 =	rddreg [dreg:$0x0];
	s1 =	srdreg.scid  }
0x2: {  	s3 =	rddreg [dreg:$0x2];
	s16 =	stileid.u32;
	s4 =	simm.s32 $0x0  }
0x3: {  	s24 =	simm.s32 $0x180;
	s25 =	simm.s32 $0x280;
	s26 =	simm.s32 $0x380  }
0x4: {  	s28 =	simm.s32 $0x2;
	s29 =	simm.s32 $0x3;
	s7 =	smul.u32 $0x14000, s16  }
0x5: {  	s30 =	simm.s32 $0x4;
	s31 =	simm.s32 $0x0;
	s11 =	smul.u32 $0x50000, s16  }
0x6: {  	s8 =	sand.u32 $0x1, s1;
	[smem:$0x7FF] =	sst s4;
	s13 =	smul.u32 $0x7D00, s16  }
0x7: {  	s5 =	sadd.s32 $0x7C600, s0;
	s19 =	sshll.u32 s16, $0x6;
	s6 =	smul.u32 $0x140000, s8  }
0x8: {  	_ =	strace $0x8000004D;
	s9 =	sshll.u32 s8, $0x4;
	s10 =	ssub.s32 $0x2, s8  }
0x9: {  	s18 =	smul.u32 $0x7D000, s8;
	s8 =	sor.u32 $0x1C05, s19;
	[dreg:$0x5] =	wrdreg s24  }
0xa: {  	s19 =	simm.s32 $0x100;
	[dreg:$0x6] =	wrdreg s25;
	s24 =	simm.s32 $0x7C00  }
0xb: {  	[dreg:$0x7] =	wrdreg s26;
	s25 =	simm.s32 $0x1;
	s26 =	simm.s32 $0x80  }
0xc: {  	s9 =	sor.u32 s16, s9;
	s12 =	sshrl.u32 s10, $0x1;
	s17 =	sshrl.u32 s11, $0x2  }
0xd: {  	s7 =	sadd.s32 s7, s6;
	s6 =	sadd.s32 $0xD200, s0;
	s14 =	ssub.s32 s10, s12  }
0xe: {  	s15 =	sadd.s32 s17, s3;
	s16 =	sadd.s32 s13, s18;
	s7 =	sshrl.u32 s7, $0x3  }
0xf: {  	s17 =	simm.s32 $0x50;
	s0 =	sadd.s32 s7, s0;
	s7 =	smul.u32 $0x7D00, s9  }
0x10: {  	s18 =	simm.s32 $0x400;
	s23 =	sadd.s32 $0x400, s16;
	s14 =	smax.u32 s14, $0x1  }
0x11: {  	s15 =	sshrl.u32 s15, $0x3;
	s16 =	simm.s32 $0x5;
	s20 =	sshrl.u32 s7, $0x3  }
0x12: {  	[dreg:$0x4] =	wrdreg s23;
	s23 =	simm.s32 $0x300;
	s9 =	sadd.s32 s6, s20  }
0x13: {  	s13 =	sadd.s32 $0xA3800, s0;
	s20 =	simm.s32 $0x2C00;
	s21 =	sadd.s32 $0x20, s9  }
0x14: {  	s22 =	sadd.s32 $0x40, s9;
	s12 =	sadd.s32 $0x60, s9;
	[dreg:$0x8] =	wrdreg s21  }
0x15: {  	[dreg:$0x9] =	wrdreg s22;
	s21 =	simm.s32 $0x200;
	s22 =	simm.s32 $0x5400  }
.LBB2_1:
0x16: {  	s0 =	rddreg [dreg:$0x1]  }
0x17: {  	[spmem:s15], [sflag:s8] =	dma.local [hbm:s0], $0x2800  }
0x18: {  	_ =	swait.ge [sflag:s16], $0x2800  }
0x19: {  	[sflag:s16] =	ssyncset.done $0x0  }
0x1a: {  	[sflag:s16] =	ssyncadd.s32 $0xFFFFD800  }
0x1b: {  	[bflag:$0x0] =	sbarrier.arrive $0xFFFF  }
0x1c: {  	[tilespmem:s4], [sflag:$0x5] =	stream.linear.gather [hbm4b:s9+s4], $0x100, $0x38;
	[tilespmem:$0x1E400] =	vst v63  }
0x1d: {  	_ =	swait.ge [sflag:s16], $0x100  }
0x1e: {  	[sflag:s16] =	ssyncset.done $0x0  }
0x1f: {  	[sflag:s16] =	ssyncadd.s32 $0xFFFFFF00  }
0x20: {  	[tilespmem:s18], [sflag:$0x1] =	stream.indirect.gather [hbm4b:s5+s17], $0x80, s4, s17, $0xb8;
	[tilespmem:$0x1E400] =	vst v63  }
0x21: {  	s10 =	rddreg [dreg:$0x8]  }
0x22: {  	[tilespmem:s19], [sflag:$0x5] =	stream.linear.gather [hbm4b:s10+s4], $0x100, $0x38;
	[tilespmem:$0x1E400] =	vst v63  }
0x23: {  	_ =	swait.ge [sflag:s16], $0x100  }
0x24: {  	[sflag:s16] =	ssyncset.done $0x0  }
0x25: {  	[sflag:s16] =	ssyncadd.s32 $0xFFFFFF00  }
0x26: {  	[tilespmem:s20], [sflag:$0x2] =	stream.indirect.gather [hbm4b:s5+s17], $0x80, s19, s17, $0xb8;
	[tilespmem:$0x1E400] =	vst v63  }
0x27: {  	s11 =	rddreg [dreg:$0x9]  }
0x28: {  	[tilespmem:s21], [sflag:$0x5] =	stream.linear.gather [hbm4b:s11+s4], $0x100, $0x38;
	[tilespmem:$0x1E400] =	vst v63  }
0x29: {  	_ =	swait.ge [sflag:s16], $0x100  }
0x2a: {  	[sflag:s16] =	ssyncset.done $0x0  }
0x2b: {  	[sflag:s16] =	ssyncadd.s32 $0xFFFFFF00  }
0x2c: {  	[tilespmem:s22], [sflag:$0x3] =	stream.indirect.gather [hbm4b:s5+s17], $0x80, s21, s17, $0xb8;
	[tilespmem:$0x1E400] =	vst v63  }
0x2d: {  	_ = 	snop  }
0x2e: {  	[tilespmem:s23], [sflag:$0x5] =	stream.linear.gather [hbm4b:s12+s4], $0x100, $0x38;
	[tilespmem:$0x1E400] =	vst v63  }
0x2f: {  	_ =	swait.ge [sflag:s16], $0x100  }
0x30: {  	[sflag:s16] =	ssyncset.done $0x0  }
0x31: {  	[sflag:s16] =	ssyncadd.s32 $0xFFFFFF00  }
0x32: {  	[tilespmem:s24], [sflag:$0x4] =	stream.indirect.gather [hbm4b:s5+s17], $0x80, s23, s17, $0xb8;
	[tilespmem:$0x1E400] =	vst v63  }
0x33: {  	_ =	swait.ge [sflag:s25], $0x2800  }
0x34: {  	[sflag:s25] =	ssyncset.done $0x0  }
0x35: {  	[sflag:s25] =	ssyncadd.s32 $0xFFFFD800  }
0x36: {  	[spmem:s3] =	stream.indirect.scatter.add.f32 [tilespmem:s18], [sflag:$0x5], $0x80, s26, s17, $0xb8;
	[tilespmem:$0x1E400] =	vst v63  }
0x37: {  	_ =	swait.ge [sflag:s16], $0x2800  }
0x38: {  	s1 =	rddreg [dreg:$0x4]  }
0x39: {  	s0 =	sadd.s32 $0x0, s1  }
0x3a: {  	[sflag:s16] =	ssyncset.done $0x0;
	s0 =	sshrl.u32 s0, $0x3  }
0x3b: {  	[sflag:s16] =	ssyncadd.s32 $0xFFFFD800;
	s0 =	sadd.s32 s6, s0  }
0x3c: {  	[tilespmem:s4], [sflag:$0x5] =	stream.linear.gather [hbm4b:s0+s4], $0x100, $0x38;
	[tilespmem:$0x1E400] =	vst v63  }
0x3d: {  	_ =	swait.ge [sflag:s16], $0x100  }
0x3e: {  	[sflag:s16] =	ssyncset.done $0x0  }
0x3f: {  	[sflag:s16] =	ssyncadd.s32 $0xFFFFFF00  }
0x40: {  	[tilespmem:s18], [sflag:$0x1] =	stream.indirect.gather [hbm4b:s5+s17], $0x80, s4, s17, $0xb8;
	[tilespmem:$0x1E400] =	vst v63  }
0x41: {  	_ =	swait.ge [sflag:s28], $0x2800  }
0x42: {  	p0 =	por $0x0, $0x0;
	s0 =	simm.s32 $0x500;
	[sflag:s28] =	ssyncset.done $0x0  }
0x43: {  	s0 =	simm.s32 @p0 $0x0;
	s2 =	rddreg [dreg:$0x5];
	[sflag:s28] =	ssyncadd.s32 $0xFFFFD800  }
0x44: {  	[spmem:s3] =	stream.indirect.scatter.add.f32 [tilespmem:s20], [sflag:$0x5], $0x80, s2, s17, $0xb8;
	[tilespmem:$0x1E400] =	vst v63  }
0x45: {  	s0 =	sadd.s32 s7, s0;
	_ =	swait.ge [sflag:s16], $0x2800  }
0x46: {  	s0 =	sshrl.u32 s0, $0x3;
	[sflag:s16] =	ssyncset.done $0x0  }
0x47: {  	s0 =	sadd.s32 s6, s0;
	[sflag:s16] =	ssyncadd.s32 $0xFFFFD800  }
0x48: {  	[tilespmem:s19], [sflag:$0x5] =	stream.linear.gather [hbm4b:s0+s4], $0x100, $0x38;
	[tilespmem:$0x1E400] =	vst v63  }
0x49: {  	_ =	swait.ge [sflag:s16], $0x100  }
0x4a: {  	[sflag:s16] =	ssyncset.done $0x0  }
0x4b: {  	[sflag:s16] =	ssyncadd.s32 $0xFFFFFF00  }
0x4c: {  	[tilespmem:s20], [sflag:$0x2] =	stream.indirect.gather [hbm4b:s5+s17], $0x80, s19, s17, $0xb8;
	[tilespmem:$0x1E400] =	vst v63  }
0x4d: {  	_ =	swait.ge [sflag:s29], $0x2800  }
0x4e: {  	s0 =	simm.s32 $0x600;
	[sflag:s29] =	ssyncset.done $0x0  }
0x4f: {  	s0 =	simm.s32 @p0 $0x0;
	s10 =	rddreg [dreg:$0x6];
	[sflag:s29] =	ssyncadd.s32 $0xFFFFD800  }
0x50: {  	[spmem:s3] =	stream.indirect.scatter.add.f32 [tilespmem:s22], [sflag:$0x5], $0x80, s10, s17, $0xb8;
	[tilespmem:$0x1E400] =	vst v63  }
0x51: {  	s0 =	sadd.s32 s7, s0;
	_ =	swait.ge [sflag:s16], $0x2800  }
0x52: {  	s0 =	sshrl.u32 s0, $0x3;
	[sflag:s16] =	ssyncset.done $0x0  }
0x53: {  	s0 =	sadd.s32 s6, s0;
	[sflag:s16] =	ssyncadd.s32 $0xFFFFD800  }
0x54: {  	[tilespmem:s21], [sflag:$0x5] =	stream.linear.gather [hbm4b:s0+s4], $0x100, $0x38;
	[tilespmem:$0x1E400] =	vst v63  }
0x55: {  	_ =	swait.ge [sflag:s16], $0x100  }
0x56: {  	[sflag:s16] =	ssyncset.done $0x0  }
0x57: {  	[sflag:s16] =	ssyncadd.s32 $0xFFFFFF00  }
0x58: {  	[tilespmem:s22], [sflag:$0x3] =	stream.indirect.gather [hbm4b:s5+s17], $0x80, s21, s17, $0xb8;
	[tilespmem:$0x1E400] =	vst v63  }
0x59: {  	_ =	swait.ge [sflag:s30], $0x2800  }
0x5a: {  	s0 =	simm.s32 $0x700;
	[sflag:s30] =	ssyncset.done $0x0  }
0x5b: {  	s0 =	simm.s32 @p0 $0x0;
	s11 =	rddreg [dreg:$0x7];
	[sflag:s30] =	ssyncadd.s32 $0xFFFFD800  }
0x5c: {  	[spmem:s3] =	stream.indirect.scatter.add.f32 [tilespmem:s24], [sflag:$0x5], $0x80, s11, s17, $0xb8;
	[tilespmem:$0x1E400] =	vst v63  }
0x5d: {  	s0 =	sadd.s32 s7, s0;
	_ =	swait.ge [sflag:s16], $0x2800  }
0x5e: {  	s0 =	sshrl.u32 s0, $0x3;
	[sflag:s16] =	ssyncset.done $0x0  }
0x5f: {  	s0 =	sadd.s32 s6, s0;
	[sflag:s16] =	ssyncadd.s32 $0xFFFFD800  }
0x60: {  	[tilespmem:s23], [sflag:$0x5] =	stream.linear.gather [hbm4b:s0+s4], $0x100, $0x38;
	[tilespmem:$0x1E400] =	vst v63  }
0x61: {  	_ =	swait.ge [sflag:s16], $0x100  }
0x62: {  	s0 =	simm.s32 $0x400;
	[sflag:s16] =	ssyncset.done $0x0  }
.LBB2_2:
0x63: {  	[sflag:s16] =	ssyncadd.s32 $0xFFFFFF00  }
0x64: {  	[tilespmem:s24], [sflag:$0x4] =	stream.indirect.gather [hbm4b:s5+s17], $0x80, s23, s17, $0xb8;
	[tilespmem:$0x1E400] =	vst v63  }
0x65: {  	_ =	swait.ge [sflag:s25], $0x2800  }
0x66: {  	[sflag:s25] =	ssyncset.done $0x0  }
0x67: {  	[sflag:s25] =	ssyncadd.s32 $0xFFFFD800  }
0x68: {  	[spmem:s3] =	stream.indirect.scatter.add.f32 [tilespmem:s18], [sflag:$0x5], $0x80, s26, s17, $0xb8;
	[tilespmem:$0x1E400] =	vst v63  }
0x69: {  	_ =	swait.ge [sflag:s16], $0x2800  }
0x6a: {  	s1 =	smov.u32 s0;
	s2 =	rddreg [dreg:$0x4]  }
0x6b: {  	s2 =	sadd.s32 s1, s2  }
0x6c: {  	[sflag:s16] =	ssyncset.done $0x0;
	s2 =	sshrl.u32 s2, $0x3  }
0x6d: {  	[sflag:s16] =	ssyncadd.s32 $0xFFFFD800;
	s2 =	sadd.s32 s6, s2  }
0x6e: {  	[tilespmem:s4], [sflag:$0x5] =	stream.linear.gather [hbm4b:s2+s4], $0x100, $0x38;
	[tilespmem:$0x1E400] =	vst v63  }
0x6f: {  	_ =	swait.ge [sflag:s16], $0x100  }
0x70: {  	[sflag:s16] =	ssyncset.done $0x0  }
0x71: {  	[sflag:s16] =	ssyncadd.s32 $0xFFFFFF00  }
0x72: {  	[tilespmem:s18], [sflag:$0x1] =	stream.indirect.gather [hbm4b:s5+s17], $0x80, s4, s17, $0xb8;
	[tilespmem:$0x1E400] =	vst v63  }
0x73: {  	_ =	swait.ge [sflag:s28], $0x2800  }
0x74: {  	p1 =	seq.s32 s1, $0x7800;
	s11 =	sadd.s32 $0x500, s1;
	[sflag:s28] =	ssyncset.done $0x0  }
0x75: {  	s11 =	simm.s32 @p1 $0x0;
	s2 =	rddreg [dreg:$0x5];
	[sflag:s28] =	ssyncadd.s32 $0xFFFFD800  }
0x76: {  	[spmem:s3] =	stream.indirect.scatter.add.f32 [tilespmem:s20], [sflag:$0x5], $0x80, s2, s17, $0xb8;
	[tilespmem:$0x1E400] =	vst v63  }
0x77: {  	s11 =	sadd.s32 s7, s11;
	_ =	swait.ge [sflag:s16], $0x2800  }
0x78: {  	s2 =	sshrl.u32 s11, $0x3;
	[sflag:s16] =	ssyncset.done $0x0  }
0x79: {  	s2 =	sadd.s32 s6, s2;
	[sflag:s16] =	ssyncadd.s32 $0xFFFFD800  }
0x7a: {  	[tilespmem:s19], [sflag:$0x5] =	stream.linear.gather [hbm4b:s2+s4], $0x100, $0x38;
	[tilespmem:$0x1E400] =	vst v63  }
0x7b: {  	_ =	swait.ge [sflag:s16], $0x100  }
0x7c: {  	[sflag:s16] =	ssyncset.done $0x0  }
0x7d: {  	[sflag:s16] =	ssyncadd.s32 $0xFFFFFF00  }
0x7e: {  	[tilespmem:s20], [sflag:$0x2] =	stream.indirect.gather [hbm4b:s5+s17], $0x80, s19, s17, $0xb8;
	[tilespmem:$0x1E400] =	vst v63  }
0x7f: {  	_ =	swait.ge [sflag:s29], $0x2800  }
0x80: {  	s10 =	sadd.s32 $0x600, s1;
	[sflag:s29] =	ssyncset.done $0x0  }
0x81: {  	s10 =	simm.s32 @p1 $0x0;
	s11 =	rddreg [dreg:$0x6];
	[sflag:s29] =	ssyncadd.s32 $0xFFFFD800  }
0x82: {  	[spmem:s3] =	stream.indirect.scatter.add.f32 [tilespmem:s22], [sflag:$0x5], $0x80, s11, s17, $0xb8;
	[tilespmem:$0x1E400] =	vst v63  }
0x83: {  	s10 =	sadd.s32 s7, s10;
	_ =	swait.ge [sflag:s16], $0x2800  }
0x84: {  	s10 =	sshrl.u32 s10, $0x3;
	[sflag:s16] =	ssyncset.done $0x0  }
0x85: {  	s10 =	sadd.s32 s6, s10;
	[sflag:s16] =	ssyncadd.s32 $0xFFFFD800  }
0x86: {  	[tilespmem:s21], [sflag:$0x5] =	stream.linear.gather [hbm4b:s10+s4], $0x100, $0x38;
	[tilespmem:$0x1E400] =	vst v63  }
0x87: {  	_ =	swait.ge [sflag:s16], $0x100  }
0x88: {  	[sflag:s16] =	ssyncset.done $0x0  }
0x89: {  	[sflag:s16] =	ssyncadd.s32 $0xFFFFFF00  }
0x8a: {  	[tilespmem:s22], [sflag:$0x3] =	stream.indirect.gather [hbm4b:s5+s17], $0x80, s21, s17, $0xb8;
	[tilespmem:$0x1E400] =	vst v63  }
0x8b: {  	_ =	swait.ge [sflag:s30], $0x2800  }
0x8c: {  	s1 =	sadd.s32 $0x700, s1;
	[sflag:s30] =	ssyncset.done $0x0  }
0x8d: {  	s1 =	simm.s32 @p1 $0x0;
	s11 =	rddreg [dreg:$0x7];
	[sflag:s30] =	ssyncadd.s32 $0xFFFFD800  }
0x8e: {  	[spmem:s3] =	stream.indirect.scatter.add.f32 [tilespmem:s24], [sflag:$0x5], $0x80, s11, s17, $0xb8;
	[tilespmem:$0x1E400] =	vst v63  }
0x8f: {  	p0 =	sne.s32 s0, $0x7800;
	s1 =	sadd.s32 s7, s1;
	_ =	swait.ge [sflag:s16], $0x2800  }
.Ltmp0:
0x90: {  	s1 =	sshrl.u32 s1, $0x3;
	[sflag:s16] =	ssyncset.done $0x0;
	(pc) =	sbr.rel @p0 .LBB2_2-.Ltmp0, $4  }
0x91: {  	s1 =	sadd.s32 s6, s1;
	[sflag:s16] =	ssyncadd.s32 $0xFFFFD800  }
0x92: {  	[tilespmem:s23], [sflag:$0x5] =	stream.linear.gather [hbm4b:s1+s4], $0x100, $0x38;
	[tilespmem:$0x1E400] =	vst v63  }
0x93: {  	_ =	swait.ge [sflag:s16], $0x100  }
0x94: {  	s0 =	sadd.s32 $0x400, s0;
	[sflag:s16] =	ssyncset.done $0x0  }
0x95: {  	[sflag:s16] =	ssyncadd.s32 $0xFFFFFF00  }
0x96: {  	[tilespmem:s24], [sflag:$0x4] =	stream.indirect.gather [hbm4b:s5+s17], $0x80, s23, s17, $0xb8;
	[tilespmem:$0x1E400] =	vst v63  }
0x97: {  	_ =	swait.ge [sflag:s25], $0x2800  }
0x98: {  	[sflag:s25] =	ssyncset.done $0x0  }
0x99: {  	[sflag:s25] =	ssyncadd.s32 $0xFFFFD800  }
0x9a: {  	[spmem:s3] =	stream.indirect.scatter.add.f32 [tilespmem:s18], [sflag:$0x5], $0x80, s26, s17, $0xb8;
	[tilespmem:$0x1E400] =	vst v63  }
0x9b: {  	_ =	swait.ge [sflag:s16], $0x2800  }
0x9c: {  	[sflag:s16] =	ssyncset.done $0x0  }
0x9d: {  	[sflag:s16] =	ssyncadd.s32 $0xFFFFD800  }
0x9e: {  	_ =	swait.ge [sflag:s28], $0x2800  }
0x9f: {  	[sflag:s28] =	ssyncset.done $0x0  }
0xa0: {  	[sflag:s28] =	ssyncadd.s32 $0xFFFFD800  }
0xa1: {  	_ =	swait.ge [sflag:s29], $0x2800  }
0xa2: {  	[sflag:s29] =	ssyncset.done $0x0  }
0xa3: {  	[sflag:s29] =	ssyncadd.s32 $0xFFFFD800  }
0xa4: {  	_ =	swait.ge [sflag:s30], $0x2800  }
0xa5: {  	s31 =	sadd.s32 $0x1, s31;
	[sflag:s30] =	ssyncset.done $0x0  }
0xa6: {  	p0 =	sne.s32 s31, s14;
	[sflag:s30] =	ssyncadd.s32 $0xFFFFD800  }
.Ltmp1:
0xa7: {  	[bflag:$0x0] =	sbarrier.arrive $0xFFFF;
	(pc) =	sbr.rel @p0 .LBB2_1-.Ltmp1, $4  }
0xa8: {  	[hbm:s13], [sflag:s8] =	dma.local [spmem:s15], $0x2800  }
0xa9: {  	_ =	swait.ge [sflag:s16], $0x2800  }
0xaa: {  	[sflag:s16] =	ssyncset.done $0x0  }
0xab: {  	[sflag:s16] =	ssyncadd.s32 $0xFFFFD800  }
0xac: {  	_ =	sfence.sel $0x180000  }
0xad: {  	[bflag:$0x0] =	sbarrier.arrive $0xFFFF  }
0xae: {  	_ =	strace $0x9000004D  }
0xaf: {  	s0 =	stileid.u32;
	[bflag:$0x2] =	sbarrier.arrive $0xFFFF  }
0xb0: {  	p0 =	sne.s32 s0, $0x0;
	s0 =	rddreg [dreg:$0x3]  }
0xb1: {  	s0 =	sadd.s32 @!p0 $0x100000, s0  }
0xb2: {  	[sflag:s0] =	ssyncadd.tile.s32 @!p0 $0x1;
	_ =	shalt  }
.Lfunc_end2:
_tile_overlayer_lowered:
.L_overlay_start_2:
0xb3: {  	(tag) =	ssettag $0x2  }
0xb4: {  	s0 =	rddreg [dreg:$0x0];
	s2 =	stileid.u32  }
0xb5: {  	s1 =	rddreg [dreg:$0x1];
	p0 =	sne.s32 s2, $0x0  }
0xb6: {  	s3 =	rddreg [dreg:$0x2];
	[bflag:$0x3] =	sbarrier.arrive $0xFFFF;
	s2 =	simm.s32 @!p0 $0x1C05  }
0xb7: {  	[timem:s3], [sflag:s2] =	dma.local @!p0 [hbm:s0], s1  }
0xb8: {  	s0 =	simm.s32 @!p0 $0x5  }
0xb9: {  	_ =	swait.ge @!p0 [sflag:s0], s1  }
0xba: {  	s1 =	ssub.s32 @!p0 $0x0, s1;
	[sflag:s0] =	ssyncset.done @!p0 $0x0  }
0xbb: {  	[sflag:s0] =	ssyncadd.s32 @!p0 s1  }
0xbc: {  	[bflag:$0x3] =	sbarrier.arrive $0xFFFF  }
0xbd: {  	_ =	shalt  }

// kernel: kernel.8.cloned.1.call-start
scs
__scs_entry_jumppad:
0x0: {  	(pc) =	sbr.rel $0x88, $3  }
0x1: {  	(tag) =	ssettag $0x0;
	lr =	simm.s32 $0x1  }
0x2: {  	[smem:$0x3F99] =	sst lr;
	_ =	strace $0xD0000000  }
0x3: {  	_ = 	snop  }
0x4: {  	_ = 	snop  }
0x5: {  	_ = 	snop  }
0x6: {  	_ = 	snop  }
0x7: {  	_ = 	snop  }
__scs_overlays_trampoline_lowered:
0x8: {  	[smem:$0x3FA8] =	sst s0  }
0x9: {  	[smem:$0x3FA9] =	sst s1  }
0xa: {  	[smem:$0x3FAA] =	sst s2  }
0xb: {  	[smem:$0x3FAB] =	sst s3  }
0xc: {  	[smem:$0x3FAC] =	sst s4  }
0xd: {  	[smem:$0x3FAD] =	sst s5  }
0xe: {  	[smem:$0x3FAE] =	sst s6  }
0xf: {  	[smem:$0x3FAF] =	sst s7  }
0x10: {  	[smem:$0x3FB0] =	sst s8  }
0x11: {  	[smem:$0x3FB1] =	sst s9;
	s0 =	simm.s32 @!p0 $0x0  }
0x12: {  	s1 =	sld [smem:$0x3F97];
	s0 =	simm.s32 @p0 $0x1  }
0x13: {  	[smem:$0x3FB2] =	sst s0;
	s0 =	simm.s32 @!p1 $0x0  }
0x14: {  	s2 =	sld [smem:$0x3F96];
	s0 =	simm.s32 @p1 $0x1  }
0x15: {  	[smem:$0x3FB3] =	sst s0;
	s0 =	simm.s32 @!p2 $0x0  }
0x16: {  	s3 =	sld [smem:$0x3FDB];
	s0 =	simm.s32 @p2 $0x1  }
0x17: {  	s4 =	simm.s32 $0x1BF5;
	[smem:$0x3FB5] =	sst s0  }
0x18: {  	s0 =	sld [smem:$0x3F98];
	_ =	swait.ge [sflag:s4], $0x0  }
0x19: {  	s7 =	sld [smem:$0x3F99]  }
0x1a: {  	s8 =	sadd.s32 $0xFFFFE003, lr  }
0x1b: {  	s9 =	sadd.s32 $0xFFFFFEF7, lr;
	s5 =	simm.s32 $0xFFFFFFFF;
	p2 =	slt.u32 s8, $0xFFFFF086  }
0x1c: {  	p1 =	slt.u32 s9, $0xF7A;
	s5 =	simm.s32 @!p2 $0x0  }
0x1d: {  	s5 =	simm.s32 @p1 $0x1;
	p0 =	seq.s32 s7, s2  }
0x1e: {  	s7 =	smul.u32 @!p0 $0xF7A, s2;
	p2 =	seq.s32 @!p0 s5, $0x0  }
0x1f: {  	s9 =	smul.u32 $0xF7A, s1;
	s8 =	simm.s32 @!p0 $0x1BF5;
	p2 =	por !p2, p0  }
0x20: {  	[sflag:s8] =	ssyncset.s32 @!p0 $0xFFFFF086;
	s6 =	sadd.s32 @!p0 s3, s7;
	s7 =	simm.s32 @!p0 $0x108  }
0x21: {  	s3 =	sadd.s32 s3, s9;
	s6 =	sadd.s32 @!p0 $0x88, s6;
	s7 =	simm.s32 @p2 $0x1082  }
0x22: {  	[simem:s7], [sflag:s8] =	dma.local @!p0 [hbm:s6], $0xF7A  }
0x23: {  	s9 =	sor.u32 $0xD0000000, s2;
	s6 =	simm.s32 $0x108;
	_ =	swait.ge @!p0 [sflag:s8], $0x0  }
0x24: {  	s3 =	sadd.s32 $0x88, s3;
	s6 =	simm.s32 @!p1 $0x1082;
	[sflag:s4] =	ssyncset.s32 $0xFFFFF086  }
0x25: {  	[simem:s6], [sflag:s4] =	dma.local [hbm:s3], $0xF7A  }
0x26: {  	[smem:$0x3F99] =	sst s1;
	(tag) =	ssettag s2;
	_ =	strace s9  }
0x27: {  	s1 =	sld [smem:$0x3FA9]  }
0x28: {  	s2 =	sld [smem:$0x3FAA]  }
0x29: {  	s4 =	sld [smem:$0x3FAC]  }
0x2a: {  	p0 =	seq.s32 s5, $0x0;
	s5 =	sld [smem:$0x3FAD]  }
0x2b: {  	s6 =	sld [smem:$0x3FAE]  }
0x2c: {  	s7 =	sld [smem:$0x3FAF]  }
0x2d: {  	s3 =	simm.s32 $0x108;
	s8 =	sld [smem:$0x3FB0]  }
0x2e: {  	s3 =	simm.s32 @!p0 $0x1082;
	s9 =	sld [smem:$0x3FB1]  }
0x2f: {  	lr =	sadd.s32 s0, s3;
	s0 =	sld [smem:$0x3FA8]  }
0x30: {  	s3 =	sld [smem:$0x3FAB]  }
0x31: {  	[smem:$0x3FB4] =	sst s10  }
0x32: {  	s10 =	sld [smem:$0x3FB2];
	_ =	sdelay $0x3  }
0x33: {  	p0 =	seq.s32 s10, $0x1;
	s10 =	sld [smem:$0x3FB4];
	_ =	sdelay $0x3  }
0x34: {  	[smem:$0x3FB4] =	sst s10  }
0x35: {  	s10 =	sld [smem:$0x3FB3];
	_ =	sdelay $0x3  }
0x36: {  	p1 =	seq.s32 s10, $0x1;
	s10 =	sld [smem:$0x3FB4];
	_ =	sdelay $0x3  }
0x37: {  	[smem:$0x3FB4] =	sst s10  }
0x38: {  	s10 =	sld [smem:$0x3FB5]  }
0x39: {  	_ = 	snop;
	(pc) =	sbr.ind lr, $3  }
0x3a: {  	_ = 	snop  }
0x3b: {  	_ = 	snop  }
0x3c: {  	p2 =	seq.s32 s10, $0x1;
	s10 =	sld [smem:$0x3FB4]  }
0x3d: {  	_ =	shalt  }
0x3e: {  	_ =	shalt  }
0x3f: {  	_ =	shalt  }
0x40: {  	_ =	shalt  }
0x41: {  	_ =	shalt  }
0x42: {  	_ =	shalt  }
0x43: {  	_ =	shalt  }
0x44: {  	_ =	shalt  }
0x45: {  	_ =	shalt  }
0x46: {  	_ =	shalt  }
0x47: {  	_ =	shalt  }
0x48: {  	_ =	shalt  }
0x49: {  	_ =	shalt  }
0x4a: {  	_ =	shalt  }
0x4b: {  	_ =	shalt  }
0x4c: {  	_ =	shalt  }
0x4d: {  	_ =	shalt  }
0x4e: {  	_ =	shalt  }
0x4f: {  	_ =	shalt  }
0x50: {  	_ =	shalt  }
0x51: {  	_ =	shalt  }
0x52: {  	_ =	shalt  }
0x53: {  	_ =	shalt  }
0x54: {  	_ =	shalt  }
0x55: {  	_ =	shalt  }
0x56: {  	_ =	shalt  }
0x57: {  	_ =	shalt  }
0x58: {  	_ =	shalt  }
0x59: {  	_ =	shalt  }
0x5a: {  	_ =	shalt  }
0x5b: {  	_ =	shalt  }
0x5c: {  	_ =	shalt  }
0x5d: {  	_ =	shalt  }
0x5e: {  	_ =	shalt  }
0x5f: {  	_ =	shalt  }
0x60: {  	_ =	shalt  }
0x61: {  	_ =	shalt  }
0x62: {  	_ =	shalt  }
0x63: {  	_ =	shalt  }
0x64: {  	_ =	shalt  }
0x65: {  	_ =	shalt  }
0x66: {  	_ =	shalt  }
0x67: {  	_ =	shalt  }
0x68: {  	_ =	shalt  }
0x69: {  	_ =	shalt  }
0x6a: {  	_ =	shalt  }
0x6b: {  	_ =	shalt  }
0x6c: {  	_ =	shalt  }
0x6d: {  	_ =	shalt  }
0x6e: {  	_ =	shalt  }
0x6f: {  	_ =	shalt  }
0x70: {  	_ =	shalt  }
0x71: {  	_ =	shalt  }
0x72: {  	_ =	shalt  }
0x73: {  	_ =	shalt  }
0x74: {  	_ =	shalt  }
0x75: {  	_ =	shalt  }
0x76: {  	_ =	shalt  }
0x77: {  	_ =	shalt  }
0x78: {  	_ =	shalt  }
0x79: {  	_ =	shalt  }
0x7a: {  	_ =	shalt  }
0x7b: {  	_ =	shalt  }
0x7c: {  	_ =	shalt  }
0x7d: {  	_ =	shalt  }
0x7e: {  	_ =	shalt  }
0x7f: {  	_ =	shalt  }
0x80: {  	_ =	shalt  }
0x81: {  	_ =	shalt  }
0x82: {  	_ =	shalt  }
0x83: {  	_ =	shalt  }
0x84: {  	_ =	shalt  }
0x85: {  	_ =	shalt  }
0x86: {  	_ =	shalt  }
0x87: {  	_ =	shalt  }
.Lfunc_end0:
.L_simem_size_0:
called_computation_lowered:
.L_overlay_start_0:
0x88: {  	s2 =	sld [smem:$0x3FD9]  }
0x89: {  	s3 =	sld [smem:$0x3FFE];
	_ =	sdelay $0x1  }
0x8a: {  	s1 =	srdreg.scid  }
0x8b: {  	s0 =	sand.u32 $0x1, s1  }
0x8c: {  	s17 =	sshll.u32 s0, $0xA;
	s2 =	sadd.s32 s3, s2  }
0x8d: {  	s2 =	sadd.s32 s2, s17  }
0x8e: {  	[smem:$0x3FC0] =	sst s2  }
0x8f: {  	_ = 	snop  }
0x90: {  	s2 =	sld [smem:$0x3FD0];
	(tm) =	ssettm $0x1  }
0x91: {  	s18 =	sld [smem:$0x3FFB];
	_ =	sdelay $0x3  }
0x92: {  	_ =	strace s18  }
0x93: {  	s3 =	sld [smem:$0x3FFC];
	_ =	sdelay $0x3  }
0x94: {  	_ =	strace s3  }
0x95: {  	s3 =	sld [smem:$0x3FFD];
	_ =	sdelay $0x3  }
0x96: {  	_ =	strace s3  }
0x97: {  	_ =	strace $0x8FFFFFFF  }
0x98: {  	s19 =	sld [smem:$0x3FDB];
	_ =	sdelay $0x1  }
0x99: {  	s4 =	simm.s32 $_scs_section_size  }
0x9a: {  	s5 =	simm.s32 $_size__tile_overlayer_lowered;
	s6 =	simm.s32 $_tile_overlayer_lowered  }
0x9b: {  	s22 =	simm.s32 $0x1BFF;
	s21 =	sshll.u32 s6, $0x1;
	s3 =	sadd.s32 s4, s19  }
0x9c: {  	s7 =	simm.s32 $0x0;
	s20 =	sshll.u32 s5, $0x1;
	s5 =	sadd.s32 s21, s3  }
0x9d: {  	[timem:s7], [sflag:s22] =	dma.local [hbm:s5], s20  }
0x9e: {  	_ =	swait.ge [sflag:s22], s20  }
0x9f: {  	s4 =	ssub.s32 $0x0, s20;
	[sflag:s22] =	ssyncset.done $0x0  }
0xa0: {  	[sflag:s22] =	ssyncadd.s32 s4;
	_ =	sdelay $0x1  }
0xa1: {  	s23 =	simm.s32 $0x1B8B  }
0xa2: {  	_ =	swait.ge [sflag:s23], $0x1  }
0xa3: {  	[sflag:s23] =	ssyncset.done $0x0  }
0xa4: {  	s25 =	simm.s32 $0x1B8E;
	s24 =	sld [smem:$0x3FFE];
	[sflag:s23] =	ssyncadd.s32 $0xFFFFFFFF  }
0xa5: {  	s26 =	simm.s32 $execute0_lowered;
	[smem:$0x3FD2] =	sst s25  }
0xa6: {  	s5 =	sshll.u32 s26, $0x1;
	_ =	strace $0x80000046;
	[dreg:$0x1] =	wrdreg $0xFFFFFFFF  }
0xa7: {  	s28 =	simm.s32 $_size_execute0_lowered;
	s3 =	sadd.s32 s3, s5;
	[dreg:$0x0] =	wrdreg $0x0  }
0xa8: {  	s5 =	sshll.u32 s28, $0x1;
	[dreg:$0x2] =	wrdreg s3  }
0xa9: {  	[dreg:$0x3] =	wrdreg s5  }
0xaa: {  	[dreg:$0x4] =	wrdreg $0xC0  }
0xab: {  	_ =	task [dreg:s7], $0x5FFFF  }
0xac: {  	[dreg:$0x1] =	wrdreg $0xFFFFFFFF  }
0xad: {  	[dreg:$0x0] =	wrdreg $0x60  }
0xae: {  	[dreg:$0x2] =	wrdreg s24  }
0xaf: {  	[dreg:$0x3] =	wrdreg s2  }
0xb0: {  	[dreg:$0x4] =	wrdreg $0x6400  }
0xb1: {  	[dreg:$0x5] =	wrdreg $0x9  }
0xb2: {  	_ =	task.clear_ibuf [dreg:s7], $0x6FFFF;
	_ =	strace $0x90000046  }
0xb3: {  	s29 =	simm.s32 $0x9;
	_ =	strace $0x80000048  }
0xb4: {  	_ =	swait.ge [sflag:s29], $0x1  }
0xb5: {  	[sflag:s29] =	ssyncadd.s32 $0xFFFFFFFF  }
0xb6: {  	_ =	strace $0x90000048  }
0xb7: {  	_ =	sfence  }
0xb8: {  	s30 =	sld [smem:$0x0];
	_ =	sdelay $0x2  }
0xb9: {  	s31 =	sshll.u32 s1, $0xD;
	s1 =	sshrl.u32 s1, $0x2  }
0xba: {  	s3 =	sand.u32 $0x4000, s31;
	s1 =	sadd.s32 s1, s30  }
0xbb: {  	s0 =	sor.u32 s3, s0;
	s1 =	sshll.u32 s1, $0x11  }
0xbc: {  	s0 =	sor.u32 s1, s0  }
0xbd: {  	s0 =	sadd.s32 $0x8F2B, s0  }
0xbe: {  	[sflag:s0] =	ssyncadd.remote.s32 $0x1  }
0xbf: {  	_ =	sfence.sel $0xFFFF  }
0xc0: {  	[dreg:$0x0] =	wrdreg $0xFFFFFFFF;
	(pc) =	sbr.abs _section_cstart, $3  }
0xc1: {  	[dreg:$0x1] =	wrdreg $0xFFFFFFFF  }
0xc2: {  	_ =	task.clear_ibuf [dreg:s7], $0x2FFFF;
	_ =	strace $0x9FFFFFFF  }
0xc3: {  	(tm) =	ssettm $0x7FFFFFFF  }
tec
execute0_lowered:
.L_overlay_start_1:
0x0: {  	(tag) =	ssettag $0x1  }
0x1: {  	s0 =	rddreg [dreg:$0x0]  }
0x2: {  	s13 =	rddreg [dreg:$0x1]  }
0x3: {  	s1 =	rddreg [dreg:$0x2];
	s2 =	srdreg.scid  }
0x4: {  	s3 =	simm.s32 $0x0;
	s22 =	stileid.u32;
	s20 =	simm.s32 $0x5  }
0x5: {  	s21 =	simm.s32 $0x140;
	s28 =	simm.s32 $0x3;
	s29 =	simm.s32 $0x4  }
0x6: {  	s30 =	simm.s32 $0x0;
	s10 =	sand.u32 $0x1, s2;
	[smem:$0x7FF] =	sst s3  }
0x7: {  	s11 =	smul.u32 $0x2800, s22;
	s23 =	sadd.s32 $0xD000, s0;
	s6 =	sadd.s32 $0xCA00, s0  }
0x8: {  	s26 =	sshll.u32 s22, $0x6;
	s16 =	smul.u32 $0x2710, s22;
	s4 =	sshll.u32 s10, $0x4  }
0x9: {  	_ =	strace $0x80000047;
	s7 =	ssub.s32 $0x2, s10;
	s12 =	smul.u32 $0x28000, s10  }
0xa: {  	[dreg:$0x4] =	wrdreg s23;
	s15 =	smul.u32 $0x27100, s10;
	s23 =	simm.s32 $0xA0  }
0xb: {  	s5 =	sor.u32 s22, s4;
	s4 =	sadd.s32 $0x2C00, s0;
	s24 =	sshrl.u32 s7, $0x1  }
0xc: {  	s19 =	sadd.s32 s11, s1;
	s22 =	simm.s32 $0x50;
	s8 =	smul.u32 $0x2710, s5  }
0xd: {  	s0 =	ssub.s32 s7, s24;
	s14 =	sadd.s32 s11, s12;
	s31 =	sadd.s32 s16, s15  }
0xe: {  	s19 =	sshrl.u32 s19, $0x3;
	s24 =	simm.s32 $0xF0;
	s14 =	sshrl.u32 s14, $0x3  }
0xf: {  	s15 =	sadd.s32 $0x230, s31;
	s16 =	sadd.s32 $0x1E0, s31;
	s17 =	sadd.s32 $0x190, s31  }
0x10: {  	s18 =	sadd.s32 $0x140, s31;
	s25 =	sshrl.u32 s8, $0x3;
	s8 =	sor.u32 $0x1C05, s26  }
0x11: {  	s13 =	sadd.s32 s13, s14;
	s14 =	smax.u32 s0, $0x1;
	s15 =	sshrl.u32 s15, $0x3  }
0x12: {  	s16 =	sshrl.u32 s16, $0x3;
	s17 =	sshrl.u32 s17, $0x3;
	s26 =	simm.s32 $0x2  }
0x13: {  	s7 =	sadd.s32 s4, s25;
	s15 =	sadd.s32 s15, s4;
	s16 =	sadd.s32 s16, s4  }
0x14: {  	s17 =	sadd.s32 s17, s4;
	s25 =	simm.s32 $0x1;
	s9 =	sadd.s32 $0xA, s7  }
0x15: {  	s10 =	sadd.s32 $0x14, s7;
	s11 =	sadd.s32 $0x1E, s7;
	s12 =	sadd.s32 $0x4D8, s7  }
.LBB2_1:
0x16: {  	[spmem:s19], [sflag:s8] =	dma.local [hbm:s6], $0x500  }
0x17: {  	_ =	swait.ge [sflag:s20], $0x500  }
0x18: {  	[sflag:s20] =	ssyncset.done $0x0  }
0x19: {  	s0 =	rddreg [dreg:$0x4];
	[sflag:s20] =	ssyncadd.s32 $0xFFFFFB00  }
0x1a: {  	[tilespmem:s21], [sflag:$0x5] =	stream.linear.gather [hbm4b:s0+s3], $0x500, $0x38;
	[tilespmem:$0x2E40] =	vst v63  }
0x1b: {  	_ =	swait.ge [sflag:s20], $0x500  }
0x1c: {  	[sflag:s20] =	ssyncset.done $0x0  }
0x1d: {  	[sflag:s20] =	ssyncadd.s32 $0xFFFFFB00  }
0x1e: {  	[bflag:$0x0] =	sbarrier.arrive $0xFFFF  }
0x1f: {  	[tilespmem:s3], [sflag:$0x5] =	stream.linear.gather [hbm4b:s7+s3], $0x50, $0x38;
	[tilespmem:$0x2E40] =	vst v63  }
0x20: {  	_ =	swait.ge [sflag:s20], $0x50  }
0x21: {  	[sflag:s20] =	ssyncset.done $0x0  }
0x22: {  	[sflag:s20] =	ssyncadd.s32 $0xFFFFFFB0  }
0x23: {  	[spmem:s1] =	stream.indirect.scatter.add.f32 [tilespmem:s21], [sflag:$0x1], $0x10, s3, s22, $0xb8;
	[tilespmem:$0x2E40] =	vst v63  }
0x24: {  	_ = 	snop  }
0x25: {  	[tilespmem:s22], [sflag:$0x5] =	stream.linear.gather [hbm4b:s9+s3], $0x50, $0x38;
	[tilespmem:$0x2E40] =	vst v63  }
0x26: {  	_ =	swait.ge [sflag:s20], $0x50  }
0x27: {  	[sflag:s20] =	ssyncset.done $0x0  }
0x28: {  	[sflag:s20] =	ssyncadd.s32 $0xFFFFFFB0  }
0x29: {  	[spmem:s1] =	stream.indirect.scatter.add.f32 [tilespmem:s21], [sflag:$0x2], $0x10, s22, s22, $0xb8;
	[tilespmem:$0x2E40] =	vst v63  }
0x2a: {  	_ = 	snop  }
0x2b: {  	[tilespmem:s23], [sflag:$0x5] =	stream.linear.gather [hbm4b:s10+s3], $0x50, $0x38;
	[tilespmem:$0x2E40] =	vst v63  }
0x2c: {  	_ =	swait.ge [sflag:s20], $0x50  }
0x2d: {  	[sflag:s20] =	ssyncset.done $0x0  }
0x2e: {  	[sflag:s20] =	ssyncadd.s32 $0xFFFFFFB0  }
0x2f: {  	[spmem:s1] =	stream.indirect.scatter.add.f32 [tilespmem:s21], [sflag:$0x3], $0x10, s23, s22, $0xb8;
	[tilespmem:$0x2E40] =	vst v63  }
0x30: {  	_ = 	snop  }
0x31: {  	[tilespmem:s24], [sflag:$0x5] =	stream.linear.gather [hbm4b:s11+s3], $0x50, $0x38;
	[tilespmem:$0x2E40] =	vst v63  }
0x32: {  	_ =	swait.ge [sflag:s20], $0x50  }
0x33: {  	[sflag:s20] =	ssyncset.done $0x0  }
0x34: {  	[sflag:s20] =	ssyncadd.s32 $0xFFFFFFB0  }
0x35: {  	[spmem:s1] =	stream.indirect.scatter.add.f32 [tilespmem:s21], [sflag:$0x4], $0x10, s24, s22, $0xb8;
	[tilespmem:$0x2E40] =	vst v63  }
0x36: {  	_ =	swait.ge [sflag:s25], $0x500  }
0x37: {  	s2 =	sshrl.u32 s18, $0x3;
	[sflag:s25] =	ssyncset.done $0x0  }
0x38: {  	s0 =	sadd.s32 s4, s2;
	[sflag:s25] =	ssyncadd.s32 $0xFFFFFB00  }
0x39: {  	[tilespmem:s3], [sflag:$0x5] =	stream.linear.gather [hbm4b:s0+s3], $0x50, $0x38;
	[tilespmem:$0x2E40] =	vst v63  }
0x3a: {  	_ =	swait.ge [sflag:s20], $0x50  }
0x3b: {  	[sflag:s20] =	ssyncset.done $0x0  }
0x3c: {  	[sflag:s20] =	ssyncadd.s32 $0xFFFFFFB0  }
0x3d: {  	[spmem:s1] =	stream.indirect.scatter.add.f32 [tilespmem:s21], [sflag:$0x1], $0x10, s3, s22, $0xb8;
	[tilespmem:$0x2E40] =	vst v63  }
0x3e: {  	_ =	swait.ge [sflag:s26], $0x500  }
0x3f: {  	[sflag:s26] =	ssyncset.done $0x0  }
0x40: {  	s5 =	sadd.s32 $0x0, s17;
	[sflag:s26] =	ssyncadd.s32 $0xFFFFFB00  }
0x41: {  	[tilespmem:s22], [sflag:$0x5] =	stream.linear.gather [hbm4b:s5+s3], $0x50, $0x38;
	[tilespmem:$0x2E40] =	vst v63  }
0x42: {  	_ =	swait.ge [sflag:s20], $0x50  }
0x43: {  	[sflag:s20] =	ssyncset.done $0x0  }
0x44: {  	[sflag:s20] =	ssyncadd.s32 $0xFFFFFFB0  }
0x45: {  	[spmem:s1] =	stream.indirect.scatter.add.f32 [tilespmem:s21], [sflag:$0x2], $0x10, s22, s22, $0xb8;
	[tilespmem:$0x2E40] =	vst v63  }
0x46: {  	_ =	swait.ge [sflag:s28], $0x500  }
0x47: {  	[sflag:s28] =	ssyncset.done $0x0  }
0x48: {  	s2 =	sadd.s32 $0x0, s16;
	[sflag:s28] =	ssyncadd.s32 $0xFFFFFB00  }
0x49: {  	[tilespmem:s23], [sflag:$0x5] =	stream.linear.gather [hbm4b:s2+s3], $0x50, $0x38;
	[tilespmem:$0x2E40] =	vst v63  }
0x4a: {  	_ =	swait.ge [sflag:s20], $0x50  }
0x4b: {  	[sflag:s20] =	ssyncset.done $0x0  }
0x4c: {  	[sflag:s20] =	ssyncadd.s32 $0xFFFFFFB0  }
0x4d: {  	[spmem:s1] =	stream.indirect.scatter.add.f32 [tilespmem:s21], [sflag:$0x3], $0x10, s23, s22, $0xb8;
	[tilespmem:$0x2E40] =	vst v63  }
0x4e: {  	_ =	swait.ge [sflag:s29], $0x500  }
0x4f: {  	[sflag:s29] =	ssyncset.done $0x0  }
0x50: {  	s5 =	sadd.s32 $0x0, s15;
	[sflag:s29] =	ssyncadd.s32 $0xFFFFFB00  }
0x51: {  	[tilespmem:s24], [sflag:$0x5] =	stream.linear.gather [hbm4b:s5+s3], $0x50, $0x38;
	[tilespmem:$0x2E40] =	vst v63  }
0x52: {  	_ =	swait.ge [sflag:s20], $0x50  }
0x53: {  	[sflag:s20] =	ssyncset.done $0x0  }
0x54: {  	s31 =	simm.s32 $0x28;
	s0 =	sadd.s32 $0x140, s18;
	[sflag:s20] =	ssyncadd.s32 $0xFFFFFFB0  }
.LBB2_2:
0x55: {  	[spmem:s1] =	stream.indirect.scatter.add.f32 [tilespmem:s21], [sflag:$0x4], $0x10, s24, s22, $0xb8;
	[tilespmem:$0x2E40] =	vst v63  }
0x56: {  	s2 =	smov.u32 s31  }
0x57: {  	p0 =	sne.s32 s31, $0x488;
	s31 =	sadd.s32 $0x28, s31;
	_ =	swait.ge [sflag:s25], $0x500  }
0x58: {  	s5 =	sshrl.u32 s0, $0x3;
	[sflag:s25] =	ssyncset.done $0x0  }
0x59: {  	s5 =	sadd.s32 s4, s5;
	[sflag:s25] =	ssyncadd.s32 $0xFFFFFB00  }
0x5a: {  	[tilespmem:s3], [sflag:$0x5] =	stream.linear.gather [hbm4b:s5+s3], $0x50, $0x38;
	[tilespmem:$0x2E40] =	vst v63  }
0x5b: {  	_ =	swait.ge [sflag:s20], $0x50  }
0x5c: {  	[sflag:s20] =	ssyncset.done $0x0  }
0x5d: {  	[sflag:s20] =	ssyncadd.s32 $0xFFFFFFB0  }
0x5e: {  	[spmem:s1] =	stream.indirect.scatter.add.f32 [tilespmem:s21], [sflag:$0x1], $0x10, s3, s22, $0xb8;
	[tilespmem:$0x2E40] =	vst v63  }
0x5f: {  	_ =	swait.ge [sflag:s26], $0x500  }
0x60: {  	[sflag:s26] =	ssyncset.done $0x0  }
0x61: {  	s5 =	sadd.s32 s2, s17;
	[sflag:s26] =	ssyncadd.s32 $0xFFFFFB00  }
0x62: {  	[tilespmem:s22], [sflag:$0x5] =	stream.linear.gather [hbm4b:s5+s3], $0x50, $0x38;
	[tilespmem:$0x2E40] =	vst v63  }
0x63: {  	_ =	swait.ge [sflag:s20], $0x50  }
0x64: {  	[sflag:s20] =	ssyncset.done $0x0  }
0x65: {  	[sflag:s20] =	ssyncadd.s32 $0xFFFFFFB0  }
0x66: {  	[spmem:s1] =	stream.indirect.scatter.add.f32 [tilespmem:s21], [sflag:$0x2], $0x10, s22, s22, $0xb8;
	[tilespmem:$0x2E40] =	vst v63  }
0x67: {  	_ =	swait.ge [sflag:s28], $0x500  }
0x68: {  	[sflag:s28] =	ssyncset.done $0x0  }
0x69: {  	s5 =	sadd.s32 s2, s16;
	[sflag:s28] =	ssyncadd.s32 $0xFFFFFB00  }
0x6a: {  	[tilespmem:s23], [sflag:$0x5] =	stream.linear.gather [hbm4b:s5+s3], $0x50, $0x38;
	[tilespmem:$0x2E40] =	vst v63  }
0x6b: {  	_ =	swait.ge [sflag:s20], $0x50  }
0x6c: {  	[sflag:s20] =	ssyncset.done $0x0  }
0x6d: {  	[sflag:s20] =	ssyncadd.s32 $0xFFFFFFB0  }
0x6e: {  	[spmem:s1] =	stream.indirect.scatter.add.f32 [tilespmem:s21], [sflag:$0x3], $0x10, s23, s22, $0xb8;
	[tilespmem:$0x2E40] =	vst v63  }
0x6f: {  	_ =	swait.ge [sflag:s29], $0x500  }
0x70: {  	[sflag:s29] =	ssyncset.done $0x0  }
.Ltmp0:
0x71: {  	s2 =	sadd.s32 s2, s15;
	[sflag:s29] =	ssyncadd.s32 $0xFFFFFB00;
	(pc) =	sbr.rel @p0 .LBB2_2-.Ltmp0, $4  }
0x72: {  	[tilespmem:s24], [sflag:$0x5] =	stream.linear.gather [hbm4b:s2+s3], $0x50, $0x38;
	[tilespmem:$0x2E40] =	vst v63  }
0x73: {  	_ =	swait.ge [sflag:s20], $0x50  }
0x74: {  	[sflag:s20] =	ssyncset.done $0x0  }
0x75: {  	s0 =	sadd.s32 $0x140, s0;
	[sflag:s20] =	ssyncadd.s32 $0xFFFFFFB0  }
0x76: {  	[spmem:s1] =	stream.indirect.scatter.add.f32 [tilespmem:s21], [sflag:$0x4], $0x10, s24, s22, $0xb8;
	[tilespmem:$0x2E40] =	vst v63  }
0x77: {  	_ =	swait.ge [sflag:s25], $0x500  }
0x78: {  	[sflag:s25] =	ssyncset.done $0x0  }
0x79: {  	[sflag:s25] =	ssyncadd.s32 $0xFFFFFB00  }
0x7a: {  	[tilespmem:s3], [sflag:$0x5] =	stream.linear.gather [hbm4b:s12+s3], $0x50, $0x38;
	[tilespmem:$0x2E40] =	vst v63  }
0x7b: {  	_ =	swait.ge [sflag:s20], $0x50  }
0x7c: {  	[sflag:s20] =	ssyncset.done $0x0  }
0x7d: {  	[sflag:s20] =	ssyncadd.s32 $0xFFFFFFB0  }
0x7e: {  	[spmem:s1] =	stream.indirect.scatter.add.f32 [tilespmem:s21], [sflag:$0x1], $0x10, s3, s22, $0xb8;
	[tilespmem:$0x2E40] =	vst v63  }
0x7f: {  	_ =	swait.ge [sflag:s25], $0x500  }
0x80: {  	[sflag:s25] =	ssyncset.done $0x0  }
0x81: {  	[sflag:s25] =	ssyncadd.s32 $0xFFFFFB00  }
0x82: {  	_ =	swait.ge [sflag:s26], $0x500  }
0x83: {  	[sflag:s26] =	ssyncset.done $0x0  }
0x84: {  	[sflag:s26] =	ssyncadd.s32 $0xFFFFFB00  }
0x85: {  	_ =	swait.ge [sflag:s28], $0x500  }
0x86: {  	[sflag:s28] =	ssyncset.done $0x0  }
0x87: {  	[sflag:s28] =	ssyncadd.s32 $0xFFFFFB00  }
0x88: {  	_ =	swait.ge [sflag:s29], $0x500  }
0x89: {  	s30 =	sadd.s32 $0x1, s30;
	[sflag:s29] =	ssyncset.done $0x0  }
0x8a: {  	p0 =	sne.s32 s30, s14;
	[sflag:s29] =	ssyncadd.s32 $0xFFFFFB00  }
.Ltmp1:
0x8b: {  	[bflag:$0x0] =	sbarrier.arrive $0xFFFF;
	(pc) =	sbr.rel @p0 .LBB2_1-.Ltmp1, $4  }
0x8c: {  	[hbm:s13], [sflag:s8] =	dma.local [spmem:s19], $0x500  }
0x8d: {  	_ =	swait.ge [sflag:s20], $0x500  }
0x8e: {  	[sflag:s20] =	ssyncset.done $0x0  }
0x8f: {  	[sflag:s20] =	ssyncadd.s32 $0xFFFFFB00  }
0x90: {  	_ =	sfence.sel $0x180000  }
0x91: {  	[bflag:$0x0] =	sbarrier.arrive $0xFFFF  }
0x92: {  	_ =	strace $0x90000047  }
0x93: {  	s0 =	stileid.u32;
	[bflag:$0x2] =	sbarrier.arrive $0xFFFF  }
0x94: {  	p0 =	sne.s32 s0, $0x0;
	s0 =	rddreg [dreg:$0x3]  }
0x95: {  	s0 =	sadd.s32 @!p0 $0x100000, s0  }
0x96: {  	[sflag:s0] =	ssyncadd.tile.s32 @!p0 $0x1;
	_ =	shalt  }
.Lfunc_end2:
_tile_overlayer_lowered:
.L_overlay_start_2:
0x97: {  	(tag) =	ssettag $0x2  }
0x98: {  	s0 =	rddreg [dreg:$0x0];
	s2 =	stileid.u32  }
0x99: {  	s1 =	rddreg [dreg:$0x1];
	p0 =	sne.s32 s2, $0x0  }
0x9a: {  	s3 =	rddreg [dreg:$0x2];
	[bflag:$0x3] =	sbarrier.arrive $0xFFFF;
	s2 =	simm.s32 @!p0 $0x1C05  }
0x9b: {  	[timem:s3], [sflag:s2] =	dma.local @!p0 [hbm:s0], s1  }
0x9c: {  	s0 =	simm.s32 @!p0 $0x5  }
0x9d: {  	_ =	swait.ge @!p0 [sflag:s0], s1  }
0x9e: {  	s1 =	ssub.s32 @!p0 $0x0, s1;
	[sflag:s0] =	ssyncset.done @!p0 $0x0  }
0x9f: {  	[sflag:s0] =	ssyncadd.s32 @!p0 s1  }
0xa0: {  	[bflag:$0x3] =	sbarrier.arrive $0xFFFF  }
0xa1: {  	_ =	shalt  }

</sc_bundles>
